<compile_context>
chip_gen: v7x
topology: tpu7x:2x2x1
jax: 0.10.2.dev20260603
libtpu: 0.0.44.dev20260713+nightly
codegen_flags: <defaults>
</compile_context>

<pallas_src>
import functools

import jax
import jax.numpy as jnp
from jax.experimental import pallas as pl
from jax.experimental.pallas import tpu as pltpu
from jax.experimental.pallas import tpu_sc as plsc

N = 10000
E = 320000
G = 64
D_IN = 128
D_EDGE = 16
H1 = 64
H2 = 16
D_OUT = 10

NC = 2
NS = 16
NW = NC * NS
C = 80
NCH = E // NW // C
NCHB = E // NS // C

DA = 128
DC1 = 128
DC2 = 128
HALF = 5120
NPH = 5248
RPSH = NPH // NS
TRASH = 5240

_EPS_DEN = 1e-16
_EPS_LN = 1e-5

_GDN = jax.lax.GatherDimensionNumbers(
    offset_dims=(), collapsed_slice_dims=(0,), start_index_map=(0,))


def _lane_shuffle(v, idx):
    return jax.lax.gather(v, idx[:, None], _GDN, (1,),
                          mode=jax.lax.GatherScatterMode.PROMISE_IN_BOUNDS)


def _lane_sum(v):
    for sh in (8, 4, 2, 1):
        v = v + _lane_shuffle(v, jax.lax.iota(jnp.int32, 16) ^ sh)
    return v


def _make_edgeA(H, scale):
    mesh = plsc.VectorSubcoreMesh(core_axis_name="c", subcore_axis_name="s")
    nh = H // 16
    DC = DA

    @functools.partial(
        pl.kernel,
        mesh=mesh,
        out_type=jax.ShapeDtypeStruct((NW, NCH, C, DC), jnp.float32),
        scratch_types=[
            pltpu.VMEM((NCH, C), jnp.int32),
            pltpu.VMEM((NCH, C), jnp.int32),
            pltpu.VMEM((C, DA), jnp.float32),
            pltpu.VMEM((C, DA), jnp.float32),
            pltpu.VMEM((C, D_EDGE), jnp.float32),
            pltpu.VMEM((C, DC), jnp.float32),
            pltpu.VMEM((16,), jnp.float32),
            pltpu.SemaphoreType.DMA,
            pltpu.SemaphoreType.DMA,
        ],
    )
    def edgeA(dnode, snode, ea4, src3, dst3, bvec_in, out,
              srcv, dstv, drows, srows, eav, contrib, bvec, sem1, sem2):
        cid = jax.lax.axis_index("c")
        sid = jax.lax.axis_index("s")
        wid = sid * NC + cid

        pltpu.sync_copy(src3.at[wid], srcv)
        pltpu.sync_copy(dst3.at[wid], dstv)
        pltpu.sync_copy(bvec_in, bvec)
        b_s = bvec[...]
        lane0 = jnp.where(jax.lax.iota(jnp.int32, 16) == 0, 1.0, 0.0)
        zero16 = jnp.zeros((16,), jnp.float32)

        def zpad(r, carry):
            for c2 in range((DC - H - 32) // 16):
                contrib[r, pl.ds(H + 32 + c2 * 16, 16)] = zero16
            return carry
        jax.lax.fori_loop(0, C, zpad, 0)

        def edge(r, carry):
            al = drows[r, pl.ds(H, 16)] * eav[r, :]
            for c2 in range(nh):
                al = al + (drows[r, pl.ds(c2 * 16, 16)]
                           * srows[r, pl.ds(c2 * 16, 16)])
            ex = jnp.exp(_lane_sum(al) * scale - b_s)
            for c2 in range(nh):
                contrib[r, pl.ds(c2 * 16, 16)] = (
                    ex * srows[r, pl.ds(H + c2 * 16, 16)])
            contrib[r, pl.ds(H, 16)] = ex * eav[r, :]
            contrib[r, pl.ds(H + 16, 16)] = ex * lane0
            return carry

        def chunk(j, carry):
            pltpu.async_copy(dnode.at[dstv.at[j]], drows, sem1).wait()
            pltpu.async_copy(snode.at[srcv.at[j]], srows, sem2).wait()
            pltpu.sync_copy(ea4.at[wid, j], eav)
            jax.lax.fori_loop(0, C, edge, 0)
            pltpu.sync_copy(contrib, out.at[wid, j])
            return carry
        jax.lax.fori_loop(0, NCH, chunk, 0)

    return edgeA


def _make_edgeB(DC):
    mesh = plsc.VectorSubcoreMesh(core_axis_name="c", subcore_axis_name="s")

    @functools.partial(
        pl.kernel,
        mesh=mesh,
        out_type=jax.ShapeDtypeStruct((NC, NPH, DC), jnp.float32),
        scratch_types=[
            pltpu.VMEM((NCHB, C), jnp.int32),
            pltpu.VMEM((C, DC), jnp.float32),
            pltpu.VMEM((C,), jnp.int32),
            pltpu.VMEM_SHARED((NPH, DC), jnp.float32),
            pltpu.SemaphoreType.DMA,
        ],
    )
    def edgeB(cb4, dstb, zrows, out, dstv, rows, idxv, acc, sem):
        cid = jax.lax.axis_index("c")
        sid = jax.lax.axis_index("s")
        base = cid * HALF

        pltpu.sync_copy(dstb.at[sid], dstv)
        pltpu.sync_copy(zrows, acc.at[pl.ds(sid * RPSH, RPSH)])
        plsc.subcore_barrier()

        def chunk(j, carry):
            pltpu.async_copy(cb4.at[sid, j], rows, sem).wait()
            for g in range(C // 16):
                v = dstv[j, pl.ds(g * 16, 16)] - base
                ok = jnp.logical_and(v >= 0, v < HALF)
                idxv[pl.ds(g * 16, 16)] = jnp.where(ok, v, TRASH)
            pltpu.sync_copy(rows, acc.at[idxv], add=True)
            return carry
        jax.lax.fori_loop(0, NCHB, chunk, 0)

        plsc.subcore_barrier()
        pltpu.sync_copy(acc.at[pl.ds(sid * RPSH, RPSH)],
                        out.at[cid, pl.ds(sid * RPSH, RPSH)])

    return edgeB


_edgeA1 = _make_edgeA(H1, 1.0 / 8.0)
_edgeA2 = _make_edgeA(H2, 1.0 / 4.0)
_edgeB1 = _make_edgeB(DC1)
_edgeB2 = _make_edgeB(DC2)


def _eamax_body(ea_ref, out_ref, mx_ref):
    i = pl.program_id(0)
    ea = ea_ref[...]
    m = jnp.max(jnp.sum(ea * ea, axis=1))
    prev = jnp.where(i == 0, -jnp.inf, mx_ref[0])
    mx_ref[0] = jnp.maximum(prev, m)
    @pl.when(i == pl.num_programs(0) - 1)
    def _():
        out_ref[...] = jnp.full((1, 128), mx_ref[0], jnp.float32)


def _eamax(edge_attr):
    return pl.pallas_call(
        _eamax_body,
        grid=(16,),
        in_specs=[pl.BlockSpec((E // 16, D_EDGE), lambda i: (i, 0))],
        out_specs=pl.BlockSpec((1, 128), lambda i: (0, 0)),
        out_shape=jax.ShapeDtypeStruct((1, 128), jnp.float32),
        scratch_shapes=[pltpu.SMEM((4,), jnp.float32)],
    )(edge_attr)


def _prep1_body(x_ref, wq, bq, wk, bk, wv, bv, wet, ws, bs, mea_ref,
                dnode_ref, snode_ref, skip_ref, bvec_ref, mx_ref):
    i = pl.program_id(0)
    xb = x_ref[...]
    q = xb @ wq[...] + bq[...]
    k = xb @ wk[...] + bk[...]
    v = xb @ wv[...] + bv[...]
    qe = q @ wet[...]
    pad = jnp.zeros((q.shape[0], DA - H1 - D_EDGE), jnp.float32)
    dnode_ref[...] = jnp.concatenate([q, qe, pad], axis=1)
    snode_ref[...] = jnp.concatenate([k, v], axis=1)
    skip_ref[...] = xb @ ws[...] + bs[...]
    mq = jnp.max(jnp.sum(q * q, axis=1))
    mk = jnp.max(jnp.sum(k * k, axis=1))
    mqe = jnp.max(jnp.sum(qe * qe, axis=1))
    first = i == 0
    mx_ref[0] = jnp.maximum(jnp.where(first, -jnp.inf, mx_ref[0]), mq)
    mx_ref[1] = jnp.maximum(jnp.where(first, -jnp.inf, mx_ref[1]), mk)
    mx_ref[2] = jnp.maximum(jnp.where(first, -jnp.inf, mx_ref[2]), mqe)
    @pl.when(i == pl.num_programs(0) - 1)
    def _():
        mea = mea_ref[...]
        b = (jnp.sqrt(mx_ref[0] * mx_ref[1]) + jnp.sqrt(mx_ref[2] * mea)) / 8.0
        bvec_ref[...] = b


def _prep1(x, Wq1, bq1, Wk1, bk1, Wv1, bv1, We1T, Ws1, bs1, mea):
    nb = 10
    blk = N // nb
    full = lambda r, c: pl.BlockSpec((r, c), lambda i: (0, 0))
    return pl.pallas_call(
        _prep1_body,
        grid=(nb,),
        in_specs=[
            pl.BlockSpec((blk, D_IN), lambda i: (i, 0)),
            full(D_IN, H1), full(1, H1),
            full(D_IN, H1), full(1, H1),
            full(D_IN, H1), full(1, H1),
            full(H1, D_EDGE),
            full(D_IN, H1), full(1, H1),
            full(1, 128),
        ],
        out_specs=[
            pl.BlockSpec((blk, DA), lambda i: (i, 0)),
            pl.BlockSpec((blk, DA), lambda i: (i, 0)),
            pl.BlockSpec((blk, H1), lambda i: (i, 0)),
            pl.BlockSpec((1, 128), lambda i: (0, 0)),
        ],
        out_shape=[
            jax.ShapeDtypeStruct((N, DA), jnp.float32),
            jax.ShapeDtypeStruct((N, DA), jnp.float32),
            jax.ShapeDtypeStruct((N, H1), jnp.float32),
            jax.ShapeDtypeStruct((1, 128), jnp.float32),
        ],
        scratch_shapes=[pltpu.SMEM((4,), jnp.float32)],
    )(x, Wq1, bq1, Wk1, bk1, Wv1, bv1, We1T, Ws1, bs1, mea)


def _combine1_body(a_ref, we1, skip_ref, g1, be1,
                   wq, bq, wk, bk, wv, bv, wet, ws, bs, mea_ref,
                   dnode_ref, snode_ref, skip2_ref, bvec_ref, mx_ref):
    i = pl.program_id(0)
    a = a_ref[...]
    sv = a[:, :H1]
    sa = a[:, H1:H1 + D_EDGE]
    den = a[:, H1 + D_EDGE:H1 + D_EDGE + 1]
    o = (sv + sa @ we1[...]) / (den + _EPS_DEN) + skip_ref[...]
    mu = jnp.mean(o, axis=1, keepdims=True)
    var = jnp.mean((o - mu) * (o - mu), axis=1, keepdims=True)
    h = (o - mu) / jnp.sqrt(var + _EPS_LN) * g1[...] + be1[...]
    h = jnp.maximum(h, 0.0)
    q = h @ wq[...] + bq[...]
    k = h @ wk[...] + bk[...]
    v = h @ wv[...] + bv[...]
    qe = q @ wet[...]
    padd = jnp.zeros((q.shape[0], DA - H2 - D_EDGE), jnp.float32)
    pads = jnp.zeros((q.shape[0], DA - 2 * H2), jnp.float32)
    dnode_ref[...] = jnp.concatenate([q, qe, padd], axis=1)
    snode_ref[...] = jnp.concatenate([k, v, pads], axis=1)
    skip2_ref[...] = h @ ws[...] + bs[...]
    mq = jnp.max(jnp.sum(q * q, axis=1))
    mk = jnp.max(jnp.sum(k * k, axis=1))
    mqe = jnp.max(jnp.sum(qe * qe, axis=1))
    first = i == 0
    mx_ref[0] = jnp.maximum(jnp.where(first, -jnp.inf, mx_ref[0]), mq)
    mx_ref[1] = jnp.maximum(jnp.where(first, -jnp.inf, mx_ref[1]), mk)
    mx_ref[2] = jnp.maximum(jnp.where(first, -jnp.inf, mx_ref[2]), mqe)
    @pl.when(i == pl.num_programs(0) - 1)
    def _():
        mea = mea_ref[...]
        b = (jnp.sqrt(mx_ref[0] * mx_ref[1]) + jnp.sqrt(mx_ref[2] * mea)) / 4.0
        bvec_ref[...] = b


def _combine1(acc, We1, skip1, g1, be1,
              Wq2, bq2, Wk2, bk2, Wv2, bv2, We2T, Ws2, bs2, mea):
    nb = 10
    blk = N // nb
    full = lambda r, c: pl.BlockSpec((r, c), lambda i: (0, 0))
    return pl.pallas_call(
        _combine1_body,
        grid=(nb,),
        in_specs=[
            pl.BlockSpec((blk, DC1), lambda i: (i, 0)),
            full(D_EDGE, H1),
            pl.BlockSpec((blk, H1), lambda i: (i, 0)),
            full(1, H1), full(1, H1),
            full(H1, H2), full(1, H2),
            full(H1, H2), full(1, H2),
            full(H1, H2), full(1, H2),
            full(H2, D_EDGE),
            full(H1, H2), full(1, H2),
            full(1, 128),
        ],
        out_specs=[
            pl.BlockSpec((blk, DA), lambda i: (i, 0)),
            pl.BlockSpec((blk, DA), lambda i: (i, 0)),
            pl.BlockSpec((blk, H2), lambda i: (i, 0)),
            pl.BlockSpec((1, 128), lambda i: (0, 0)),
        ],
        out_shape=[
            jax.ShapeDtypeStruct((N, DA), jnp.float32),
            jax.ShapeDtypeStruct((N, DA), jnp.float32),
            jax.ShapeDtypeStruct((N, H2), jnp.float32),
            jax.ShapeDtypeStruct((1, 128), jnp.float32),
        ],
        scratch_shapes=[pltpu.SMEM((4,), jnp.float32)],
    )(acc, We1, skip1, g1, be1,
      Wq2, bq2, Wk2, bk2, Wv2, bv2, We2T, Ws2, bs2, mea)


def _final_body(a_ref, we2, skip_ref, g2, be2, batch_ref, wf, bf,
                out_ref):
    a = a_ref[...]
    sv = a[:, :H2]
    sa = a[:, H2:H2 + D_EDGE]
    den = a[:, H2 + D_EDGE:H2 + D_EDGE + 1]
    o = (sv + sa @ we2[...]) / (den + _EPS_DEN) + skip_ref[...]
    mu = jnp.mean(o, axis=1, keepdims=True)
    var = jnp.mean((o - mu) * (o - mu), axis=1, keepdims=True)
    h = (o - mu) / jnp.sqrt(var + _EPS_LN) * g2[...] + be2[...]
    h = jnp.maximum(h, 0.0)
    gids = jax.lax.broadcasted_iota(jnp.int32, (N, G), 1)
    onehot = (batch_ref[...] == gids).astype(jnp.float32)
    sums = jax.lax.dot_general(onehot, h, (((0,), (0,)), ((), ())))
    cnt = jnp.sum(onehot, axis=0)
    z = sums / jnp.maximum(cnt, 1.0)[:, None]
    out_ref[...] = z @ wf[...] + bf[...]


def _final(acc, We2, skip2, g2, be2, batch2d, Wf, bf):
    return pl.pallas_call(
        _final_body,
        out_shape=jax.ShapeDtypeStruct((G, D_OUT), jnp.float32),
    )(acc, We2, skip2, g2, be2, batch2d, Wf, bf)


def kernel(x, edge_index, edge_attr, batch,
           Wq1, bq1, Wk1, bk1, Wv1, bv1, We1, Ws1, bs1, g1, be1,
           Wq2, bq2, Wk2, bk2, Wv2, bv2, We2, Ws2, bs2, g2, be2, Wf, bf):
    src3 = edge_index[0].reshape(NW, NCH, C)
    dst3 = edge_index[1].reshape(NW, NCH, C)
    dstb = edge_index[1].reshape(NS, NCHB, C)
    ea4 = edge_attr.reshape(NW, NCH, C, D_EDGE)
    zrows1 = jnp.zeros((RPSH, DC1), jnp.float32)
    zrows2 = jnp.zeros((RPSH, DC2), jnp.float32)

    mea = _eamax(edge_attr)
    dnode1, snode1, skip1, bvec1 = _prep1(
        x, Wq1, bq1[None, :], Wk1, bk1[None, :], Wv1, bv1[None, :],
        We1.T, Ws1, bs1[None, :], mea)

    cb1 = _edgeA1(dnode1, snode1, ea4, src3, dst3, bvec1[0, :16])
    accB1 = _edgeB1(cb1.reshape(NS, NCHB, C, DC1), dstb, zrows1)
    acc1 = jnp.concatenate([accB1[0, :HALF], accB1[1, :N - HALF]], axis=0)

    dnode2, snode2, skip2, bvec2 = _combine1(
        acc1, We1, skip1, g1[None, :], be1[None, :],
        Wq2, bq2[None, :], Wk2, bk2[None, :], Wv2, bv2[None, :],
        We2.T, Ws2, bs2[None, :], mea)

    cb2 = _edgeA2(dnode2, snode2, ea4, src3, dst3, bvec2[0, :16])
    accB2 = _edgeB2(cb2.reshape(NS, NCHB, C, DC2), dstb, zrows2)
    acc2 = jnp.concatenate([accB2[0, :HALF], accB2[1, :N - HALF]], axis=0)

    return _final(acc2, We2, skip2,
                  g2[None, :], be2[None, :], batch.reshape(N, 1), Wf, bf[None, :])

# --- scband reference (transcript-rebuilt; emitter-appended) ---
"""Pipeline reference for scband-mosgen-27797028339918 (READ-ONLY COPY).

The authoritative reference and input builder live on the scoring server;
editing this copy changes nothing except your own understanding.
"""

import jax, jax.numpy as jnp
import numpy as np

N = 10000
E = 320000
G = 64
D_IN = 128
D_EDGE = 16
H1 = 64
H2 = 16
D_OUT = 10

def _lin_init(k, fi, fo):
    return jax.random.normal(k, (fi, fo), dtype=jnp.float32) / np.sqrt(fi)

def setup_inputs(seed: int = 0):
    key = jax.random.key(seed)
    ks = jax.random.split(key, 32)
    inp = {}
    inp["x"] = jax.random.normal(ks[0], (N, D_IN), dtype=jnp.float32)
    inp["edge_index"] = jax.random.randint(ks[1], (2, E), 0, N, dtype=jnp.int32)
    inp["edge_attr"] = jax.random.normal(ks[2], (E, D_EDGE), dtype=jnp.float32)
    inp["batch"] = jnp.sort(jax.random.randint(ks[3], (N,), 0, G, dtype=jnp.int32))
    inp["Wq1"] = _lin_init(ks[4], D_IN, H1); inp["bq1"] = jnp.zeros((H1,), jnp.float32)
    inp["Wk1"] = _lin_init(ks[5], D_IN, H1); inp["bk1"] = jnp.zeros((H1,), jnp.float32)
    inp["Wv1"] = _lin_init(ks[6], D_IN, H1); inp["bv1"] = jnp.zeros((H1,), jnp.float32)
    inp["We1"] = _lin_init(ks[7], D_EDGE, H1)
    inp["Ws1"] = _lin_init(ks[8], D_IN, H1); inp["bs1"] = jnp.zeros((H1,), jnp.float32)
    inp["g1"] = jnp.ones((H1,), jnp.float32); inp["be1"] = jnp.zeros((H1,), jnp.float32)
    inp["Wq2"] = _lin_init(ks[9], H1, H2); inp["bq2"] = jnp.zeros((H2,), jnp.float32)
    inp["Wk2"] = _lin_init(ks[10], H1, H2); inp["bk2"] = jnp.zeros((H2,), jnp.float32)
    inp["Wv2"] = _lin_init(ks[11], H1, H2); inp["bv2"] = jnp.zeros((H2,), jnp.float32)
    inp["We2"] = _lin_init(ks[12], D_EDGE, H2)
    inp["Ws2"] = _lin_init(ks[13], H1, H2); inp["bs2"] = jnp.zeros((H2,), jnp.float32)
    inp["g2"] = jnp.ones((H2,), jnp.float32); inp["be2"] = jnp.zeros((H2,), jnp.float32)
    inp["Wf"] = _lin_init(ks[14], H2, D_OUT); inp["bf"] = jnp.zeros((D_OUT,), jnp.float32)
    return inp

def _tconv(x, edge_index, edge_attr, Wq, bq, Wk, bk, Wv, bv, We, Ws, bs, out_ch):
    # PyG TransformerConv, heads=1, concat=True, root_weight=True, beta=False
    src = edge_index[0]
    dst = edge_index[1]
    n = x.shape[0]
    q = x @ Wq + bq
    k = x @ Wk + bk
    v = x @ Wv + bv
    e = edge_attr @ We
    k_j = k[src] + e
    v_j = v[src] + e
    alpha = jnp.sum(q[dst] * k_j, axis=-1) / jnp.sqrt(float(out_ch))
    amax = jax.lax.stop_gradient(jax.ops.segment_max(alpha, dst, num_segments=n))
    amax = jnp.where(jnp.isfinite(amax), amax, 0.0)
    ex = jnp.exp(alpha - amax[dst])
    denom = jax.ops.segment_sum(ex, dst, num_segments=n)
    w = ex / (denom[dst] + 1e-16)
    out = jax.ops.segment_sum(v_j * w[:, None], dst, num_segments=n)
    return out + (x @ Ws + bs)

def _ln(h, g, b):
    mu = jnp.mean(h, axis=-1, keepdims=True)
    var = jnp.var(h, axis=-1, keepdims=True)
    return (h - mu) / jnp.sqrt(var + 1e-5) * g + b

def reference(x, edge_index, edge_attr, batch, Wq1, bq1, Wk1, bk1, Wv1, bv1, We1, Ws1, bs1, g1, be1, Wq2, bq2, Wk2, bk2, Wv2, bv2, We2, Ws2, bs2, g2, be2, Wf, bf):
    h = _tconv(x, edge_index, edge_attr, Wq1, bq1, Wk1, bk1, Wv1, bv1, We1, Ws1, bs1, H1)
    h = jax.nn.relu(_ln(h, g1, be1))
    h = _tconv(h, edge_index, edge_attr, Wq2, bq2, Wk2, bk2, Wv2, bv2, We2, Ws2, bs2, H2)
    h = jax.nn.relu(_ln(h, g2, be2))
    sums = jax.ops.segment_sum(h, batch, num_segments=G)
    cnt = jax.ops.segment_sum(jnp.ones((h.shape[0],), jnp.float32), batch, num_segments=G)
    z = sums / jnp.maximum(cnt, 1.0)[:, None]
    return z @ Wf + bf

if __name__ == "__main__":
    import jax
    _d = setup_inputs()
    print(jax.jit(kernel)(*tuple(_d.values())))

</pallas_src>

<mosaic_0001>
#map = affine_map<(d0, d1) -> (0, 0)>
#map1 = affine_map<(d0, d1) -> (0, 0, 0, 0)>
#map2 = affine_map<(d0, d1) -> (0, 0, 0)>
#map3 = affine_map<(d0, d1) -> (0)>
module attributes {stable_mosaic.version = 14 : i64} {
  func.func @edgeA(%arg0: i32, %arg1: i32, %arg2: memref<10000x128xf32, #tpu.memory_space<hbm>>, %arg3: memref<10000x128xf32, #tpu.memory_space<hbm>>, %arg4: memref<32x125x80x16xf32, #tpu.memory_space<hbm>>, %arg5: memref<32x125x80xi32, #tpu.memory_space<hbm>>, %arg6: memref<32x125x80xi32, #tpu.memory_space<hbm>>, %arg7: memref<16xf32, #tpu.memory_space<hbm>>, %arg8: memref<32x125x80x128xf32, #tpu.memory_space<hbm>>, %arg9: memref<125x80xi32, #tpu.memory_space<vmem>>, %arg10: memref<125x80xi32, #tpu.memory_space<vmem>>, %arg11: memref<80x128xf32, #tpu.memory_space<vmem>>, %arg12: memref<80x128xf32, #tpu.memory_space<vmem>>, %arg13: memref<80x16xf32, #tpu.memory_space<vmem>>, %arg14: memref<80x128xf32, #tpu.memory_space<vmem>>, %arg15: memref<16xf32, #tpu.memory_space<vmem>>, %arg16: memref<!tpu.dma_semaphore, #tpu.memory_space<semaphore_mem>>, %arg17: memref<!tpu.dma_semaphore, #tpu.memory_space<semaphore_mem>>) attributes {dimension_semantics = [#tpu.dimension_semantics<core_parallel>, #tpu.dimension_semantics<subcore_parallel>], iteration_bounds = array<i64: 2, 16>, scalar_prefetch = 0 : i64, scratch_operands = 9 : i64, tpu.core_type = #tpu.core_type<sc_vector_subcore>, window_params = [{transform_indices = #map}, {transform_indices = #map}, {transform_indices = #map1}, {transform_indices = #map2}, {transform_indices = #map2}, {transform_indices = #map3}, {transform_indices = #map1}]} {
    %mul3A = arith.constant 2 : i32
    %mul3A_0 = arith.muli %arg1, %mul3A : i32
    %add3A = arith.addi %mul3A_0, %arg0 : i32
    "tpu.region"() ({
      %run_scoped3A = tpu.sem_alloc : memref<!tpu.dma_semaphore, #tpu.memory_space<semaphore_mem>>
      %dma_start3A = arith.constant 0 : i32
      %dma_start3A_20 = arith.constant 0 : i32
      %dma_start3A_21 = tpu.memref_slice %arg5[%add3A, %dma_start3A, %dma_start3A_20] : memref<32x125x80xi32, #tpu.memory_space<hbm>> -> memref<1x125x80xi32, #tpu.memory_space<hbm>>
      %dma_start3A_22 = tpu.memref_squeeze %dma_start3A_21 : memref<1x125x80xi32, #tpu.memory_space<hbm>> -> memref<125x80xi32, #tpu.memory_space<hbm>>
      %dma_start3A_23 = arith.constant 0 : i32
      %dma_start3A_24 = arith.constant 0 : i32
      %dma_start3A_25 = tpu.memref_slice %arg5[%add3A, %dma_start3A_23, %dma_start3A_24] : memref<32x125x80xi32, #tpu.memory_space<hbm>> -> memref<1x125x80xi32, #tpu.memory_space<hbm>>
      %dma_start3A_26 = tpu.memref_squeeze %dma_start3A_25 : memref<1x125x80xi32, #tpu.memory_space<hbm>> -> memref<125x80xi32, #tpu.memory_space<hbm>>
      tpu.enqueue_dma source(%dma_start3A_26 : memref<125x80xi32, #tpu.memory_space<hbm>>) target(%arg9 : memref<125x80xi32, #tpu.memory_space<vmem>>) target_semaphore(%run_scoped3A : memref<!tpu.dma_semaphore, #tpu.memory_space<semaphore_mem>>)
      %dma_wait3A = arith.constant 0 : i32
      %dma_wait3A_27 = arith.constant 0 : i32
      %dma_wait3A_28 = tpu.memref_slice %arg5[%add3A, %dma_wait3A, %dma_wait3A_27] : memref<32x125x80xi32, #tpu.memory_space<hbm>> -> memref<1x125x80xi32, #tpu.memory_space<hbm>>
      %dma_wait3A_29 = tpu.memref_squeeze %dma_wait3A_28 : memref<1x125x80xi32, #tpu.memory_space<hbm>> -> memref<125x80xi32, #tpu.memory_space<hbm>>
      %dma_wait3A_30 = arith.constant 0 : i32
      %dma_wait3A_31 = arith.constant 0 : i32
      %dma_wait3A_32 = tpu.memref_slice %arg5[%add3A, %dma_wait3A_30, %dma_wait3A_31] : memref<32x125x80xi32, #tpu.memory_space<hbm>> -> memref<1x125x80xi32, #tpu.memory_space<hbm>>
      %dma_wait3A_33 = tpu.memref_squeeze %dma_wait3A_32 : memref<1x125x80xi32, #tpu.memory_space<hbm>> -> memref<125x80xi32, #tpu.memory_space<hbm>>
      tpu.wait_dma2 semaphore(%run_scoped3A : memref<!tpu.dma_semaphore, #tpu.memory_space<semaphore_mem>>) src(%dma_wait3A_33 : memref<125x80xi32, #tpu.memory_space<hbm>>) dst(%arg9 : memref<125x80xi32, #tpu.memory_space<vmem>>)
      tpu.yield
    }) : () -> ()
    "tpu.region"() ({
      %run_scoped3A = tpu.sem_alloc : memref<!tpu.dma_semaphore, #tpu.memory_space<semaphore_mem>>
      %dma_start3A = arith.constant 0 : i32
      %dma_start3A_20 = arith.constant 0 : i32
      %dma_start3A_21 = tpu.memref_slice %arg6[%add3A, %dma_start3A, %dma_start3A_20] : memref<32x125x80xi32, #tpu.memory_space<hbm>> -> memref<1x125x80xi32, #tpu.memory_space<hbm>>
      %dma_start3A_22 = tpu.memref_squeeze %dma_start3A_21 : memref<1x125x80xi32, #tpu.memory_space<hbm>> -> memref<125x80xi32, #tpu.memory_space<hbm>>
      %dma_start3A_23 = arith.constant 0 : i32
      %dma_start3A_24 = arith.constant 0 : i32
      %dma_start3A_25 = tpu.memref_slice %arg6[%add3A, %dma_start3A_23, %dma_start3A_24] : memref<32x125x80xi32, #tpu.memory_space<hbm>> -> memref<1x125x80xi32, #tpu.memory_space<hbm>>
      %dma_start3A_26 = tpu.memref_squeeze %dma_start3A_25 : memref<1x125x80xi32, #tpu.memory_space<hbm>> -> memref<125x80xi32, #tpu.memory_space<hbm>>
      tpu.enqueue_dma source(%dma_start3A_26 : memref<125x80xi32, #tpu.memory_space<hbm>>) target(%arg10 : memref<125x80xi32, #tpu.memory_space<vmem>>) target_semaphore(%run_scoped3A : memref<!tpu.dma_semaphore, #tpu.memory_space<semaphore_mem>>)
      %dma_wait3A = arith.constant 0 : i32
      %dma_wait3A_27 = arith.constant 0 : i32
      %dma_wait3A_28 = tpu.memref_slice %arg6[%add3A, %dma_wait3A, %dma_wait3A_27] : memref<32x125x80xi32, #tpu.memory_space<hbm>> -> memref<1x125x80xi32, #tpu.memory_space<hbm>>
      %dma_wait3A_29 = tpu.memref_squeeze %dma_wait3A_28 : memref<1x125x80xi32, #tpu.memory_space<hbm>> -> memref<125x80xi32, #tpu.memory_space<hbm>>
      %dma_wait3A_30 = arith.constant 0 : i32
      %dma_wait3A_31 = arith.constant 0 : i32
      %dma_wait3A_32 = tpu.memref_slice %arg6[%add3A, %dma_wait3A_30, %dma_wait3A_31] : memref<32x125x80xi32, #tpu.memory_space<hbm>> -> memref<1x125x80xi32, #tpu.memory_space<hbm>>
      %dma_wait3A_33 = tpu.memref_squeeze %dma_wait3A_32 : memref<1x125x80xi32, #tpu.memory_space<hbm>> -> memref<125x80xi32, #tpu.memory_space<hbm>>
      tpu.wait_dma2 semaphore(%run_scoped3A : memref<!tpu.dma_semaphore, #tpu.memory_space<semaphore_mem>>) src(%dma_wait3A_33 : memref<125x80xi32, #tpu.memory_space<hbm>>) dst(%arg10 : memref<125x80xi32, #tpu.memory_space<vmem>>)
      tpu.yield
    }) : () -> ()
    "tpu.region"() ({
      %run_scoped3A = tpu.sem_alloc : memref<!tpu.dma_semaphore, #tpu.memory_space<semaphore_mem>>
      tpu.enqueue_dma source(%arg7 : memref<16xf32, #tpu.memory_space<hbm>>) target(%arg15 : memref<16xf32, #tpu.memory_space<vmem>>) target_semaphore(%run_scoped3A : memref<!tpu.dma_semaphore, #tpu.memory_space<semaphore_mem>>)
      tpu.wait_dma2 semaphore(%run_scoped3A : memref<!tpu.dma_semaphore, #tpu.memory_space<semaphore_mem>>) src(%arg7 : memref<16xf32, #tpu.memory_space<hbm>>) dst(%arg15 : memref<16xf32, #tpu.memory_space<vmem>>)
      tpu.yield
    }) : () -> ()
    %get3A = arith.constant 0 : index
    %get3A_1 = tpu.vector_load %arg15[%get3A] {strides = array<i32>} : memref<16xf32, #tpu.memory_space<vmem>>, vector<16xf32>,
    %get3A_2 = vector.shape_cast %get3A_1 : vector<16xf32> to vector<16xf32>
    %iota3A = tpu.iota {dimensions = array<i32: 0>} : vector<16xi32>
    %eq3A = arith.constant 0 : i32
    %eq3A_3 = vector.broadcast %eq3A : i32 to vector<16xi32>
    %eq3A_4 = arith.cmpi eq, %iota3A, %eq3A_3 : vector<16xi32>
    %jit3A = arith.constant 1.000000e+00 : f32
    %jit3A_5 = arith.constant 0.000000e+00 : f32
    %broadcast_in_dim3A = vector.broadcast %jit3A : f32 to vector<16xf32>
    %broadcast_in_dim3A_6 = vector.broadcast %jit3A_5 : f32 to vector<16xf32>
    %select_n3A = arith.select %eq3A_4, %broadcast_in_dim3A, %broadcast_in_dim3A_6 : vector<16xi1>, vector<16xf32>
    %broadcast_in_dim3A_7 = arith.constant 0.000000e+00 : f32
    %broadcast_in_dim3A_8 = vector.broadcast %broadcast_in_dim3A_7 : f32 to vector<16xf32>
    %scan3A = arith.constant 0 : i32
    %scan3A_9 = arith.constant 0 : i32
    %scan3A_10 = arith.constant 80 : i32
    %scan3A_11 = arith.addi %scan3A_9, %scan3A_10 : i32
    %scan3A_12 = arith.constant 1 : i32
    scf.for %scan3A_20 = %scan3A_9 to %scan3A_11 step %scan3A_12  : i32 {
      %swap3A = arith.index_cast %scan3A_20 : i32 to index
      %swap3A_21 = arith.constant 48 : index
      %swap3A_22 = tpu.vector_load %arg14[%swap3A, %swap3A_21] {strides = array<i32>} : memref<80x128xf32, #tpu.memory_space<vmem>>, vector<1x16xf32>,
      %swap3A_23 = vector.shape_cast %swap3A_22 : vector<1x16xf32> to vector<16xf32>
      %swap3A_24 = vector.shape_cast %broadcast_in_dim3A_8 : vector<16xf32> to vector<1x16xf32>
      tpu.vector_store %arg14[%swap3A, %swap3A_21], %swap3A_24 {strides = array<i32>} : memref<80x128xf32, #tpu.memory_space<vmem>>, vector<1x16xf32>,
      %swap3A_25 = arith.index_cast %scan3A_20 : i32 to index
      %swap3A_26 = arith.constant 64 : index
      %swap3A_27 = tpu.vector_load %arg14[%swap3A_25, %swap3A_26] {strides = array<i32>} : memref<80x128xf32, #tpu.memory_space<vmem>>, vector<1x16xf32>,
      %swap3A_28 = vector.shape_cast %swap3A_27 : vector<1x16xf32> to vector<16xf32>
      %swap3A_29 = vector.shape_cast %broadcast_in_dim3A_8 : vector<16xf32> to vector<1x16xf32>
      tpu.vector_store %arg14[%swap3A_25, %swap3A_26], %swap3A_29 {strides = array<i32>} : memref<80x128xf32, #tpu.memory_space<vmem>>, vector<1x16xf32>,
      %swap3A_30 = arith.index_cast %scan3A_20 : i32 to index
      %swap3A_31 = arith.constant 80 : index
      %swap3A_32 = tpu.vector_load %arg14[%swap3A_30, %swap3A_31] {strides = array<i32>} : memref<80x128xf32, #tpu.memory_space<vmem>>, vector<1x16xf32>,
      %swap3A_33 = vector.shape_cast %swap3A_32 : vector<1x16xf32> to vector<16xf32>
      %swap3A_34 = vector.shape_cast %broadcast_in_dim3A_8 : vector<16xf32> to vector<1x16xf32>
      tpu.vector_store %arg14[%swap3A_30, %swap3A_31], %swap3A_34 {strides = array<i32>} : memref<80x128xf32, #tpu.memory_space<vmem>>, vector<1x16xf32>,
      %swap3A_35 = arith.index_cast %scan3A_20 : i32 to index
      %swap3A_36 = arith.constant 96 : index
      %swap3A_37 = tpu.vector_load %arg14[%swap3A_35, %swap3A_36] {strides = array<i32>} : memref<80x128xf32, #tpu.memory_space<vmem>>, vector<1x16xf32>,
      %swap3A_38 = vector.shape_cast %swap3A_37 : vector<1x16xf32> to vector<16xf32>
      %swap3A_39 = vector.shape_cast %broadcast_in_dim3A_8 : vector<16xf32> to vector<1x16xf32>
      tpu.vector_store %arg14[%swap3A_35, %swap3A_36], %swap3A_39 {strides = array<i32>} : memref<80x128xf32, #tpu.memory_space<vmem>>, vector<1x16xf32>,
      %swap3A_40 = arith.index_cast %scan3A_20 : i32 to index
      %swap3A_41 = arith.constant 112 : index
      %swap3A_42 = tpu.vector_load %arg14[%swap3A_40, %swap3A_41] {strides = array<i32>} : memref<80x128xf32, #tpu.memory_space<vmem>>, vector<1x16xf32>,
      %swap3A_43 = vector.shape_cast %swap3A_42 : vector<1x16xf32> to vector<16xf32>
      %swap3A_44 = vector.shape_cast %broadcast_in_dim3A_8 : vector<16xf32> to vector<1x16xf32>
      tpu.vector_store %arg14[%swap3A_40, %swap3A_41], %swap3A_44 {strides = array<i32>} : memref<80x128xf32, #tpu.memory_space<vmem>>, vector<1x16xf32>,
    }
    %scan3A_13 = arith.constant 80 : i32
    %scan3A_14 = arith.constant 0 : i32
    %scan3A_15 = arith.constant 0 : i32
    %scan3A_16 = arith.constant 125 : i32
    %scan3A_17 = arith.addi %scan3A_15, %scan3A_16 : i32
    %scan3A_18 = arith.constant 1 : i32
    scf.for %scan3A_20 = %scan3A_15 to %scan3A_17 step %scan3A_18  : i32 {
      %dma_start3A = arith.constant 0 : i32
      %dma_start3A_21 = tpu.memref_slice %arg10[%scan3A_20, %dma_start3A] : memref<125x80xi32, #tpu.memory_space<vmem>> -> memref<1x80xi32, #tpu.memory_space<vmem>>
      %dma_start3A_22 = tpu.memref_squeeze %dma_start3A_21 : memref<1x80xi32, #tpu.memory_space<vmem>> -> memref<80xi32, #tpu.memory_space<vmem>>
      %dma_start3A_23 = arith.constant 0 : i32
      %dma_start3A_24 = arith.constant 0 : i32
      %dma_start3A_25 = tpu.memref_slice %arg2[%dma_start3A_23, %dma_start3A_24] : memref<10000x128xf32, #tpu.memory_space<hbm>> -> memref<10000x128xf32, #tpu.memory_space<hbm>>
      tpu.enqueue_indirect_dma source(%dma_start3A_25 : memref<10000x128xf32, #tpu.memory_space<hbm>>) target(%arg11 : memref<80x128xf32, #tpu.memory_space<vmem>>) offsets(%dma_start3A_22 : memref<80xi32, #tpu.memory_space<vmem>>) semaphore(%arg16 : memref<!tpu.dma_semaphore, #tpu.memory_space<semaphore_mem>>)
      %dma_wait3A = arith.constant 0 : i32
      %dma_wait3A_26 = tpu.memref_slice %arg10[%scan3A_20, %dma_wait3A] : memref<125x80xi32, #tpu.memory_space<vmem>> -> memref<1x80xi32, #tpu.memory_space<vmem>>
      %dma_wait3A_27 = tpu.memref_squeeze %dma_wait3A_26 : memref<1x80xi32, #tpu.memory_space<vmem>> -> memref<80xi32, #tpu.memory_space<vmem>>
      %dma_wait3A_28 = arith.constant 0 : i32
      %dma_wait3A_29 = arith.constant 0 : i32
      %dma_wait3A_30 = tpu.memref_slice %arg2[%dma_wait3A_28, %dma_wait3A_29] : memref<10000x128xf32, #tpu.memory_space<hbm>> -> memref<10000x128xf32, #tpu.memory_space<hbm>>
      tpu.wait_indirect_dma semaphore(%arg16 : memref<!tpu.dma_semaphore, #tpu.memory_space<semaphore_mem>>) src(%dma_wait3A_30 : memref<10000x128xf32, #tpu.memory_space<hbm>>) dst(%arg11 : memref<80x128xf32, #tpu.memory_space<vmem>>)
      %dma_start3A_31 = arith.constant 0 : i32
      %dma_start3A_32 = tpu.memref_slice %arg9[%scan3A_20, %dma_start3A_31] : memref<125x80xi32, #tpu.memory_space<vmem>> -> memref<1x80xi32, #tpu.memory_space<vmem>>
      %dma_start3A_33 = tpu.memref_squeeze %dma_start3A_32 : memref<1x80xi32, #tpu.memory_space<vmem>> -> memref<80xi32, #tpu.memory_space<vmem>>
      %dma_start3A_34 = arith.constant 0 : i32
      %dma_start3A_35 = arith.constant 0 : i32
      %dma_start3A_36 = tpu.memref_slice %arg3[%dma_start3A_34, %dma_start3A_35] : memref<10000x128xf32, #tpu.memory_space<hbm>> -> memref<10000x128xf32, #tpu.memory_space<hbm>>
      tpu.enqueue_indirect_dma source(%dma_start3A_36 : memref<10000x128xf32, #tpu.memory_space<hbm>>) target(%arg12 : memref<80x128xf32, #tpu.memory_space<vmem>>) offsets(%dma_start3A_33 : memref<80xi32, #tpu.memory_space<vmem>>) semaphore(%arg17 : memref<!tpu.dma_semaphore, #tpu.memory_space<semaphore_mem>>)
      %dma_wait3A_37 = arith.constant 0 : i32
      %dma_wait3A_38 = tpu.memref_slice %arg9[%scan3A_20, %dma_wait3A_37] : memref<125x80xi32, #tpu.memory_space<vmem>> -> memref<1x80xi32, #tpu.memory_space<vmem>>
      %dma_wait3A_39 = tpu.memref_squeeze %dma_wait3A_38 : memref<1x80xi32, #tpu.memory_space<vmem>> -> memref<80xi32, #tpu.memory_space<vmem>>
      %dma_wait3A_40 = arith.constant 0 : i32
      %dma_wait3A_41 = arith.constant 0 : i32
      %dma_wait3A_42 = tpu.memref_slice %arg3[%dma_wait3A_40, %dma_wait3A_41] : memref<10000x128xf32, #tpu.memory_space<hbm>> -> memref<10000x128xf32, #tpu.memory_space<hbm>>
      tpu.wait_indirect_dma semaphore(%arg17 : memref<!tpu.dma_semaphore, #tpu.memory_space<semaphore_mem>>) src(%dma_wait3A_42 : memref<10000x128xf32, #tpu.memory_space<hbm>>) dst(%arg12 : memref<80x128xf32, #tpu.memory_space<vmem>>)
      "tpu.region"() ({
        %run_scoped3A = tpu.sem_alloc : memref<!tpu.dma_semaphore, #tpu.memory_space<semaphore_mem>>
        %dma_start3A_49 = arith.constant 0 : i32
        %dma_start3A_50 = arith.constant 0 : i32
        %dma_start3A_51 = tpu.memref_slice %arg4[%add3A, %scan3A_20, %dma_start3A_49, %dma_start3A_50] : memref<32x125x80x16xf32, #tpu.memory_space<hbm>> -> memref<1x1x80x16xf32, #tpu.memory_space<hbm>>
        %dma_start3A_52 = tpu.memref_squeeze %dma_start3A_51 : memref<1x1x80x16xf32, #tpu.memory_space<hbm>> -> memref<80x16xf32, #tpu.memory_space<hbm>>
        %dma_start3A_53 = arith.constant 0 : i32
        %dma_start3A_54 = arith.constant 0 : i32
        %dma_start3A_55 = tpu.memref_slice %arg4[%add3A, %scan3A_20, %dma_start3A_53, %dma_start3A_54] : memref<32x125x80x16xf32, #tpu.memory_space<hbm>> -> memref<1x1x80x16xf32, #tpu.memory_space<hbm>>
        %dma_start3A_56 = tpu.memref_squeeze %dma_start3A_55 : memref<1x1x80x16xf32, #tpu.memory_space<hbm>> -> memref<80x16xf32, #tpu.memory_space<hbm>>
        tpu.enqueue_dma source(%dma_start3A_56 : memref<80x16xf32, #tpu.memory_space<hbm>>) target(%arg13 : memref<80x16xf32, #tpu.memory_space<vmem>>) target_semaphore(%run_scoped3A : memref<!tpu.dma_semaphore, #tpu.memory_space<semaphore_mem>>)
        %dma_wait3A_57 = arith.constant 0 : i32
        %dma_wait3A_58 = arith.constant 0 : i32
        %dma_wait3A_59 = tpu.memref_slice %arg4[%add3A, %scan3A_20, %dma_wait3A_57, %dma_wait3A_58] : memref<32x125x80x16xf32, #tpu.memory_space<hbm>> -> memref<1x1x80x16xf32, #tpu.memory_space<hbm>>
        %dma_wait3A_60 = tpu.memref_squeeze %dma_wait3A_59 : memref<1x1x80x16xf32, #tpu.memory_space<hbm>> -> memref<80x16xf32, #tpu.memory_space<hbm>>
        %dma_wait3A_61 = arith.constant 0 : i32
        %dma_wait3A_62 = arith.constant 0 : i32
        %dma_wait3A_63 = tpu.memref_slice %arg4[%add3A, %scan3A_20, %dma_wait3A_61, %dma_wait3A_62] : memref<32x125x80x16xf32, #tpu.memory_space<hbm>> -> memref<1x1x80x16xf32, #tpu.memory_space<hbm>>
        %dma_wait3A_64 = tpu.memref_squeeze %dma_wait3A_63 : memref<1x1x80x16xf32, #tpu.memory_space<hbm>> -> memref<80x16xf32, #tpu.memory_space<hbm>>
        tpu.wait_dma2 semaphore(%run_scoped3A : memref<!tpu.dma_semaphore, #tpu.memory_space<semaphore_mem>>) src(%dma_wait3A_64 : memref<80x16xf32, #tpu.memory_space<hbm>>) dst(%arg13 : memref<80x16xf32, #tpu.memory_space<vmem>>)
        tpu.yield
      }) : () -> ()
      %scan3A_43 = arith.constant 0 : i32
      %scan3A_44 = arith.constant 0 : i32
      %scan3A_45 = arith.constant 80 : i32
      %scan3A_46 = arith.addi %scan3A_44, %scan3A_45 : i32
      %scan3A_47 = arith.constant 1 : i32
      scf.for %scan3A_49 = %scan3A_44 to %scan3A_46 step %scan3A_47  : i32 {
        %get3A_50 = arith.index_cast %scan3A_49 : i32 to index
        %get3A_51 = arith.constant 16 : index
        %get3A_52 = tpu.vector_load %arg11[%get3A_50, %get3A_51] {strides = array<i32>} : memref<80x128xf32, #tpu.memory_space<vmem>>, vector<1x16xf32>,
        %get3A_53 = vector.shape_cast %get3A_52 : vector<1x16xf32> to vector<16xf32>
        %get3A_54 = arith.index_cast %scan3A_49 : i32 to index
        %get3A_55 = arith.constant 0 : index
        %get3A_56 = tpu.vector_load %arg13[%get3A_54, %get3A_55] {strides = array<i32>} : memref<80x16xf32, #tpu.memory_space<vmem>>, vector<1x16xf32>,
        %get3A_57 = vector.shape_cast %get3A_56 : vector<1x16xf32> to vector<16xf32>
        %mul3A_58 = arith.mulf %get3A_53, %get3A_57 : vector<16xf32>
        %get3A_59 = arith.index_cast %scan3A_49 : i32 to index
        %get3A_60 = arith.constant 0 : index
        %get3A_61 = tpu.vector_load %arg11[%get3A_59, %get3A_60] {strides = array<i32>} : memref<80x128xf32, #tpu.memory_space<vmem>>, vector<1x16xf32>,
        %get3A_62 = vector.shape_cast %get3A_61 : vector<1x16xf32> to vector<16xf32>
        %get3A_63 = arith.index_cast %scan3A_49 : i32 to index
        %get3A_64 = arith.constant 0 : index
        %get3A_65 = tpu.vector_load %arg12[%get3A_63, %get3A_64] {strides = array<i32>} : memref<80x128xf32, #tpu.memory_space<vmem>>, vector<1x16xf32>,
        %get3A_66 = vector.shape_cast %get3A_65 : vector<1x16xf32> to vector<16xf32>
        %mul3A_67 = arith.mulf %get3A_62, %get3A_66 : vector<16xf32>
        %add3A_68 = arith.addf %mul3A_58, %mul3A_67 : vector<16xf32>
        %iota3A_69 = tpu.iota {dimensions = array<i32: 0>} : vector<16xi32>
        %xor3A = arith.constant 8 : i32
        %xor3A_70 = vector.broadcast %xor3A : i32 to vector<16xi32>
        %xor3A_71 = arith.xori %iota3A_69, %xor3A_70 : vector<16xi32>
        %broadcast_in_dim3A_72 = vector.shape_cast %xor3A_71 : vector<16xi32> to vector<16x1xi32>
        %gather3A = vector.shape_cast %broadcast_in_dim3A_72 : vector<16x1xi32> to vector<16xi32>
        %gather3A_73 = tpu.dynamic_gather %add3A_68[%gather3A] in [0] : vector<16xf32>, vector<16xi32> -> vector<16xf32>
        %add3A_74 = arith.addf %add3A_68, %gather3A_73 : vector<16xf32>
        %iota3A_75 = tpu.iota {dimensions = array<i32: 0>} : vector<16xi32>
        %xor3A_76 = arith.constant 4 : i32
        %xor3A_77 = vector.broadcast %xor3A_76 : i32 to vector<16xi32>
        %xor3A_78 = arith.xori %iota3A_75, %xor3A_77 : vector<16xi32>
        %broadcast_in_dim3A_79 = vector.shape_cast %xor3A_78 : vector<16xi32> to vector<16x1xi32>
        %gather3A_80 = vector.shape_cast %broadcast_in_dim3A_79 : vector<16x1xi32> to vector<16xi32>
        %gather3A_81 = tpu.dynamic_gather %add3A_74[%gather3A_80] in [0] : vector<16xf32>, vector<16xi32> -> vector<16xf32>
        %add3A_82 = arith.addf %add3A_74, %gather3A_81 : vector<16xf32>
        %iota3A_83 = tpu.iota {dimensions = array<i32: 0>} : vector<16xi32>
        %xor3A_84 = arith.constant 2 : i32
        %xor3A_85 = vector.broadcast %xor3A_84 : i32 to vector<16xi32>
        %xor3A_86 = arith.xori %iota3A_83, %xor3A_85 : vector<16xi32>
        %broadcast_in_dim3A_87 = vector.shape_cast %xor3A_86 : vector<16xi32> to vector<16x1xi32>
        %gather3A_88 = vector.shape_cast %broadcast_in_dim3A_87 : vector<16x1xi32> to vector<16xi32>
        %gather3A_89 = tpu.dynamic_gather %add3A_82[%gather3A_88] in [0] : vector<16xf32>, vector<16xi32> -> vector<16xf32>
        %add3A_90 = arith.addf %add3A_82, %gather3A_89 : vector<16xf32>
        %iota3A_91 = tpu.iota {dimensions = array<i32: 0>} : vector<16xi32>
        %xor3A_92 = arith.constant 1 : i32
        %xor3A_93 = vector.broadcast %xor3A_92 : i32 to vector<16xi32>
        %xor3A_94 = arith.xori %iota3A_91, %xor3A_93 : vector<16xi32>
        %broadcast_in_dim3A_95 = vector.shape_cast %xor3A_94 : vector<16xi32> to vector<16x1xi32>
        %gather3A_96 = vector.shape_cast %broadcast_in_dim3A_95 : vector<16x1xi32> to vector<16xi32>
        %gather3A_97 = tpu.dynamic_gather %add3A_90[%gather3A_96] in [0] : vector<16xf32>, vector<16xi32> -> vector<16xf32>
        %add3A_98 = arith.addf %add3A_90, %gather3A_97 : vector<16xf32>
        %mul3A_99 = arith.constant 2.500000e-01 : f32
        %mul3A_100 = vector.broadcast %mul3A_99 : f32 to vector<16xf32>
        %mul3A_101 = arith.mulf %add3A_98, %mul3A_100 : vector<16xf32>
        %sub3A = arith.subf %mul3A_101, %get3A_2 : vector<16xf32>
        %exp3A = math.exp %sub3A : vector<16xf32>
        %get3A_102 = arith.index_cast %scan3A_49 : i32 to index
        %get3A_103 = arith.constant 16 : index
        %get3A_104 = tpu.vector_load %arg12[%get3A_102, %get3A_103] {strides = array<i32>} : memref<80x128xf32, #tpu.memory_space<vmem>>, vector<1x16xf32>,
        %get3A_105 = vector.shape_cast %get3A_104 : vector<1x16xf32> to vector<16xf32>
        %mul3A_106 = arith.mulf %exp3A, %get3A_105 : vector<16xf32>
        %swap3A = arith.index_cast %scan3A_49 : i32 to index
        %swap3A_107 = arith.constant 0 : index
        %swap3A_108 = tpu.vector_load %arg14[%swap3A, %swap3A_107] {strides = array<i32>} : memref<80x128xf32, #tpu.memory_space<vmem>>, vector<1x16xf32>,
        %swap3A_109 = vector.shape_cast %swap3A_108 : vector<1x16xf32> to vector<16xf32>
        %swap3A_110 = vector.shape_cast %mul3A_106 : vector<16xf32> to vector<1x16xf32>
        tpu.vector_store %arg14[%swap3A, %swap3A_107], %swap3A_110 {strides = array<i32>} : memref<80x128xf32, #tpu.memory_space<vmem>>, vector<1x16xf32>,
        %get3A_111 = arith.index_cast %scan3A_49 : i32 to index
        %get3A_112 = arith.constant 0 : index
        %get3A_113 = tpu.vector_load %arg13[%get3A_111, %get3A_112] {strides = array<i32>} : memref<80x16xf32, #tpu.memory_space<vmem>>, vector<1x16xf32>,
        %get3A_114 = vector.shape_cast %get3A_113 : vector<1x16xf32> to vector<16xf32>
        %mul3A_115 = arith.mulf %exp3A, %get3A_114 : vector<16xf32>
        %swap3A_116 = arith.index_cast %scan3A_49 : i32 to index
        %swap3A_117 = arith.constant 16 : index
        %swap3A_118 = tpu.vector_load %arg14[%swap3A_116, %swap3A_117] {strides = array<i32>} : memref<80x128xf32, #tpu.memory_space<vmem>>, vector<1x16xf32>,
        %swap3A_119 = vector.shape_cast %swap3A_118 : vector<1x16xf32> to vector<16xf32>
        %swap3A_120 = vector.shape_cast %mul3A_115 : vector<16xf32> to vector<1x16xf32>
        tpu.vector_store %arg14[%swap3A_116, %swap3A_117], %swap3A_120 {strides = array<i32>} : memref<80x128xf32, #tpu.memory_space<vmem>>, vector<1x16xf32>,
        %mul3A_121 = arith.mulf %exp3A, %select_n3A : vector<16xf32>
        %swap3A_122 = arith.index_cast %scan3A_49 : i32 to index
        %swap3A_123 = arith.constant 32 : index
        %swap3A_124 = tpu.vector_load %arg14[%swap3A_122, %swap3A_123] {strides = array<i32>} : memref<80x128xf32, #tpu.memory_space<vmem>>, vector<1x16xf32>,
        %swap3A_125 = vector.shape_cast %swap3A_124 : vector<1x16xf32> to vector<16xf32>
        %swap3A_126 = vector.shape_cast %mul3A_121 : vector<16xf32> to vector<1x16xf32>
        tpu.vector_store %arg14[%swap3A_122, %swap3A_123], %swap3A_126 {strides = array<i32>} : memref<80x128xf32, #tpu.memory_space<vmem>>, vector<1x16xf32>,
      }
      %scan3A_48 = arith.constant 80 : i32
      "tpu.region"() ({
        %run_scoped3A = tpu.sem_alloc : memref<!tpu.dma_semaphore, #tpu.memory_space<semaphore_mem>>
        %dma_start3A_49 = arith.constant 0 : i32
        %dma_start3A_50 = arith.constant 0 : i32
        %dma_start3A_51 = tpu.memref_slice %arg8[%add3A, %scan3A_20, %dma_start3A_49, %dma_start3A_50] : memref<32x125x80x128xf32, #tpu.memory_space<hbm>> -> memref<1x1x80x128xf32, #tpu.memory_space<hbm>>
        %dma_start3A_52 = tpu.memref_squeeze %dma_start3A_51 : memref<1x1x80x128xf32, #tpu.memory_space<hbm>> -> memref<80x128xf32, #tpu.memory_space<hbm>>
        %dma_start3A_53 = arith.constant 0 : i32
        %dma_start3A_54 = arith.constant 0 : i32
        %dma_start3A_55 = tpu.memref_slice %arg8[%add3A, %scan3A_20, %dma_start3A_53, %dma_start3A_54] : memref<32x125x80x128xf32, #tpu.memory_space<hbm>> -> memref<1x1x80x128xf32, #tpu.memory_space<hbm>>
        %dma_start3A_56 = tpu.memref_squeeze %dma_start3A_55 : memref<1x1x80x128xf32, #tpu.memory_space<hbm>> -> memref<80x128xf32, #tpu.memory_space<hbm>>
        tpu.enqueue_dma source(%arg14 : memref<80x128xf32, #tpu.memory_space<vmem>>) target(%dma_start3A_56 : memref<80x128xf32, #tpu.memory_space<hbm>>) target_semaphore(%run_scoped3A : memref<!tpu.dma_semaphore, #tpu.memory_space<semaphore_mem>>)
        %dma_wait3A_57 = arith.constant 0 : i32
        %dma_wait3A_58 = arith.constant 0 : i32
        %dma_wait3A_59 = tpu.memref_slice %arg8[%add3A, %scan3A_20, %dma_wait3A_57, %dma_wait3A_58] : memref<32x125x80x128xf32, #tpu.memory_space<hbm>> -> memref<1x1x80x128xf32, #tpu.memory_space<hbm>>
        %dma_wait3A_60 = tpu.memref_squeeze %dma_wait3A_59 : memref<1x1x80x128xf32, #tpu.memory_space<hbm>> -> memref<80x128xf32, #tpu.memory_space<hbm>>
        %dma_wait3A_61 = arith.constant 0 : i32
        %dma_wait3A_62 = arith.constant 0 : i32
        %dma_wait3A_63 = tpu.memref_slice %arg8[%add3A, %scan3A_20, %dma_wait3A_61, %dma_wait3A_62] : memref<32x125x80x128xf32, #tpu.memory_space<hbm>> -> memref<1x1x80x128xf32, #tpu.memory_space<hbm>>
        %dma_wait3A_64 = tpu.memref_squeeze %dma_wait3A_63 : memref<1x1x80x128xf32, #tpu.memory_space<hbm>> -> memref<80x128xf32, #tpu.memory_space<hbm>>
        tpu.wait_dma2 semaphore(%run_scoped3A : memref<!tpu.dma_semaphore, #tpu.memory_space<semaphore_mem>>) src(%arg14 : memref<80x128xf32, #tpu.memory_space<vmem>>) dst(%dma_wait3A_64 : memref<80x128xf32, #tpu.memory_space<hbm>>)
        tpu.yield
      }) : () -> ()
    }
    %scan3A_19 = arith.constant 125 : i32
    return
  }
}

#map = affine_map<(d0, d1) -> (0, 0)>
#map1 = affine_map<(d0, d1) -> (0, 0, 0, 0)>
#map2 = affine_map<(d0, d1) -> (0, 0, 0)>
#map3 = affine_map<(d0, d1) -> (0)>
module attributes {stable_mosaic.version = 14 : i64} {
  func.func @edgeA(%arg0: i32, %arg1: i32, %arg2: memref<10000x128xf32, #tpu.memory_space<hbm>>, %arg3: memref<10000x128xf32, #tpu.memory_space<hbm>>, %arg4: memref<32x125x80x16xf32, #tpu.memory_space<hbm>>, %arg5: memref<32x125x80xi32, #tpu.memory_space<hbm>>, %arg6: memref<32x125x80xi32, #tpu.memory_space<hbm>>, %arg7: memref<16xf32, #tpu.memory_space<hbm>>, %arg8: memref<32x125x80x128xf32, #tpu.memory_space<hbm>>, %arg9: memref<125x80xi32, #tpu.memory_space<vmem>>, %arg10: memref<125x80xi32, #tpu.memory_space<vmem>>, %arg11: memref<80x128xf32, #tpu.memory_space<vmem>>, %arg12: memref<80x128xf32, #tpu.memory_space<vmem>>, %arg13: memref<80x16xf32, #tpu.memory_space<vmem>>, %arg14: memref<80x128xf32, #tpu.memory_space<vmem>>, %arg15: memref<16xf32, #tpu.memory_space<vmem>>, %arg16: memref<!tpu.dma_semaphore, #tpu.memory_space<semaphore_mem>>, %arg17: memref<!tpu.dma_semaphore, #tpu.memory_space<semaphore_mem>>) attributes {dimension_semantics = [#tpu.dimension_semantics<core_parallel>, #tpu.dimension_semantics<subcore_parallel>], iteration_bounds = array<i64: 2, 16>, scalar_prefetch = 0 : i64, scratch_operands = 9 : i64, tpu.core_type = #tpu.core_type<sc_vector_subcore>, window_params = [{transform_indices = #map}, {transform_indices = #map}, {transform_indices = #map1}, {transform_indices = #map2}, {transform_indices = #map2}, {transform_indices = #map3}, {transform_indices = #map1}]} {
    %mul3A = arith.constant 2 : i32
    %mul3A_0 = arith.muli %arg1, %mul3A : i32
    %add3A = arith.addi %mul3A_0, %arg0 : i32
    "tpu.region"() ({
      %run_scoped3A = tpu.sem_alloc : memref<!tpu.dma_semaphore, #tpu.memory_space<semaphore_mem>>
      %dma_start3A = arith.constant 0 : i32
      %dma_start3A_20 = arith.constant 0 : i32
      %dma_start3A_21 = tpu.memref_slice %arg5[%add3A, %dma_start3A, %dma_start3A_20] : memref<32x125x80xi32, #tpu.memory_space<hbm>> -> memref<1x125x80xi32, #tpu.memory_space<hbm>>
      %dma_start3A_22 = tpu.memref_squeeze %dma_start3A_21 : memref<1x125x80xi32, #tpu.memory_space<hbm>> -> memref<125x80xi32, #tpu.memory_space<hbm>>
      %dma_start3A_23 = arith.constant 0 : i32
      %dma_start3A_24 = arith.constant 0 : i32
      %dma_start3A_25 = tpu.memref_slice %arg5[%add3A, %dma_start3A_23, %dma_start3A_24] : memref<32x125x80xi32, #tpu.memory_space<hbm>> -> memref<1x125x80xi32, #tpu.memory_space<hbm>>
      %dma_start3A_26 = tpu.memref_squeeze %dma_start3A_25 : memref<1x125x80xi32, #tpu.memory_space<hbm>> -> memref<125x80xi32, #tpu.memory_space<hbm>>
      tpu.enqueue_dma source(%dma_start3A_26 : memref<125x80xi32, #tpu.memory_space<hbm>>) target(%arg9 : memref<125x80xi32, #tpu.memory_space<vmem>>) target_semaphore(%run_scoped3A : memref<!tpu.dma_semaphore, #tpu.memory_space<semaphore_mem>>)
      %dma_wait3A = arith.constant 0 : i32
      %dma_wait3A_27 = arith.constant 0 : i32
      %dma_wait3A_28 = tpu.memref_slice %arg5[%add3A, %dma_wait3A, %dma_wait3A_27] : memref<32x125x80xi32, #tpu.memory_space<hbm>> -> memref<1x125x80xi32, #tpu.memory_space<hbm>>
      %dma_wait3A_29 = tpu.memref_squeeze %dma_wait3A_28 : memref<1x125x80xi32, #tpu.memory_space<hbm>> -> memref<125x80xi32, #tpu.memory_space<hbm>>
      %dma_wait3A_30 = arith.constant 0 : i32
      %dma_wait3A_31 = arith.constant 0 : i32
      %dma_wait3A_32 = tpu.memref_slice %arg5[%add3A, %dma_wait3A_30, %dma_wait3A_31] : memref<32x125x80xi32, #tpu.memory_space<hbm>> -> memref<1x125x80xi32, #tpu.memory_space<hbm>>
      %dma_wait3A_33 = tpu.memref_squeeze %dma_wait3A_32 : memref<1x125x80xi32, #tpu.memory_space<hbm>> -> memref<125x80xi32, #tpu.memory_space<hbm>>
      tpu.wait_dma2 semaphore(%run_scoped3A : memref<!tpu.dma_semaphore, #tpu.memory_space<semaphore_mem>>) src(%dma_wait3A_33 : memref<125x80xi32, #tpu.memory_space<hbm>>) dst(%arg9 : memref<125x80xi32, #tpu.memory_space<vmem>>)
      tpu.yield
    }) : () -> ()
    "tpu.region"() ({
      %run_scoped3A = tpu.sem_alloc : memref<!tpu.dma_semaphore, #tpu.memory_space<semaphore_mem>>
      %dma_start3A = arith.constant 0 : i32
      %dma_start3A_20 = arith.constant 0 : i32
      %dma_start3A_21 = tpu.memref_slice %arg6[%add3A, %dma_start3A, %dma_start3A_20] : memref<32x125x80xi32, #tpu.memory_space<hbm>> -> memref<1x125x80xi32, #tpu.memory_space<hbm>>
      %dma_start3A_22 = tpu.memref_squeeze %dma_start3A_21 : memref<1x125x80xi32, #tpu.memory_space<hbm>> -> memref<125x80xi32, #tpu.memory_space<hbm>>
      %dma_start3A_23 = arith.constant 0 : i32
      %dma_start3A_24 = arith.constant 0 : i32
      %dma_start3A_25 = tpu.memref_slice %arg6[%add3A, %dma_start3A_23, %dma_start3A_24] : memref<32x125x80xi32, #tpu.memory_space<hbm>> -> memref<1x125x80xi32, #tpu.memory_space<hbm>>
      %dma_start3A_26 = tpu.memref_squeeze %dma_start3A_25 : memref<1x125x80xi32, #tpu.memory_space<hbm>> -> memref<125x80xi32, #tpu.memory_space<hbm>>
      tpu.enqueue_dma source(%dma_start3A_26 : memref<125x80xi32, #tpu.memory_space<hbm>>) target(%arg10 : memref<125x80xi32, #tpu.memory_space<vmem>>) target_semaphore(%run_scoped3A : memref<!tpu.dma_semaphore, #tpu.memory_space<semaphore_mem>>)
      %dma_wait3A = arith.constant 0 : i32
      %dma_wait3A_27 = arith.constant 0 : i32
      %dma_wait3A_28 = tpu.memref_slice %arg6[%add3A, %dma_wait3A, %dma_wait3A_27] : memref<32x125x80xi32, #tpu.memory_space<hbm>> -> memref<1x125x80xi32, #tpu.memory_space<hbm>>
      %dma_wait3A_29 = tpu.memref_squeeze %dma_wait3A_28 : memref<1x125x80xi32, #tpu.memory_space<hbm>> -> memref<125x80xi32, #tpu.memory_space<hbm>>
      %dma_wait3A_30 = arith.constant 0 : i32
      %dma_wait3A_31 = arith.constant 0 : i32
      %dma_wait3A_32 = tpu.memref_slice %arg6[%add3A, %dma_wait3A_30, %dma_wait3A_31] : memref<32x125x80xi32, #tpu.memory_space<hbm>> -> memref<1x125x80xi32, #tpu.memory_space<hbm>>
      %dma_wait3A_33 = tpu.memref_squeeze %dma_wait3A_32 : memref<1x125x80xi32, #tpu.memory_space<hbm>> -> memref<125x80xi32, #tpu.memory_space<hbm>>
      tpu.wait_dma2 semaphore(%run_scoped3A : memref<!tpu.dma_semaphore, #tpu.memory_space<semaphore_mem>>) src(%dma_wait3A_33 : memref<125x80xi32, #tpu.memory_space<hbm>>) dst(%arg10 : memref<125x80xi32, #tpu.memory_space<vmem>>)
      tpu.yield
    }) : () -> ()
    "tpu.region"() ({
      %run_scoped3A = tpu.sem_alloc : memref<!tpu.dma_semaphore, #tpu.memory_space<semaphore_mem>>
      tpu.enqueue_dma source(%arg7 : memref<16xf32, #tpu.memory_space<hbm>>) target(%arg15 : memref<16xf32, #tpu.memory_space<vmem>>) target_semaphore(%run_scoped3A : memref<!tpu.dma_semaphore, #tpu.memory_space<semaphore_mem>>)
      tpu.wait_dma2 semaphore(%run_scoped3A : memref<!tpu.dma_semaphore, #tpu.memory_space<semaphore_mem>>) src(%arg7 : memref<16xf32, #tpu.memory_space<hbm>>) dst(%arg15 : memref<16xf32, #tpu.memory_space<vmem>>)
      tpu.yield
    }) : () -> ()
    %get3A = arith.constant 0 : index
    %get3A_1 = tpu.vector_load %arg15[%get3A] {strides = array<i32>} : memref<16xf32, #tpu.memory_space<vmem>>, vector<16xf32>,
    %get3A_2 = vector.shape_cast %get3A_1 : vector<16xf32> to vector<16xf32>
    %iota3A = tpu.iota {dimensions = array<i32: 0>} : vector<16xi32>
    %eq3A = arith.constant 0 : i32
    %eq3A_3 = vector.broadcast %eq3A : i32 to vector<16xi32>
    %eq3A_4 = arith.cmpi eq, %iota3A, %eq3A_3 : vector<16xi32>
    %jit3A = arith.constant 1.000000e+00 : f32
    %jit3A_5 = arith.constant 0.000000e+00 : f32
    %broadcast_in_dim3A = vector.broadcast %jit3A : f32 to vector<16xf32>
    %broadcast_in_dim3A_6 = vector.broadcast %jit3A_5 : f32 to vector<16xf32>
    %select_n3A = arith.select %eq3A_4, %broadcast_in_dim3A, %broadcast_in_dim3A_6 : vector<16xi1>, vector<16xf32>
    %broadcast_in_dim3A_7 = arith.constant 0.000000e+00 : f32
    %broadcast_in_dim3A_8 = vector.broadcast %broadcast_in_dim3A_7 : f32 to vector<16xf32>
    %scan3A = arith.constant 0 : i32
    %scan3A_9 = arith.constant 0 : i32
    %scan3A_10 = arith.constant 80 : i32
    %scan3A_11 = arith.addi %scan3A_9, %scan3A_10 : i32
    %scan3A_12 = arith.constant 1 : i32
    scf.for %scan3A_20 = %scan3A_9 to %scan3A_11 step %scan3A_12  : i32 {
      %swap3A = arith.index_cast %scan3A_20 : i32 to index
      %swap3A_21 = arith.constant 96 : index
      %swap3A_22 = tpu.vector_load %arg14[%swap3A, %swap3A_21] {strides = array<i32>} : memref<80x128xf32, #tpu.memory_space<vmem>>, vector<1x16xf32>,
      %swap3A_23 = vector.shape_cast %swap3A_22 : vector<1x16xf32> to vector<16xf32>
      %swap3A_24 = vector.shape_cast %broadcast_in_dim3A_8 : vector<16xf32> to vector<1x16xf32>
      tpu.vector_store %arg14[%swap3A, %swap3A_21], %swap3A_24 {strides = array<i32>} : memref<80x128xf32, #tpu.memory_space<vmem>>, vector<1x16xf32>,
      %swap3A_25 = arith.index_cast %scan3A_20 : i32 to index
      %swap3A_26 = arith.constant 112 : index
      %swap3A_27 = tpu.vector_load %arg14[%swap3A_25, %swap3A_26] {strides = array<i32>} : memref<80x128xf32, #tpu.memory_space<vmem>>, vector<1x16xf32>,
      %swap3A_28 = vector.shape_cast %swap3A_27 : vector<1x16xf32> to vector<16xf32>
      %swap3A_29 = vector.shape_cast %broadcast_in_dim3A_8 : vector<16xf32> to vector<1x16xf32>
      tpu.vector_store %arg14[%swap3A_25, %swap3A_26], %swap3A_29 {strides = array<i32>} : memref<80x128xf32, #tpu.memory_space<vmem>>, vector<1x16xf32>,
    }
    %scan3A_13 = arith.constant 80 : i32
    %scan3A_14 = arith.constant 0 : i32
    %scan3A_15 = arith.constant 0 : i32
    %scan3A_16 = arith.constant 125 : i32
    %scan3A_17 = arith.addi %scan3A_15, %scan3A_16 : i32
    %scan3A_18 = arith.constant 1 : i32
    scf.for %scan3A_20 = %scan3A_15 to %scan3A_17 step %scan3A_18  : i32 {
      %dma_start3A = arith.constant 0 : i32
      %dma_start3A_21 = tpu.memref_slice %arg10[%scan3A_20, %dma_start3A] : memref<125x80xi32, #tpu.memory_space<vmem>> -> memref<1x80xi32, #tpu.memory_space<vmem>>
      %dma_start3A_22 = tpu.memref_squeeze %dma_start3A_21 : memref<1x80xi32, #tpu.memory_space<vmem>> -> memref<80xi32, #tpu.memory_space<vmem>>
      %dma_start3A_23 = arith.constant 0 : i32
      %dma_start3A_24 = arith.constant 0 : i32
      %dma_start3A_25 = tpu.memref_slice %arg2[%dma_start3A_23, %dma_start3A_24] : memref<10000x128xf32, #tpu.memory_space<hbm>> -> memref<10000x128xf32, #tpu.memory_space<hbm>>
      tpu.enqueue_indirect_dma source(%dma_start3A_25 : memref<10000x128xf32, #tpu.memory_space<hbm>>) target(%arg11 : memref<80x128xf32, #tpu.memory_space<vmem>>) offsets(%dma_start3A_22 : memref<80xi32, #tpu.memory_space<vmem>>) semaphore(%arg16 : memref<!tpu.dma_semaphore, #tpu.memory_space<semaphore_mem>>)
      %dma_wait3A = arith.constant 0 : i32
      %dma_wait3A_26 = tpu.memref_slice %arg10[%scan3A_20, %dma_wait3A] : memref<125x80xi32, #tpu.memory_space<vmem>> -> memref<1x80xi32, #tpu.memory_space<vmem>>
      %dma_wait3A_27 = tpu.memref_squeeze %dma_wait3A_26 : memref<1x80xi32, #tpu.memory_space<vmem>> -> memref<80xi32, #tpu.memory_space<vmem>>
      %dma_wait3A_28 = arith.constant 0 : i32
      %dma_wait3A_29 = arith.constant 0 : i32
      %dma_wait3A_30 = tpu.memref_slice %arg2[%dma_wait3A_28, %dma_wait3A_29] : memref<10000x128xf32, #tpu.memory_space<hbm>> -> memref<10000x128xf32, #tpu.memory_space<hbm>>
      tpu.wait_indirect_dma semaphore(%arg16 : memref<!tpu.dma_semaphore, #tpu.memory_space<semaphore_mem>>) src(%dma_wait3A_30 : memref<10000x128xf32, #tpu.memory_space<hbm>>) dst(%arg11 : memref<80x128xf32, #tpu.memory_space<vmem>>)
      %dma_start3A_31 = arith.constant 0 : i32
      %dma_start3A_32 = tpu.memref_slice %arg9[%scan3A_20, %dma_start3A_31] : memref<125x80xi32, #tpu.memory_space<vmem>> -> memref<1x80xi32, #tpu.memory_space<vmem>>
      %dma_start3A_33 = tpu.memref_squeeze %dma_start3A_32 : memref<1x80xi32, #tpu.memory_space<vmem>> -> memref<80xi32, #tpu.memory_space<vmem>>
      %dma_start3A_34 = arith.constant 0 : i32
      %dma_start3A_35 = arith.constant 0 : i32
      %dma_start3A_36 = tpu.memref_slice %arg3[%dma_start3A_34, %dma_start3A_35] : memref<10000x128xf32, #tpu.memory_space<hbm>> -> memref<10000x128xf32, #tpu.memory_space<hbm>>
      tpu.enqueue_indirect_dma source(%dma_start3A_36 : memref<10000x128xf32, #tpu.memory_space<hbm>>) target(%arg12 : memref<80x128xf32, #tpu.memory_space<vmem>>) offsets(%dma_start3A_33 : memref<80xi32, #tpu.memory_space<vmem>>) semaphore(%arg17 : memref<!tpu.dma_semaphore, #tpu.memory_space<semaphore_mem>>)
      %dma_wait3A_37 = arith.constant 0 : i32
      %dma_wait3A_38 = tpu.memref_slice %arg9[%scan3A_20, %dma_wait3A_37] : memref<125x80xi32, #tpu.memory_space<vmem>> -> memref<1x80xi32, #tpu.memory_space<vmem>>
      %dma_wait3A_39 = tpu.memref_squeeze %dma_wait3A_38 : memref<1x80xi32, #tpu.memory_space<vmem>> -> memref<80xi32, #tpu.memory_space<vmem>>
      %dma_wait3A_40 = arith.constant 0 : i32
      %dma_wait3A_41 = arith.constant 0 : i32
      %dma_wait3A_42 = tpu.memref_slice %arg3[%dma_wait3A_40, %dma_wait3A_41] : memref<10000x128xf32, #tpu.memory_space<hbm>> -> memref<10000x128xf32, #tpu.memory_space<hbm>>
      tpu.wait_indirect_dma semaphore(%arg17 : memref<!tpu.dma_semaphore, #tpu.memory_space<semaphore_mem>>) src(%dma_wait3A_42 : memref<10000x128xf32, #tpu.memory_space<hbm>>) dst(%arg12 : memref<80x128xf32, #tpu.memory_space<vmem>>)
      "tpu.region"() ({
        %run_scoped3A = tpu.sem_alloc : memref<!tpu.dma_semaphore, #tpu.memory_space<semaphore_mem>>
        %dma_start3A_49 = arith.constant 0 : i32
        %dma_start3A_50 = arith.constant 0 : i32
        %dma_start3A_51 = tpu.memref_slice %arg4[%add3A, %scan3A_20, %dma_start3A_49, %dma_start3A_50] : memref<32x125x80x16xf32, #tpu.memory_space<hbm>> -> memref<1x1x80x16xf32, #tpu.memory_space<hbm>>
        %dma_start3A_52 = tpu.memref_squeeze %dma_start3A_51 : memref<1x1x80x16xf32, #tpu.memory_space<hbm>> -> memref<80x16xf32, #tpu.memory_space<hbm>>
        %dma_start3A_53 = arith.constant 0 : i32
        %dma_start3A_54 = arith.constant 0 : i32
        %dma_start3A_55 = tpu.memref_slice %arg4[%add3A, %scan3A_20, %dma_start3A_53, %dma_start3A_54] : memref<32x125x80x16xf32, #tpu.memory_space<hbm>> -> memref<1x1x80x16xf32, #tpu.memory_space<hbm>>
        %dma_start3A_56 = tpu.memref_squeeze %dma_start3A_55 : memref<1x1x80x16xf32, #tpu.memory_space<hbm>> -> memref<80x16xf32, #tpu.memory_space<hbm>>
        tpu.enqueue_dma source(%dma_start3A_56 : memref<80x16xf32, #tpu.memory_space<hbm>>) target(%arg13 : memref<80x16xf32, #tpu.memory_space<vmem>>) target_semaphore(%run_scoped3A : memref<!tpu.dma_semaphore, #tpu.memory_space<semaphore_mem>>)
        %dma_wait3A_57 = arith.constant 0 : i32
        %dma_wait3A_58 = arith.constant 0 : i32
        %dma_wait3A_59 = tpu.memref_slice %arg4[%add3A, %scan3A_20, %dma_wait3A_57, %dma_wait3A_58] : memref<32x125x80x16xf32, #tpu.memory_space<hbm>> -> memref<1x1x80x16xf32, #tpu.memory_space<hbm>>
        %dma_wait3A_60 = tpu.memref_squeeze %dma_wait3A_59 : memref<1x1x80x16xf32, #tpu.memory_space<hbm>> -> memref<80x16xf32, #tpu.memory_space<hbm>>
        %dma_wait3A_61 = arith.constant 0 : i32
        %dma_wait3A_62 = arith.constant 0 : i32
        %dma_wait3A_63 = tpu.memref_slice %arg4[%add3A, %scan3A_20, %dma_wait3A_61, %dma_wait3A_62] : memref<32x125x80x16xf32, #tpu.memory_space<hbm>> -> memref<1x1x80x16xf32, #tpu.memory_space<hbm>>
        %dma_wait3A_64 = tpu.memref_squeeze %dma_wait3A_63 : memref<1x1x80x16xf32, #tpu.memory_space<hbm>> -> memref<80x16xf32, #tpu.memory_space<hbm>>
        tpu.wait_dma2 semaphore(%run_scoped3A : memref<!tpu.dma_semaphore, #tpu.memory_space<semaphore_mem>>) src(%dma_wait3A_64 : memref<80x16xf32, #tpu.memory_space<hbm>>) dst(%arg13 : memref<80x16xf32, #tpu.memory_space<vmem>>)
        tpu.yield
      }) : () -> ()
      %scan3A_43 = arith.constant 0 : i32
      %scan3A_44 = arith.constant 0 : i32
      %scan3A_45 = arith.constant 80 : i32
      %scan3A_46 = arith.addi %scan3A_44, %scan3A_45 : i32
      %scan3A_47 = arith.constant 1 : i32
      scf.for %scan3A_49 = %scan3A_44 to %scan3A_46 step %scan3A_47  : i32 {
        %get3A_50 = arith.index_cast %scan3A_49 : i32 to index
        %get3A_51 = arith.constant 64 : index
        %get3A_52 = tpu.vector_load %arg11[%get3A_50, %get3A_51] {strides = array<i32>} : memref<80x128xf32, #tpu.memory_space<vmem>>, vector<1x16xf32>,
        %get3A_53 = vector.shape_cast %get3A_52 : vector<1x16xf32> to vector<16xf32>
        %get3A_54 = arith.index_cast %scan3A_49 : i32 to index
        %get3A_55 = arith.constant 0 : index
        %get3A_56 = tpu.vector_load %arg13[%get3A_54, %get3A_55] {strides = array<i32>} : memref<80x16xf32, #tpu.memory_space<vmem>>, vector<1x16xf32>,
        %get3A_57 = vector.shape_cast %get3A_56 : vector<1x16xf32> to vector<16xf32>
        %mul3A_58 = arith.mulf %get3A_53, %get3A_57 : vector<16xf32>
        %get3A_59 = arith.index_cast %scan3A_49 : i32 to index
        %get3A_60 = arith.constant 0 : index
        %get3A_61 = tpu.vector_load %arg11[%get3A_59, %get3A_60] {strides = array<i32>} : memref<80x128xf32, #tpu.memory_space<vmem>>, vector<1x16xf32>,
        %get3A_62 = vector.shape_cast %get3A_61 : vector<1x16xf32> to vector<16xf32>
        %get3A_63 = arith.index_cast %scan3A_49 : i32 to index
        %get3A_64 = arith.constant 0 : index
        %get3A_65 = tpu.vector_load %arg12[%get3A_63, %get3A_64] {strides = array<i32>} : memref<80x128xf32, #tpu.memory_space<vmem>>, vector<1x16xf32>,
        %get3A_66 = vector.shape_cast %get3A_65 : vector<1x16xf32> to vector<16xf32>
        %mul3A_67 = arith.mulf %get3A_62, %get3A_66 : vector<16xf32>
        %add3A_68 = arith.addf %mul3A_58, %mul3A_67 : vector<16xf32>
        %get3A_69 = arith.index_cast %scan3A_49 : i32 to index
        %get3A_70 = arith.constant 16 : index
        %get3A_71 = tpu.vector_load %arg11[%get3A_69, %get3A_70] {strides = array<i32>} : memref<80x128xf32, #tpu.memory_space<vmem>>, vector<1x16xf32>,
        %get3A_72 = vector.shape_cast %get3A_71 : vector<1x16xf32> to vector<16xf32>
        %get3A_73 = arith.index_cast %scan3A_49 : i32 to index
        %get3A_74 = arith.constant 16 : index
        %get3A_75 = tpu.vector_load %arg12[%get3A_73, %get3A_74] {strides = array<i32>} : memref<80x128xf32, #tpu.memory_space<vmem>>, vector<1x16xf32>,
        %get3A_76 = vector.shape_cast %get3A_75 : vector<1x16xf32> to vector<16xf32>
        %mul3A_77 = arith.mulf %get3A_72, %get3A_76 : vector<16xf32>
        %add3A_78 = arith.addf %add3A_68, %mul3A_77 : vector<16xf32>
        %get3A_79 = arith.index_cast %scan3A_49 : i32 to index
        %get3A_80 = arith.constant 32 : index
        %get3A_81 = tpu.vector_load %arg11[%get3A_79, %get3A_80] {strides = array<i32>} : memref<80x128xf32, #tpu.memory_space<vmem>>, vector<1x16xf32>,
        %get3A_82 = vector.shape_cast %get3A_81 : vector<1x16xf32> to vector<16xf32>
        %get3A_83 = arith.index_cast %scan3A_49 : i32 to index
        %get3A_84 = arith.constant 32 : index
        %get3A_85 = tpu.vector_load %arg12[%get3A_83, %get3A_84] {strides = array<i32>} : memref<80x128xf32, #tpu.memory_space<vmem>>, vector<1x16xf32>,
        %get3A_86 = vector.shape_cast %get3A_85 : vector<1x16xf32> to vector<16xf32>
        %mul3A_87 = arith.mulf %get3A_82, %get3A_86 : vector<16xf32>
        %add3A_88 = arith.addf %add3A_78, %mul3A_87 : vector<16xf32>
        %get3A_89 = arith.index_cast %scan3A_49 : i32 to index
        %get3A_90 = arith.constant 48 : index
        %get3A_91 = tpu.vector_load %arg11[%get3A_89, %get3A_90] {strides = array<i32>} : memref<80x128xf32, #tpu.memory_space<vmem>>, vector<1x16xf32>,
        %get3A_92 = vector.shape_cast %get3A_91 : vector<1x16xf32> to vector<16xf32>
        %get3A_93 = arith.index_cast %scan3A_49 : i32 to index
        %get3A_94 = arith.constant 48 : index
        %get3A_95 = tpu.vector_load %arg12[%get3A_93, %get3A_94] {strides = array<i32>} : memref<80x128xf32, #tpu.memory_space<vmem>>, vector<1x16xf32>,
        %get3A_96 = vector.shape_cast %get3A_95 : vector<1x16xf32> to vector<16xf32>
        %mul3A_97 = arith.mulf %get3A_92, %get3A_96 : vector<16xf32>
        %add3A_98 = arith.addf %add3A_88, %mul3A_97 : vector<16xf32>
        %iota3A_99 = tpu.iota {dimensions = array<i32: 0>} : vector<16xi32>
        %xor3A = arith.constant 8 : i32
        %xor3A_100 = vector.broadcast %xor3A : i32 to vector<16xi32>
        %xor3A_101 = arith.xori %iota3A_99, %xor3A_100 : vector<16xi32>
        %broadcast_in_dim3A_102 = vector.shape_cast %xor3A_101 : vector<16xi32> to vector<16x1xi32>
        %gather3A = vector.shape_cast %broadcast_in_dim3A_102 : vector<16x1xi32> to vector<16xi32>
        %gather3A_103 = tpu.dynamic_gather %add3A_98[%gather3A] in [0] : vector<16xf32>, vector<16xi32> -> vector<16xf32>
        %add3A_104 = arith.addf %add3A_98, %gather3A_103 : vector<16xf32>
        %iota3A_105 = tpu.iota {dimensions = array<i32: 0>} : vector<16xi32>
        %xor3A_106 = arith.constant 4 : i32
        %xor3A_107 = vector.broadcast %xor3A_106 : i32 to vector<16xi32>
        %xor3A_108 = arith.xori %iota3A_105, %xor3A_107 : vector<16xi32>
        %broadcast_in_dim3A_109 = vector.shape_cast %xor3A_108 : vector<16xi32> to vector<16x1xi32>
        %gather3A_110 = vector.shape_cast %broadcast_in_dim3A_109 : vector<16x1xi32> to vector<16xi32>
        %gather3A_111 = tpu.dynamic_gather %add3A_104[%gather3A_110] in [0] : vector<16xf32>, vector<16xi32> -> vector<16xf32>
        %add3A_112 = arith.addf %add3A_104, %gather3A_111 : vector<16xf32>
        %iota3A_113 = tpu.iota {dimensions = array<i32: 0>} : vector<16xi32>
        %xor3A_114 = arith.constant 2 : i32
        %xor3A_115 = vector.broadcast %xor3A_114 : i32 to vector<16xi32>
        %xor3A_116 = arith.xori %iota3A_113, %xor3A_115 : vector<16xi32>
        %broadcast_in_dim3A_117 = vector.shape_cast %xor3A_116 : vector<16xi32> to vector<16x1xi32>
        %gather3A_118 = vector.shape_cast %broadcast_in_dim3A_117 : vector<16x1xi32> to vector<16xi32>
        %gather3A_119 = tpu.dynamic_gather %add3A_112[%gather3A_118] in [0] : vector<16xf32>, vector<16xi32> -> vector<16xf32>
        %add3A_120 = arith.addf %add3A_112, %gather3A_119 : vector<16xf32>
        %iota3A_121 = tpu.iota {dimensions = array<i32: 0>} : vector<16xi32>
        %xor3A_122 = arith.constant 1 : i32
        %xor3A_123 = vector.broadcast %xor3A_122 : i32 to vector<16xi32>
        %xor3A_124 = arith.xori %iota3A_121, %xor3A_123 : vector<16xi32>
        %broadcast_in_dim3A_125 = vector.shape_cast %xor3A_124 : vector<16xi32> to vector<16x1xi32>
        %gather3A_126 = vector.shape_cast %broadcast_in_dim3A_125 : vector<16x1xi32> to vector<16xi32>
        %gather3A_127 = tpu.dynamic_gather %add3A_120[%gather3A_126] in [0] : vector<16xf32>, vector<16xi32> -> vector<16xf32>
        %add3A_128 = arith.addf %add3A_120, %gather3A_127 : vector<16xf32>
        %mul3A_129 = arith.constant 1.250000e-01 : f32
        %mul3A_130 = vector.broadcast %mul3A_129 : f32 to vector<16xf32>
        %mul3A_131 = arith.mulf %add3A_128, %mul3A_130 : vector<16xf32>
        %sub3A = arith.subf %mul3A_131, %get3A_2 : vector<16xf32>
        %exp3A = math.exp %sub3A : vector<16xf32>
        %get3A_132 = arith.index_cast %scan3A_49 : i32 to index
        %get3A_133 = arith.constant 64 : index
        %get3A_134 = tpu.vector_load %arg12[%get3A_132, %get3A_133] {strides = array<i32>} : memref<80x128xf32, #tpu.memory_space<vmem>>, vector<1x16xf32>,
        %get3A_135 = vector.shape_cast %get3A_134 : vector<1x16xf32> to vector<16xf32>
        %mul3A_136 = arith.mulf %exp3A, %get3A_135 : vector<16xf32>
        %swap3A = arith.index_cast %scan3A_49 : i32 to index
        %swap3A_137 = arith.constant 0 : index
        %swap3A_138 = tpu.vector_load %arg14[%swap3A, %swap3A_137] {strides = array<i32>} : memref<80x128xf32, #tpu.memory_space<vmem>>, vector<1x16xf32>,
        %swap3A_139 = vector.shape_cast %swap3A_138 : vector<1x16xf32> to vector<16xf32>
        %swap3A_140 = vector.shape_cast %mul3A_136 : vector<16xf32> to vector<1x16xf32>
        tpu.vector_store %arg14[%swap3A, %swap3A_137], %swap3A_140 {strides = array<i32>} : memref<80x128xf32, #tpu.memory_space<vmem>>, vector<1x16xf32>,
        %get3A_141 = arith.index_cast %scan3A_49 : i32 to index
        %get3A_142 = arith.constant 80 : index
        %get3A_143 = tpu.vector_load %arg12[%get3A_141, %get3A_142] {strides = array<i32>} : memref<80x128xf32, #tpu.memory_space<vmem>>, vector<1x16xf32>,
        %get3A_144 = vector.shape_cast %get3A_143 : vector<1x16xf32> to vector<16xf32>
        %mul3A_145 = arith.mulf %exp3A, %get3A_144 : vector<16xf32>
        %swap3A_146 = arith.index_cast %scan3A_49 : i32 to index
        %swap3A_147 = arith.constant 16 : index
        %swap3A_148 = tpu.vector_load %arg14[%swap3A_146, %swap3A_147] {strides = array<i32>} : memref<80x128xf32, #tpu.memory_space<vmem>>, vector<1x16xf32>,
        %swap3A_149 = vector.shape_cast %swap3A_148 : vector<1x16xf32> to vector<16xf32>
        %swap3A_150 = vector.shape_cast %mul3A_145 : vector<16xf32> to vector<1x16xf32>
        tpu.vector_store %arg14[%swap3A_146, %swap3A_147], %swap3A_150 {strides = array<i32>} : memref<80x128xf32, #tpu.memory_space<vmem>>, vector<1x16xf32>,
        %get3A_151 = arith.index_cast %scan3A_49 : i32 to index
        %get3A_152 = arith.constant 96 : index
        %get3A_153 = tpu.vector_load %arg12[%get3A_151, %get3A_152] {strides = array<i32>} : memref<80x128xf32, #tpu.memory_space<vmem>>, vector<1x16xf32>,
        %get3A_154 = vector.shape_cast %get3A_153 : vector<1x16xf32> to vector<16xf32>
        %mul3A_155 = arith.mulf %exp3A, %get3A_154 : vector<16xf32>
        %swap3A_156 = arith.index_cast %scan3A_49 : i32 to index
        %swap3A_157 = arith.constant 32 : index
        %swap3A_158 = tpu.vector_load %arg14[%swap3A_156, %swap3A_157] {strides = array<i32>} : memref<80x128xf32, #tpu.memory_space<vmem>>, vector<1x16xf32>,
        %swap3A_159 = vector.shape_cast %swap3A_158 : vector<1x16xf32> to vector<16xf32>
        %swap3A_160 = vector.shape_cast %mul3A_155 : vector<16xf32> to vector<1x16xf32>
        tpu.vector_store %arg14[%swap3A_156, %swap3A_157], %swap3A_160 {strides = array<i32>} : memref<80x128xf32, #tpu.memory_space<vmem>>, vector<1x16xf32>,
        %get3A_161 = arith.index_cast %scan3A_49 : i32 to index
        %get3A_162 = arith.constant 112 : index
        %get3A_163 = tpu.vector_load %arg12[%get3A_161, %get3A_162] {strides = array<i32>} : memref<80x128xf32, #tpu.memory_space<vmem>>, vector<1x16xf32>,
        %get3A_164 = vector.shape_cast %get3A_163 : vector<1x16xf32> to vector<16xf32>
        %mul3A_165 = arith.mulf %exp3A, %get3A_164 : vector<16xf32>
        %swap3A_166 = arith.index_cast %scan3A_49 : i32 to index
        %swap3A_167 = arith.constant 48 : index
        %swap3A_168 = tpu.vector_load %arg14[%swap3A_166, %swap3A_167] {strides = array<i32>} : memref<80x128xf32, #tpu.memory_space<vmem>>, vector<1x16xf32>,
        %swap3A_169 = vector.shape_cast %swap3A_168 : vector<1x16xf32> to vector<16xf32>
        %swap3A_170 = vector.shape_cast %mul3A_165 : vector<16xf32> to vector<1x16xf32>
        tpu.vector_store %arg14[%swap3A_166, %swap3A_167], %swap3A_170 {strides = array<i32>} : memref<80x128xf32, #tpu.memory_space<vmem>>, vector<1x16xf32>,
        %get3A_171 = arith.index_cast %scan3A_49 : i32 to index
        %get3A_172 = arith.constant 0 : index
        %get3A_173 = tpu.vector_load %arg13[%get3A_171, %get3A_172] {strides = array<i32>} : memref<80x16xf32, #tpu.memory_space<vmem>>, vector<1x16xf32>,
        %get3A_174 = vector.shape_cast %get3A_173 : vector<1x16xf32> to vector<16xf32>
        %mul3A_175 = arith.mulf %exp3A, %get3A_174 : vector<16xf32>
        %swap3A_176 = arith.index_cast %scan3A_49 : i32 to index
        %swap3A_177 = arith.constant 64 : index
        %swap3A_178 = tpu.vector_load %arg14[%swap3A_176, %swap3A_177] {strides = array<i32>} : memref<80x128xf32, #tpu.memory_space<vmem>>, vector<1x16xf32>,
        %swap3A_179 = vector.shape_cast %swap3A_178 : vector<1x16xf32> to vector<16xf32>
        %swap3A_180 = vector.shape_cast %mul3A_175 : vector<16xf32> to vector<1x16xf32>
        tpu.vector_store %arg14[%swap3A_176, %swap3A_177], %swap3A_180 {strides = array<i32>} : memref<80x128xf32, #tpu.memory_space<vmem>>, vector<1x16xf32>,
        %mul3A_181 = arith.mulf %exp3A, %select_n3A : vector<16xf32>
        %swap3A_182 = arith.index_cast %scan3A_49 : i32 to index
        %swap3A_183 = arith.constant 80 : index
        %swap3A_184 = tpu.vector_load %arg14[%swap3A_182, %swap3A_183] {strides = array<i32>} : memref<80x128xf32, #tpu.memory_space<vmem>>, vector<1x16xf32>,
        %swap3A_185 = vector.shape_cast %swap3A_184 : vector<1x16xf32> to vector<16xf32>
        %swap3A_186 = vector.shape_cast %mul3A_181 : vector<16xf32> to vector<1x16xf32>
        tpu.vector_store %arg14[%swap3A_182, %swap3A_183], %swap3A_186 {strides = array<i32>} : memref<80x128xf32, #tpu.memory_space<vmem>>, vector<1x16xf32>,
      }
      %scan3A_48 = arith.constant 80 : i32
      "tpu.region"() ({
        %run_scoped3A = tpu.sem_alloc : memref<!tpu.dma_semaphore, #tpu.memory_space<semaphore_mem>>
        %dma_start3A_49 = arith.constant 0 : i32
        %dma_start3A_50 = arith.constant 0 : i32
        %dma_start3A_51 = tpu.memref_slice %arg8[%add3A, %scan3A_20, %dma_start3A_49, %dma_start3A_50] : memref<32x125x80x128xf32, #tpu.memory_space<hbm>> -> memref<1x1x80x128xf32, #tpu.memory_space<hbm>>
        %dma_start3A_52 = tpu.memref_squeeze %dma_start3A_51 : memref<1x1x80x128xf32, #tpu.memory_space<hbm>> -> memref<80x128xf32, #tpu.memory_space<hbm>>
        %dma_start3A_53 = arith.constant 0 : i32
        %dma_start3A_54 = arith.constant 0 : i32
        %dma_start3A_55 = tpu.memref_slice %arg8[%add3A, %scan3A_20, %dma_start3A_53, %dma_start3A_54] : memref<32x125x80x128xf32, #tpu.memory_space<hbm>> -> memref<1x1x80x128xf32, #tpu.memory_space<hbm>>
        %dma_start3A_56 = tpu.memref_squeeze %dma_start3A_55 : memref<1x1x80x128xf32, #tpu.memory_space<hbm>> -> memref<80x128xf32, #tpu.memory_space<hbm>>
        tpu.enqueue_dma source(%arg14 : memref<80x128xf32, #tpu.memory_space<vmem>>) target(%dma_start3A_56 : memref<80x128xf32, #tpu.memory_space<hbm>>) target_semaphore(%run_scoped3A : memref<!tpu.dma_semaphore, #tpu.memory_space<semaphore_mem>>)
        %dma_wait3A_57 = arith.constant 0 : i32
        %dma_wait3A_58 = arith.constant 0 : i32
        %dma_wait3A_59 = tpu.memref_slice %arg8[%add3A, %scan3A_20, %dma_wait3A_57, %dma_wait3A_58] : memref<32x125x80x128xf32, #tpu.memory_space<hbm>> -> memref<1x1x80x128xf32, #tpu.memory_space<hbm>>
        %dma_wait3A_60 = tpu.memref_squeeze %dma_wait3A_59 : memref<1x1x80x128xf32, #tpu.memory_space<hbm>> -> memref<80x128xf32, #tpu.memory_space<hbm>>
        %dma_wait3A_61 = arith.constant 0 : i32
        %dma_wait3A_62 = arith.constant 0 : i32
        %dma_wait3A_63 = tpu.memref_slice %arg8[%add3A, %scan3A_20, %dma_wait3A_61, %dma_wait3A_62] : memref<32x125x80x128xf32, #tpu.memory_space<hbm>> -> memref<1x1x80x128xf32, #tpu.memory_space<hbm>>
        %dma_wait3A_64 = tpu.memref_squeeze %dma_wait3A_63 : memref<1x1x80x128xf32, #tpu.memory_space<hbm>> -> memref<80x128xf32, #tpu.memory_space<hbm>>
        tpu.wait_dma2 semaphore(%run_scoped3A : memref<!tpu.dma_semaphore, #tpu.memory_space<semaphore_mem>>) src(%arg14 : memref<80x128xf32, #tpu.memory_space<vmem>>) dst(%dma_wait3A_64 : memref<80x128xf32, #tpu.memory_space<hbm>>)
        tpu.yield
      }) : () -> ()
    }
    %scan3A_19 = arith.constant 125 : i32
    return
  }
}

#map = affine_map<(d0, d1) -> (0, 0, 0, 0)>
#map1 = affine_map<(d0, d1) -> (0, 0, 0)>
#map2 = affine_map<(d0, d1) -> (0, 0)>
module attributes {stable_mosaic.version = 14 : i64} {
  func.func @edgeB(%arg0: i32, %arg1: i32, %arg2: memref<16x250x80x128xf32, #tpu.memory_space<hbm>>, %arg3: memref<16x250x80xi32, #tpu.memory_space<hbm>>, %arg4: memref<328x128xf32, #tpu.memory_space<hbm>>, %arg5: memref<2x5248x128xf32, #tpu.memory_space<hbm>>, %arg6: memref<250x80xi32, #tpu.memory_space<vmem>>, %arg7: memref<80x128xf32, #tpu.memory_space<vmem>>, %arg8: memref<80xi32, #tpu.memory_space<vmem>>, %arg9: memref<5248x128xf32, #tpu.memory_space<vmem_shared>>, %arg10: memref<!tpu.dma_semaphore, #tpu.memory_space<semaphore_mem>>) attributes {dimension_semantics = [#tpu.dimension_semantics<core_parallel>, #tpu.dimension_semantics<subcore_parallel>], iteration_bounds = array<i64: 2, 16>, scalar_prefetch = 0 : i64, scratch_operands = 5 : i64, tpu.core_type = #tpu.core_type<sc_vector_subcore>, window_params = [{transform_indices = #map}, {transform_indices = #map1}, {transform_indices = #map2}, {transform_indices = #map1}]} {
    %mul3A = arith.constant 5120 : i32
    %mul3A_0 = arith.muli %arg0, %mul3A : i32
    "tpu.region"() ({
      %run_scoped3A = tpu.sem_alloc : memref<!tpu.dma_semaphore, #tpu.memory_space<semaphore_mem>>
      %dma_start3A = arith.constant 0 : i32
      %dma_start3A_13 = arith.constant 0 : i32
      %dma_start3A_14 = tpu.memref_slice %arg3[%arg1, %dma_start3A, %dma_start3A_13] : memref<16x250x80xi32, #tpu.memory_space<hbm>> -> memref<1x250x80xi32, #tpu.memory_space<hbm>>
      %dma_start3A_15 = tpu.memref_squeeze %dma_start3A_14 : memref<1x250x80xi32, #tpu.memory_space<hbm>> -> memref<250x80xi32, #tpu.memory_space<hbm>>
      %dma_start3A_16 = arith.constant 0 : i32
      %dma_start3A_17 = arith.constant 0 : i32
      %dma_start3A_18 = tpu.memref_slice %arg3[%arg1, %dma_start3A_16, %dma_start3A_17] : memref<16x250x80xi32, #tpu.memory_space<hbm>> -> memref<1x250x80xi32, #tpu.memory_space<hbm>>
      %dma_start3A_19 = tpu.memref_squeeze %dma_start3A_18 : memref<1x250x80xi32, #tpu.memory_space<hbm>> -> memref<250x80xi32, #tpu.memory_space<hbm>>
      tpu.enqueue_dma source(%dma_start3A_19 : memref<250x80xi32, #tpu.memory_space<hbm>>) target(%arg6 : memref<250x80xi32, #tpu.memory_space<vmem>>) target_semaphore(%run_scoped3A : memref<!tpu.dma_semaphore, #tpu.memory_space<semaphore_mem>>)
      %dma_wait3A = arith.constant 0 : i32
      %dma_wait3A_20 = arith.constant 0 : i32
      %dma_wait3A_21 = tpu.memref_slice %arg3[%arg1, %dma_wait3A, %dma_wait3A_20] : memref<16x250x80xi32, #tpu.memory_space<hbm>> -> memref<1x250x80xi32, #tpu.memory_space<hbm>>
      %dma_wait3A_22 = tpu.memref_squeeze %dma_wait3A_21 : memref<1x250x80xi32, #tpu.memory_space<hbm>> -> memref<250x80xi32, #tpu.memory_space<hbm>>
      %dma_wait3A_23 = arith.constant 0 : i32
      %dma_wait3A_24 = arith.constant 0 : i32
      %dma_wait3A_25 = tpu.memref_slice %arg3[%arg1, %dma_wait3A_23, %dma_wait3A_24] : memref<16x250x80xi32, #tpu.memory_space<hbm>> -> memref<1x250x80xi32, #tpu.memory_space<hbm>>
      %dma_wait3A_26 = tpu.memref_squeeze %dma_wait3A_25 : memref<1x250x80xi32, #tpu.memory_space<hbm>> -> memref<250x80xi32, #tpu.memory_space<hbm>>
      tpu.wait_dma2 semaphore(%run_scoped3A : memref<!tpu.dma_semaphore, #tpu.memory_space<semaphore_mem>>) src(%dma_wait3A_26 : memref<250x80xi32, #tpu.memory_space<hbm>>) dst(%arg6 : memref<250x80xi32, #tpu.memory_space<vmem>>)
      tpu.yield
    }) : () -> ()
    %mul3A_1 = arith.constant 328 : i32
    %mul3A_2 = arith.muli %arg1, %mul3A_1 : i32
    "tpu.region"() ({
      %run_scoped3A = tpu.sem_alloc : memref<!tpu.dma_semaphore, #tpu.memory_space<semaphore_mem>>
      %dma_start3A = arith.constant 0 : i32
      %dma_start3A_13 = tpu.memref_slice %arg9[%mul3A_2, %dma_start3A] : memref<5248x128xf32, #tpu.memory_space<vmem_shared>> -> memref<328x128xf32, #tpu.memory_space<vmem_shared>>
      tpu.enqueue_dma source(%arg4 : memref<328x128xf32, #tpu.memory_space<hbm>>) target(%dma_start3A_13 : memref<328x128xf32, #tpu.memory_space<vmem_shared>>) target_semaphore(%run_scoped3A : memref<!tpu.dma_semaphore, #tpu.memory_space<semaphore_mem>>)
      %dma_wait3A = arith.constant 0 : i32
      %dma_wait3A_14 = tpu.memref_slice %arg9[%mul3A_2, %dma_wait3A] : memref<5248x128xf32, #tpu.memory_space<vmem_shared>> -> memref<328x128xf32, #tpu.memory_space<vmem_shared>>
      tpu.wait_dma2 semaphore(%run_scoped3A : memref<!tpu.dma_semaphore, #tpu.memory_space<semaphore_mem>>) src(%arg4 : memref<328x128xf32, #tpu.memory_space<hbm>>) dst(%dma_wait3A_14 : memref<328x128xf32, #tpu.memory_space<vmem_shared>>)
      tpu.yield
    }) : () -> ()
    %barrier3A = arith.constant 0 : index
    tpu.barrier barrier_id(%barrier3A)
    %scan3A = arith.constant 0 : i32
    %scan3A_3 = arith.constant 0 : i32
    %scan3A_4 = arith.constant 250 : i32
    %scan3A_5 = arith.addi %scan3A_3, %scan3A_4 : i32
    %scan3A_6 = arith.constant 1 : i32
    scf.for %scan3A_13 = %scan3A_3 to %scan3A_5 step %scan3A_6  : i32 {
      %dma_start3A = arith.constant 0 : i32
      %dma_start3A_14 = arith.constant 0 : i32
      %dma_start3A_15 = tpu.memref_slice %arg2[%arg1, %scan3A_13, %dma_start3A, %dma_start3A_14] : memref<16x250x80x128xf32, #tpu.memory_space<hbm>> -> memref<1x1x80x128xf32, #tpu.memory_space<hbm>>
      %dma_start3A_16 = tpu.memref_squeeze %dma_start3A_15 : memref<1x1x80x128xf32, #tpu.memory_space<hbm>> -> memref<80x128xf32, #tpu.memory_space<hbm>>
      %dma_start3A_17 = arith.constant 0 : i32
      %dma_start3A_18 = arith.constant 0 : i32
      %dma_start3A_19 = tpu.memref_slice %arg2[%arg1, %scan3A_13, %dma_start3A_17, %dma_start3A_18] : memref<16x250x80x128xf32, #tpu.memory_space<hbm>> -> memref<1x1x80x128xf32, #tpu.memory_space<hbm>>
      %dma_start3A_20 = tpu.memref_squeeze %dma_start3A_19 : memref<1x1x80x128xf32, #tpu.memory_space<hbm>> -> memref<80x128xf32, #tpu.memory_space<hbm>>
      tpu.enqueue_dma source(%dma_start3A_20 : memref<80x128xf32, #tpu.memory_space<hbm>>) target(%arg7 : memref<80x128xf32, #tpu.memory_space<vmem>>) target_semaphore(%arg10 : memref<!tpu.dma_semaphore, #tpu.memory_space<semaphore_mem>>)
      %dma_wait3A = arith.constant 0 : i32
      %dma_wait3A_21 = arith.constant 0 : i32
      %dma_wait3A_22 = tpu.memref_slice %arg2[%arg1, %scan3A_13, %dma_wait3A, %dma_wait3A_21] : memref<16x250x80x128xf32, #tpu.memory_space<hbm>> -> memref<1x1x80x128xf32, #tpu.memory_space<hbm>>
      %dma_wait3A_23 = tpu.memref_squeeze %dma_wait3A_22 : memref<1x1x80x128xf32, #tpu.memory_space<hbm>> -> memref<80x128xf32, #tpu.memory_space<hbm>>
      %dma_wait3A_24 = arith.constant 0 : i32
      %dma_wait3A_25 = arith.constant 0 : i32
      %dma_wait3A_26 = tpu.memref_slice %arg2[%arg1, %scan3A_13, %dma_wait3A_24, %dma_wait3A_25] : memref<16x250x80x128xf32, #tpu.memory_space<hbm>> -> memref<1x1x80x128xf32, #tpu.memory_space<hbm>>
      %dma_wait3A_27 = tpu.memref_squeeze %dma_wait3A_26 : memref<1x1x80x128xf32, #tpu.memory_space<hbm>> -> memref<80x128xf32, #tpu.memory_space<hbm>>
      tpu.wait_dma2 semaphore(%arg10 : memref<!tpu.dma_semaphore, #tpu.memory_space<semaphore_mem>>) src(%dma_wait3A_27 : memref<80x128xf32, #tpu.memory_space<hbm>>) dst(%arg7 : memref<80x128xf32, #tpu.memory_space<vmem>>)
      %get3A = arith.index_cast %scan3A_13 : i32 to index
      %get3A_28 = arith.constant 0 : index
      %get3A_29 = tpu.vector_load %arg6[%get3A, %get3A_28] {strides = array<i32>} : memref<250x80xi32, #tpu.memory_space<vmem>>, vector<1x16xi32>,
      %get3A_30 = vector.shape_cast %get3A_29 : vector<1x16xi32> to vector<16xi32>
      %sub3A = vector.broadcast %mul3A_0 : i32 to vector<16xi32>
      %sub3A_31 = arith.subi %get3A_30, %sub3A : vector<16xi32>
      %ge3A = arith.constant 0 : i32
      %ge3A_32 = vector.broadcast %ge3A : i32 to vector<16xi32>
      %ge3A_33 = arith.cmpi sge, %sub3A_31, %ge3A_32 : vector<16xi32>
      %lt3A = arith.constant 5120 : i32
      %lt3A_34 = vector.broadcast %lt3A : i32 to vector<16xi32>
      %lt3A_35 = arith.cmpi slt, %sub3A_31, %lt3A_34 : vector<16xi32>
      %and3A = arith.andi %ge3A_33, %lt3A_35 : vector<16xi1>
      %jit3A = arith.constant 5240 : i32
      %broadcast_in_dim3A = vector.broadcast %jit3A : i32 to vector<16xi32>
      %select_n3A = arith.select %and3A, %sub3A_31, %broadcast_in_dim3A : vector<16xi1>, vector<16xi32>
      %swap3A = arith.constant 0 : index
      %swap3A_36 = tpu.vector_load %arg8[%swap3A] {strides = array<i32>} : memref<80xi32, #tpu.memory_space<vmem>>, vector<16xi32>,
      %swap3A_37 = vector.shape_cast %swap3A_36 : vector<16xi32> to vector<16xi32>
      %swap3A_38 = vector.shape_cast %select_n3A : vector<16xi32> to vector<16xi32>
      tpu.vector_store %arg8[%swap3A], %swap3A_38 {strides = array<i32>} : memref<80xi32, #tpu.memory_space<vmem>>, vector<16xi32>,
      %get3A_39 = arith.index_cast %scan3A_13 : i32 to index
      %get3A_40 = arith.constant 16 : index
      %get3A_41 = tpu.vector_load %arg6[%get3A_39, %get3A_40] {strides = array<i32>} : memref<250x80xi32, #tpu.memory_space<vmem>>, vector<1x16xi32>,
      %get3A_42 = vector.shape_cast %get3A_41 : vector<1x16xi32> to vector<16xi32>
      %sub3A_43 = vector.broadcast %mul3A_0 : i32 to vector<16xi32>
      %sub3A_44 = arith.subi %get3A_42, %sub3A_43 : vector<16xi32>
      %ge3A_45 = arith.constant 0 : i32
      %ge3A_46 = vector.broadcast %ge3A_45 : i32 to vector<16xi32>
      %ge3A_47 = arith.cmpi sge, %sub3A_44, %ge3A_46 : vector<16xi32>
      %lt3A_48 = arith.constant 5120 : i32
      %lt3A_49 = vector.broadcast %lt3A_48 : i32 to vector<16xi32>
      %lt3A_50 = arith.cmpi slt, %sub3A_44, %lt3A_49 : vector<16xi32>
      %and3A_51 = arith.andi %ge3A_47, %lt3A_50 : vector<16xi1>
      %jit3A_52 = arith.constant 5240 : i32
      %broadcast_in_dim3A_53 = vector.broadcast %jit3A_52 : i32 to vector<16xi32>
      %select_n3A_54 = arith.select %and3A_51, %sub3A_44, %broadcast_in_dim3A_53 : vector<16xi1>, vector<16xi32>
      %swap3A_55 = arith.constant 16 : index
      %swap3A_56 = tpu.vector_load %arg8[%swap3A_55] {strides = array<i32>} : memref<80xi32, #tpu.memory_space<vmem>>, vector<16xi32>,
      %swap3A_57 = vector.shape_cast %swap3A_56 : vector<16xi32> to vector<16xi32>
      %swap3A_58 = vector.shape_cast %select_n3A_54 : vector<16xi32> to vector<16xi32>
      tpu.vector_store %arg8[%swap3A_55], %swap3A_58 {strides = array<i32>} : memref<80xi32, #tpu.memory_space<vmem>>, vector<16xi32>,
      %get3A_59 = arith.index_cast %scan3A_13 : i32 to index
      %get3A_60 = arith.constant 32 : index
      %get3A_61 = tpu.vector_load %arg6[%get3A_59, %get3A_60] {strides = array<i32>} : memref<250x80xi32, #tpu.memory_space<vmem>>, vector<1x16xi32>,
      %get3A_62 = vector.shape_cast %get3A_61 : vector<1x16xi32> to vector<16xi32>
      %sub3A_63 = vector.broadcast %mul3A_0 : i32 to vector<16xi32>
      %sub3A_64 = arith.subi %get3A_62, %sub3A_63 : vector<16xi32>
      %ge3A_65 = arith.constant 0 : i32
      %ge3A_66 = vector.broadcast %ge3A_65 : i32 to vector<16xi32>
      %ge3A_67 = arith.cmpi sge, %sub3A_64, %ge3A_66 : vector<16xi32>
      %lt3A_68 = arith.constant 5120 : i32
      %lt3A_69 = vector.broadcast %lt3A_68 : i32 to vector<16xi32>
      %lt3A_70 = arith.cmpi slt, %sub3A_64, %lt3A_69 : vector<16xi32>
      %and3A_71 = arith.andi %ge3A_67, %lt3A_70 : vector<16xi1>
      %jit3A_72 = arith.constant 5240 : i32
      %broadcast_in_dim3A_73 = vector.broadcast %jit3A_72 : i32 to vector<16xi32>
      %select_n3A_74 = arith.select %and3A_71, %sub3A_64, %broadcast_in_dim3A_73 : vector<16xi1>, vector<16xi32>
      %swap3A_75 = arith.constant 32 : index
      %swap3A_76 = tpu.vector_load %arg8[%swap3A_75] {strides = array<i32>} : memref<80xi32, #tpu.memory_space<vmem>>, vector<16xi32>,
      %swap3A_77 = vector.shape_cast %swap3A_76 : vector<16xi32> to vector<16xi32>
      %swap3A_78 = vector.shape_cast %select_n3A_74 : vector<16xi32> to vector<16xi32>
      tpu.vector_store %arg8[%swap3A_75], %swap3A_78 {strides = array<i32>} : memref<80xi32, #tpu.memory_space<vmem>>, vector<16xi32>,
      %get3A_79 = arith.index_cast %scan3A_13 : i32 to index
      %get3A_80 = arith.constant 48 : index
      %get3A_81 = tpu.vector_load %arg6[%get3A_79, %get3A_80] {strides = array<i32>} : memref<250x80xi32, #tpu.memory_space<vmem>>, vector<1x16xi32>,
      %get3A_82 = vector.shape_cast %get3A_81 : vector<1x16xi32> to vector<16xi32>
      %sub3A_83 = vector.broadcast %mul3A_0 : i32 to vector<16xi32>
      %sub3A_84 = arith.subi %get3A_82, %sub3A_83 : vector<16xi32>
      %ge3A_85 = arith.constant 0 : i32
      %ge3A_86 = vector.broadcast %ge3A_85 : i32 to vector<16xi32>
      %ge3A_87 = arith.cmpi sge, %sub3A_84, %ge3A_86 : vector<16xi32>
      %lt3A_88 = arith.constant 5120 : i32
      %lt3A_89 = vector.broadcast %lt3A_88 : i32 to vector<16xi32>
      %lt3A_90 = arith.cmpi slt, %sub3A_84, %lt3A_89 : vector<16xi32>
      %and3A_91 = arith.andi %ge3A_87, %lt3A_90 : vector<16xi1>
      %jit3A_92 = arith.constant 5240 : i32
      %broadcast_in_dim3A_93 = vector.broadcast %jit3A_92 : i32 to vector<16xi32>
      %select_n3A_94 = arith.select %and3A_91, %sub3A_84, %broadcast_in_dim3A_93 : vector<16xi1>, vector<16xi32>
      %swap3A_95 = arith.constant 48 : index
      %swap3A_96 = tpu.vector_load %arg8[%swap3A_95] {strides = array<i32>} : memref<80xi32, #tpu.memory_space<vmem>>, vector<16xi32>,
      %swap3A_97 = vector.shape_cast %swap3A_96 : vector<16xi32> to vector<16xi32>
      %swap3A_98 = vector.shape_cast %select_n3A_94 : vector<16xi32> to vector<16xi32>
      tpu.vector_store %arg8[%swap3A_95], %swap3A_98 {strides = array<i32>} : memref<80xi32, #tpu.memory_space<vmem>>, vector<16xi32>,
      %get3A_99 = arith.index_cast %scan3A_13 : i32 to index
      %get3A_100 = arith.constant 64 : index
      %get3A_101 = tpu.vector_load %arg6[%get3A_99, %get3A_100] {strides = array<i32>} : memref<250x80xi32, #tpu.memory_space<vmem>>, vector<1x16xi32>,
      %get3A_102 = vector.shape_cast %get3A_101 : vector<1x16xi32> to vector<16xi32>
      %sub3A_103 = vector.broadcast %mul3A_0 : i32 to vector<16xi32>
      %sub3A_104 = arith.subi %get3A_102, %sub3A_103 : vector<16xi32>
      %ge3A_105 = arith.constant 0 : i32
      %ge3A_106 = vector.broadcast %ge3A_105 : i32 to vector<16xi32>
      %ge3A_107 = arith.cmpi sge, %sub3A_104, %ge3A_106 : vector<16xi32>
      %lt3A_108 = arith.constant 5120 : i32
      %lt3A_109 = vector.broadcast %lt3A_108 : i32 to vector<16xi32>
      %lt3A_110 = arith.cmpi slt, %sub3A_104, %lt3A_109 : vector<16xi32>
      %and3A_111 = arith.andi %ge3A_107, %lt3A_110 : vector<16xi1>
      %jit3A_112 = arith.constant 5240 : i32
      %broadcast_in_dim3A_113 = vector.broadcast %jit3A_112 : i32 to vector<16xi32>
      %select_n3A_114 = arith.select %and3A_111, %sub3A_104, %broadcast_in_dim3A_113 : vector<16xi1>, vector<16xi32>
      %swap3A_115 = arith.constant 64 : index
      %swap3A_116 = tpu.vector_load %arg8[%swap3A_115] {strides = array<i32>} : memref<80xi32, #tpu.memory_space<vmem>>, vector<16xi32>,
      %swap3A_117 = vector.shape_cast %swap3A_116 : vector<16xi32> to vector<16xi32>
      %swap3A_118 = vector.shape_cast %select_n3A_114 : vector<16xi32> to vector<16xi32>
      tpu.vector_store %arg8[%swap3A_115], %swap3A_118 {strides = array<i32>} : memref<80xi32, #tpu.memory_space<vmem>>, vector<16xi32>,
      "tpu.region"() ({
        %run_scoped3A = tpu.sem_alloc : memref<!tpu.dma_semaphore, #tpu.memory_space<semaphore_mem>>
        %dma_start3A_119 = arith.constant 0 : i32
        %dma_start3A_120 = arith.constant 0 : i32
        %dma_start3A_121 = tpu.memref_slice %arg9[%dma_start3A_119, %dma_start3A_120] : memref<5248x128xf32, #tpu.memory_space<vmem_shared>> -> memref<5248x128xf32, #tpu.memory_space<vmem_shared>>
        tpu.enqueue_indirect_dma source(%arg7 : memref<80x128xf32, #tpu.memory_space<vmem>>) target(%dma_start3A_121 : memref<5248x128xf32, #tpu.memory_space<vmem_shared>>) offsets(%arg8 : memref<80xi32, #tpu.memory_space<vmem>>) semaphore(%run_scoped3A : memref<!tpu.dma_semaphore, #tpu.memory_space<semaphore_mem>>) {add = true}
        %dma_wait3A_122 = arith.constant 0 : i32
        %dma_wait3A_123 = arith.constant 0 : i32
        %dma_wait3A_124 = tpu.memref_slice %arg9[%dma_wait3A_122, %dma_wait3A_123] : memref<5248x128xf32, #tpu.memory_space<vmem_shared>> -> memref<5248x128xf32, #tpu.memory_space<vmem_shared>>
        tpu.wait_indirect_dma semaphore(%run_scoped3A : memref<!tpu.dma_semaphore, #tpu.memory_space<semaphore_mem>>) src(%arg7 : memref<80x128xf32, #tpu.memory_space<vmem>>) dst(%dma_wait3A_124 : memref<5248x128xf32, #tpu.memory_space<vmem_shared>>)
        tpu.yield
      }) : () -> ()
    }
    %scan3A_7 = arith.constant 250 : i32
    %barrier3A_8 = arith.constant 0 : index
    tpu.barrier barrier_id(%barrier3A_8)
    %mul3A_9 = arith.constant 328 : i32
    %mul3A_10 = arith.muli %arg1, %mul3A_9 : i32
    %mul3A_11 = arith.constant 328 : i32
    %mul3A_12 = arith.muli %arg1, %mul3A_11 : i32
    "tpu.region"() ({
      %run_scoped3A = tpu.sem_alloc : memref<!tpu.dma_semaphore, #tpu.memory_space<semaphore_mem>>
      %dma_start3A = arith.constant 0 : i32
      %dma_start3A_13 = tpu.memref_slice %arg5[%arg0, %mul3A_12, %dma_start3A] : memref<2x5248x128xf32, #tpu.memory_space<hbm>> -> memref<1x328x128xf32, #tpu.memory_space<hbm>>
      %dma_start3A_14 = tpu.memref_squeeze %dma_start3A_13 : memref<1x328x128xf32, #tpu.memory_space<hbm>> -> memref<328x128xf32, #tpu.memory_space<hbm>>
      %dma_start3A_15 = arith.constant 0 : i32
      %dma_start3A_16 = tpu.memref_slice %arg9[%mul3A_10, %dma_start3A_15] : memref<5248x128xf32, #tpu.memory_space<vmem_shared>> -> memref<328x128xf32, #tpu.memory_space<vmem_shared>>
      tpu.enqueue_dma source(%dma_start3A_16 : memref<328x128xf32, #tpu.memory_space<vmem_shared>>) target(%dma_start3A_14 : memref<328x128xf32, #tpu.memory_space<hbm>>) target_semaphore(%run_scoped3A : memref<!tpu.dma_semaphore, #tpu.memory_space<semaphore_mem>>)
      %dma_wait3A = arith.constant 0 : i32
      %dma_wait3A_17 = tpu.memref_slice %arg5[%arg0, %mul3A_12, %dma_wait3A] : memref<2x5248x128xf32, #tpu.memory_space<hbm>> -> memref<1x328x128xf32, #tpu.memory_space<hbm>>
      %dma_wait3A_18 = tpu.memref_squeeze %dma_wait3A_17 : memref<1x328x128xf32, #tpu.memory_space<hbm>> -> memref<328x128xf32, #tpu.memory_space<hbm>>
      %dma_wait3A_19 = arith.constant 0 : i32
      %dma_wait3A_20 = tpu.memref_slice %arg9[%mul3A_10, %dma_wait3A_19] : memref<5248x128xf32, #tpu.memory_space<vmem_shared>> -> memref<328x128xf32, #tpu.memory_space<vmem_shared>>
      tpu.wait_dma2 semaphore(%run_scoped3A : memref<!tpu.dma_semaphore, #tpu.memory_space<semaphore_mem>>) src(%dma_wait3A_20 : memref<328x128xf32, #tpu.memory_space<vmem_shared>>) dst(%dma_wait3A_18 : memref<328x128xf32, #tpu.memory_space<hbm>>)
      tpu.yield
    }) : () -> ()
    return
  }
}

#map = affine_map<(d0, d1) -> (0, 0, 0, 0)>
#map1 = affine_map<(d0, d1) -> (0, 0, 0)>
#map2 = affine_map<(d0, d1) -> (0, 0)>
module attributes {stable_mosaic.version = 14 : i64} {
  func.func @edgeB(%arg0: i32, %arg1: i32, %arg2: memref<16x250x80x128xf32, #tpu.memory_space<hbm>>, %arg3: memref<16x250x80xi32, #tpu.memory_space<hbm>>, %arg4: memref<328x128xf32, #tpu.memory_space<hbm>>, %arg5: memref<2x5248x128xf32, #tpu.memory_space<hbm>>, %arg6: memref<250x80xi32, #tpu.memory_space<vmem>>, %arg7: memref<80x128xf32, #tpu.memory_space<vmem>>, %arg8: memref<80xi32, #tpu.memory_space<vmem>>, %arg9: memref<5248x128xf32, #tpu.memory_space<vmem_shared>>, %arg10: memref<!tpu.dma_semaphore, #tpu.memory_space<semaphore_mem>>) attributes {dimension_semantics = [#tpu.dimension_semantics<core_parallel>, #tpu.dimension_semantics<subcore_parallel>], iteration_bounds = array<i64: 2, 16>, scalar_prefetch = 0 : i64, scratch_operands = 5 : i64, tpu.core_type = #tpu.core_type<sc_vector_subcore>, window_params = [{transform_indices = #map}, {transform_indices = #map1}, {transform_indices = #map2}, {transform_indices = #map1}]} {
    %mul3A = arith.constant 5120 : i32
    %mul3A_0 = arith.muli %arg0, %mul3A : i32
    "tpu.region"() ({
      %run_scoped3A = tpu.sem_alloc : memref<!tpu.dma_semaphore, #tpu.memory_space<semaphore_mem>>
      %dma_start3A = arith.constant 0 : i32
      %dma_start3A_13 = arith.constant 0 : i32
      %dma_start3A_14 = tpu.memref_slice %arg3[%arg1, %dma_start3A, %dma_start3A_13] : memref<16x250x80xi32, #tpu.memory_space<hbm>> -> memref<1x250x80xi32, #tpu.memory_space<hbm>>
      %dma_start3A_15 = tpu.memref_squeeze %dma_start3A_14 : memref<1x250x80xi32, #tpu.memory_space<hbm>> -> memref<250x80xi32, #tpu.memory_space<hbm>>
      %dma_start3A_16 = arith.constant 0 : i32
      %dma_start3A_17 = arith.constant 0 : i32
      %dma_start3A_18 = tpu.memref_slice %arg3[%arg1, %dma_start3A_16, %dma_start3A_17] : memref<16x250x80xi32, #tpu.memory_space<hbm>> -> memref<1x250x80xi32, #tpu.memory_space<hbm>>
      %dma_start3A_19 = tpu.memref_squeeze %dma_start3A_18 : memref<1x250x80xi32, #tpu.memory_space<hbm>> -> memref<250x80xi32, #tpu.memory_space<hbm>>
      tpu.enqueue_dma source(%dma_start3A_19 : memref<250x80xi32, #tpu.memory_space<hbm>>) target(%arg6 : memref<250x80xi32, #tpu.memory_space<vmem>>) target_semaphore(%run_scoped3A : memref<!tpu.dma_semaphore, #tpu.memory_space<semaphore_mem>>)
      %dma_wait3A = arith.constant 0 : i32
      %dma_wait3A_20 = arith.constant 0 : i32
      %dma_wait3A_21 = tpu.memref_slice %arg3[%arg1, %dma_wait3A, %dma_wait3A_20] : memref<16x250x80xi32, #tpu.memory_space<hbm>> -> memref<1x250x80xi32, #tpu.memory_space<hbm>>
      %dma_wait3A_22 = tpu.memref_squeeze %dma_wait3A_21 : memref<1x250x80xi32, #tpu.memory_space<hbm>> -> memref<250x80xi32, #tpu.memory_space<hbm>>
      %dma_wait3A_23 = arith.constant 0 : i32
      %dma_wait3A_24 = arith.constant 0 : i32
      %dma_wait3A_25 = tpu.memref_slice %arg3[%arg1, %dma_wait3A_23, %dma_wait3A_24] : memref<16x250x80xi32, #tpu.memory_space<hbm>> -> memref<1x250x80xi32, #tpu.memory_space<hbm>>
      %dma_wait3A_26 = tpu.memref_squeeze %dma_wait3A_25 : memref<1x250x80xi32, #tpu.memory_space<hbm>> -> memref<250x80xi32, #tpu.memory_space<hbm>>
      tpu.wait_dma2 semaphore(%run_scoped3A : memref<!tpu.dma_semaphore, #tpu.memory_space<semaphore_mem>>) src(%dma_wait3A_26 : memref<250x80xi32, #tpu.memory_space<hbm>>) dst(%arg6 : memref<250x80xi32, #tpu.memory_space<vmem>>)
      tpu.yield
    }) : () -> ()
    %mul3A_1 = arith.constant 328 : i32
    %mul3A_2 = arith.muli %arg1, %mul3A_1 : i32
    "tpu.region"() ({
      %run_scoped3A = tpu.sem_alloc : memref<!tpu.dma_semaphore, #tpu.memory_space<semaphore_mem>>
      %dma_start3A = arith.constant 0 : i32
      %dma_start3A_13 = tpu.memref_slice %arg9[%mul3A_2, %dma_start3A] : memref<5248x128xf32, #tpu.memory_space<vmem_shared>> -> memref<328x128xf32, #tpu.memory_space<vmem_shared>>
      tpu.enqueue_dma source(%arg4 : memref<328x128xf32, #tpu.memory_space<hbm>>) target(%dma_start3A_13 : memref<328x128xf32, #tpu.memory_space<vmem_shared>>) target_semaphore(%run_scoped3A : memref<!tpu.dma_semaphore, #tpu.memory_space<semaphore_mem>>)
      %dma_wait3A = arith.constant 0 : i32
      %dma_wait3A_14 = tpu.memref_slice %arg9[%mul3A_2, %dma_wait3A] : memref<5248x128xf32, #tpu.memory_space<vmem_shared>> -> memref<328x128xf32, #tpu.memory_space<vmem_shared>>
      tpu.wait_dma2 semaphore(%run_scoped3A : memref<!tpu.dma_semaphore, #tpu.memory_space<semaphore_mem>>) src(%arg4 : memref<328x128xf32, #tpu.memory_space<hbm>>) dst(%dma_wait3A_14 : memref<328x128xf32, #tpu.memory_space<vmem_shared>>)
      tpu.yield
    }) : () -> ()
    %barrier3A = arith.constant 0 : index
    tpu.barrier barrier_id(%barrier3A)
    %scan3A = arith.constant 0 : i32
    %scan3A_3 = arith.constant 0 : i32
    %scan3A_4 = arith.constant 250 : i32
    %scan3A_5 = arith.addi %scan3A_3, %scan3A_4 : i32
    %scan3A_6 = arith.constant 1 : i32
    scf.for %scan3A_13 = %scan3A_3 to %scan3A_5 step %scan3A_6  : i32 {
      %dma_start3A = arith.constant 0 : i32
      %dma_start3A_14 = arith.constant 0 : i32
      %dma_start3A_15 = tpu.memref_slice %arg2[%arg1, %scan3A_13, %dma_start3A, %dma_start3A_14] : memref<16x250x80x128xf32, #tpu.memory_space<hbm>> -> memref<1x1x80x128xf32, #tpu.memory_space<hbm>>
      %dma_start3A_16 = tpu.memref_squeeze %dma_start3A_15 : memref<1x1x80x128xf32, #tpu.memory_space<hbm>> -> memref<80x128xf32, #tpu.memory_space<hbm>>
      %dma_start3A_17 = arith.constant 0 : i32
      %dma_start3A_18 = arith.constant 0 : i32
      %dma_start3A_19 = tpu.memref_slice %arg2[%arg1, %scan3A_13, %dma_start3A_17, %dma_start3A_18] : memref<16x250x80x128xf32, #tpu.memory_space<hbm>> -> memref<1x1x80x128xf32, #tpu.memory_space<hbm>>
      %dma_start3A_20 = tpu.memref_squeeze %dma_start3A_19 : memref<1x1x80x128xf32, #tpu.memory_space<hbm>> -> memref<80x128xf32, #tpu.memory_space<hbm>>
      tpu.enqueue_dma source(%dma_start3A_20 : memref<80x128xf32, #tpu.memory_space<hbm>>) target(%arg7 : memref<80x128xf32, #tpu.memory_space<vmem>>) target_semaphore(%arg10 : memref<!tpu.dma_semaphore, #tpu.memory_space<semaphore_mem>>)
      %dma_wait3A = arith.constant 0 : i32
      %dma_wait3A_21 = arith.constant 0 : i32
      %dma_wait3A_22 = tpu.memref_slice %arg2[%arg1, %scan3A_13, %dma_wait3A, %dma_wait3A_21] : memref<16x250x80x128xf32, #tpu.memory_space<hbm>> -> memref<1x1x80x128xf32, #tpu.memory_space<hbm>>
      %dma_wait3A_23 = tpu.memref_squeeze %dma_wait3A_22 : memref<1x1x80x128xf32, #tpu.memory_space<hbm>> -> memref<80x128xf32, #tpu.memory_space<hbm>>
      %dma_wait3A_24 = arith.constant 0 : i32
      %dma_wait3A_25 = arith.constant 0 : i32
      %dma_wait3A_26 = tpu.memref_slice %arg2[%arg1, %scan3A_13, %dma_wait3A_24, %dma_wait3A_25] : memref<16x250x80x128xf32, #tpu.memory_space<hbm>> -> memref<1x1x80x128xf32, #tpu.memory_space<hbm>>
      %dma_wait3A_27 = tpu.memref_squeeze %dma_wait3A_26 : memref<1x1x80x128xf32, #tpu.memory_space<hbm>> -> memref<80x128xf32, #tpu.memory_space<hbm>>
      tpu.wait_dma2 semaphore(%arg10 : memref<!tpu.dma_semaphore, #tpu.memory_space<semaphore_mem>>) src(%dma_wait3A_27 : memref<80x128xf32, #tpu.memory_space<hbm>>) dst(%arg7 : memref<80x128xf32, #tpu.memory_space<vmem>>)
      %get3A = arith.index_cast %scan3A_13 : i32 to index
      %get3A_28 = arith.constant 0 : index
      %get3A_29 = tpu.vector_load %arg6[%get3A, %get3A_28] {strides = array<i32>} : memref<250x80xi32, #tpu.memory_space<vmem>>, vector<1x16xi32>,
      %get3A_30 = vector.shape_cast %get3A_29 : vector<1x16xi32> to vector<16xi32>
      %sub3A = vector.broadcast %mul3A_0 : i32 to vector<16xi32>
      %sub3A_31 = arith.subi %get3A_30, %sub3A : vector<16xi32>
      %ge3A = arith.constant 0 : i32
      %ge3A_32 = vector.broadcast %ge3A : i32 to vector<16xi32>
      %ge3A_33 = arith.cmpi sge, %sub3A_31, %ge3A_32 : vector<16xi32>
      %lt3A = arith.constant 5120 : i32
      %lt3A_34 = vector.broadcast %lt3A : i32 to vector<16xi32>
      %lt3A_35 = arith.cmpi slt, %sub3A_31, %lt3A_34 : vector<16xi32>
      %and3A = arith.andi %ge3A_33, %lt3A_35 : vector<16xi1>
      %jit3A = arith.constant 5240 : i32
      %broadcast_in_dim3A = vector.broadcast %jit3A : i32 to vector<16xi32>
      %select_n3A = arith.select %and3A, %sub3A_31, %broadcast_in_dim3A : vector<16xi1>, vector<16xi32>
      %swap3A = arith.constant 0 : index
      %swap3A_36 = tpu.vector_load %arg8[%swap3A] {strides = array<i32>} : memref<80xi32, #tpu.memory_space<vmem>>, vector<16xi32>,
      %swap3A_37 = vector.shape_cast %swap3A_36 : vector<16xi32> to vector<16xi32>
      %swap3A_38 = vector.shape_cast %select_n3A : vector<16xi32> to vector<16xi32>
      tpu.vector_store %arg8[%swap3A], %swap3A_38 {strides = array<i32>} : memref<80xi32, #tpu.memory_space<vmem>>, vector<16xi32>,
      %get3A_39 = arith.index_cast %scan3A_13 : i32 to index
      %get3A_40 = arith.constant 16 : index
      %get3A_41 = tpu.vector_load %arg6[%get3A_39, %get3A_40] {strides = array<i32>} : memref<250x80xi32, #tpu.memory_space<vmem>>, vector<1x16xi32>,
      %get3A_42 = vector.shape_cast %get3A_41 : vector<1x16xi32> to vector<16xi32>
      %sub3A_43 = vector.broadcast %mul3A_0 : i32 to vector<16xi32>
      %sub3A_44 = arith.subi %get3A_42, %sub3A_43 : vector<16xi32>
      %ge3A_45 = arith.constant 0 : i32
      %ge3A_46 = vector.broadcast %ge3A_45 : i32 to vector<16xi32>
      %ge3A_47 = arith.cmpi sge, %sub3A_44, %ge3A_46 : vector<16xi32>
      %lt3A_48 = arith.constant 5120 : i32
      %lt3A_49 = vector.broadcast %lt3A_48 : i32 to vector<16xi32>
      %lt3A_50 = arith.cmpi slt, %sub3A_44, %lt3A_49 : vector<16xi32>
      %and3A_51 = arith.andi %ge3A_47, %lt3A_50 : vector<16xi1>
      %jit3A_52 = arith.constant 5240 : i32
      %broadcast_in_dim3A_53 = vector.broadcast %jit3A_52 : i32 to vector<16xi32>
      %select_n3A_54 = arith.select %and3A_51, %sub3A_44, %broadcast_in_dim3A_53 : vector<16xi1>, vector<16xi32>
      %swap3A_55 = arith.constant 16 : index
      %swap3A_56 = tpu.vector_load %arg8[%swap3A_55] {strides = array<i32>} : memref<80xi32, #tpu.memory_space<vmem>>, vector<16xi32>,
      %swap3A_57 = vector.shape_cast %swap3A_56 : vector<16xi32> to vector<16xi32>
      %swap3A_58 = vector.shape_cast %select_n3A_54 : vector<16xi32> to vector<16xi32>
      tpu.vector_store %arg8[%swap3A_55], %swap3A_58 {strides = array<i32>} : memref<80xi32, #tpu.memory_space<vmem>>, vector<16xi32>,
      %get3A_59 = arith.index_cast %scan3A_13 : i32 to index
      %get3A_60 = arith.constant 32 : index
      %get3A_61 = tpu.vector_load %arg6[%get3A_59, %get3A_60] {strides = array<i32>} : memref<250x80xi32, #tpu.memory_space<vmem>>, vector<1x16xi32>,
      %get3A_62 = vector.shape_cast %get3A_61 : vector<1x16xi32> to vector<16xi32>
      %sub3A_63 = vector.broadcast %mul3A_0 : i32 to vector<16xi32>
      %sub3A_64 = arith.subi %get3A_62, %sub3A_63 : vector<16xi32>
      %ge3A_65 = arith.constant 0 : i32
      %ge3A_66 = vector.broadcast %ge3A_65 : i32 to vector<16xi32>
      %ge3A_67 = arith.cmpi sge, %sub3A_64, %ge3A_66 : vector<16xi32>
      %lt3A_68 = arith.constant 5120 : i32
      %lt3A_69 = vector.broadcast %lt3A_68 : i32 to vector<16xi32>
      %lt3A_70 = arith.cmpi slt, %sub3A_64, %lt3A_69 : vector<16xi32>
      %and3A_71 = arith.andi %ge3A_67, %lt3A_70 : vector<16xi1>
      %jit3A_72 = arith.constant 5240 : i32
      %broadcast_in_dim3A_73 = vector.broadcast %jit3A_72 : i32 to vector<16xi32>
      %select_n3A_74 = arith.select %and3A_71, %sub3A_64, %broadcast_in_dim3A_73 : vector<16xi1>, vector<16xi32>
      %swap3A_75 = arith.constant 32 : index
      %swap3A_76 = tpu.vector_load %arg8[%swap3A_75] {strides = array<i32>} : memref<80xi32, #tpu.memory_space<vmem>>, vector<16xi32>,
      %swap3A_77 = vector.shape_cast %swap3A_76 : vector<16xi32> to vector<16xi32>
      %swap3A_78 = vector.shape_cast %select_n3A_74 : vector<16xi32> to vector<16xi32>
      tpu.vector_store %arg8[%swap3A_75], %swap3A_78 {strides = array<i32>} : memref<80xi32, #tpu.memory_space<vmem>>, vector<16xi32>,
      %get3A_79 = arith.index_cast %scan3A_13 : i32 to index
      %get3A_80 = arith.constant 48 : index
      %get3A_81 = tpu.vector_load %arg6[%get3A_79, %get3A_80] {strides = array<i32>} : memref<250x80xi32, #tpu.memory_space<vmem>>, vector<1x16xi32>,
      %get3A_82 = vector.shape_cast %get3A_81 : vector<1x16xi32> to vector<16xi32>
      %sub3A_83 = vector.broadcast %mul3A_0 : i32 to vector<16xi32>
      %sub3A_84 = arith.subi %get3A_82, %sub3A_83 : vector<16xi32>
      %ge3A_85 = arith.constant 0 : i32
      %ge3A_86 = vector.broadcast %ge3A_85 : i32 to vector<16xi32>
      %ge3A_87 = arith.cmpi sge, %sub3A_84, %ge3A_86 : vector<16xi32>
      %lt3A_88 = arith.constant 5120 : i32
      %lt3A_89 = vector.broadcast %lt3A_88 : i32 to vector<16xi32>
      %lt3A_90 = arith.cmpi slt, %sub3A_84, %lt3A_89 : vector<16xi32>
      %and3A_91 = arith.andi %ge3A_87, %lt3A_90 : vector<16xi1>
      %jit3A_92 = arith.constant 5240 : i32
      %broadcast_in_dim3A_93 = vector.broadcast %jit3A_92 : i32 to vector<16xi32>
      %select_n3A_94 = arith.select %and3A_91, %sub3A_84, %broadcast_in_dim3A_93 : vector<16xi1>, vector<16xi32>
      %swap3A_95 = arith.constant 48 : index
      %swap3A_96 = tpu.vector_load %arg8[%swap3A_95] {strides = array<i32>} : memref<80xi32, #tpu.memory_space<vmem>>, vector<16xi32>,
      %swap3A_97 = vector.shape_cast %swap3A_96 : vector<16xi32> to vector<16xi32>
      %swap3A_98 = vector.shape_cast %select_n3A_94 : vector<16xi32> to vector<16xi32>
      tpu.vector_store %arg8[%swap3A_95], %swap3A_98 {strides = array<i32>} : memref<80xi32, #tpu.memory_space<vmem>>, vector<16xi32>,
      %get3A_99 = arith.index_cast %scan3A_13 : i32 to index
      %get3A_100 = arith.constant 64 : index
      %get3A_101 = tpu.vector_load %arg6[%get3A_99, %get3A_100] {strides = array<i32>} : memref<250x80xi32, #tpu.memory_space<vmem>>, vector<1x16xi32>,
      %get3A_102 = vector.shape_cast %get3A_101 : vector<1x16xi32> to vector<16xi32>
      %sub3A_103 = vector.broadcast %mul3A_0 : i32 to vector<16xi32>
      %sub3A_104 = arith.subi %get3A_102, %sub3A_103 : vector<16xi32>
      %ge3A_105 = arith.constant 0 : i32
      %ge3A_106 = vector.broadcast %ge3A_105 : i32 to vector<16xi32>
      %ge3A_107 = arith.cmpi sge, %sub3A_104, %ge3A_106 : vector<16xi32>
      %lt3A_108 = arith.constant 5120 : i32
      %lt3A_109 = vector.broadcast %lt3A_108 : i32 to vector<16xi32>
      %lt3A_110 = arith.cmpi slt, %sub3A_104, %lt3A_109 : vector<16xi32>
      %and3A_111 = arith.andi %ge3A_107, %lt3A_110 : vector<16xi1>
      %jit3A_112 = arith.constant 5240 : i32
      %broadcast_in_dim3A_113 = vector.broadcast %jit3A_112 : i32 to vector<16xi32>
      %select_n3A_114 = arith.select %and3A_111, %sub3A_104, %broadcast_in_dim3A_113 : vector<16xi1>, vector<16xi32>
      %swap3A_115 = arith.constant 64 : index
      %swap3A_116 = tpu.vector_load %arg8[%swap3A_115] {strides = array<i32>} : memref<80xi32, #tpu.memory_space<vmem>>, vector<16xi32>,
      %swap3A_117 = vector.shape_cast %swap3A_116 : vector<16xi32> to vector<16xi32>
      %swap3A_118 = vector.shape_cast %select_n3A_114 : vector<16xi32> to vector<16xi32>
      tpu.vector_store %arg8[%swap3A_115], %swap3A_118 {strides = array<i32>} : memref<80xi32, #tpu.memory_space<vmem>>, vector<16xi32>,
      "tpu.region"() ({
        %run_scoped3A = tpu.sem_alloc : memref<!tpu.dma_semaphore, #tpu.memory_space<semaphore_mem>>
        %dma_start3A_119 = arith.constant 0 : i32
        %dma_start3A_120 = arith.constant 0 : i32
        %dma_start3A_121 = tpu.memref_slice %arg9[%dma_start3A_119, %dma_start3A_120] : memref<5248x128xf32, #tpu.memory_space<vmem_shared>> -> memref<5248x128xf32, #tpu.memory_space<vmem_shared>>
        tpu.enqueue_indirect_dma source(%arg7 : memref<80x128xf32, #tpu.memory_space<vmem>>) target(%dma_start3A_121 : memref<5248x128xf32, #tpu.memory_space<vmem_shared>>) offsets(%arg8 : memref<80xi32, #tpu.memory_space<vmem>>) semaphore(%run_scoped3A : memref<!tpu.dma_semaphore, #tpu.memory_space<semaphore_mem>>) {add = true}
        %dma_wait3A_122 = arith.constant 0 : i32
        %dma_wait3A_123 = arith.constant 0 : i32
        %dma_wait3A_124 = tpu.memref_slice %arg9[%dma_wait3A_122, %dma_wait3A_123] : memref<5248x128xf32, #tpu.memory_space<vmem_shared>> -> memref<5248x128xf32, #tpu.memory_space<vmem_shared>>
        tpu.wait_indirect_dma semaphore(%run_scoped3A : memref<!tpu.dma_semaphore, #tpu.memory_space<semaphore_mem>>) src(%arg7 : memref<80x128xf32, #tpu.memory_space<vmem>>) dst(%dma_wait3A_124 : memref<5248x128xf32, #tpu.memory_space<vmem_shared>>)
        tpu.yield
      }) : () -> ()
    }
    %scan3A_7 = arith.constant 250 : i32
    %barrier3A_8 = arith.constant 0 : index
    tpu.barrier barrier_id(%barrier3A_8)
    %mul3A_9 = arith.constant 328 : i32
    %mul3A_10 = arith.muli %arg1, %mul3A_9 : i32
    %mul3A_11 = arith.constant 328 : i32
    %mul3A_12 = arith.muli %arg1, %mul3A_11 : i32
    "tpu.region"() ({
      %run_scoped3A = tpu.sem_alloc : memref<!tpu.dma_semaphore, #tpu.memory_space<semaphore_mem>>
      %dma_start3A = arith.constant 0 : i32
      %dma_start3A_13 = tpu.memref_slice %arg5[%arg0, %mul3A_12, %dma_start3A] : memref<2x5248x128xf32, #tpu.memory_space<hbm>> -> memref<1x328x128xf32, #tpu.memory_space<hbm>>
      %dma_start3A_14 = tpu.memref_squeeze %dma_start3A_13 : memref<1x328x128xf32, #tpu.memory_space<hbm>> -> memref<328x128xf32, #tpu.memory_space<hbm>>
      %dma_start3A_15 = arith.constant 0 : i32
      %dma_start3A_16 = tpu.memref_slice %arg9[%mul3A_10, %dma_start3A_15] : memref<5248x128xf32, #tpu.memory_space<vmem_shared>> -> memref<328x128xf32, #tpu.memory_space<vmem_shared>>
      tpu.enqueue_dma source(%dma_start3A_16 : memref<328x128xf32, #tpu.memory_space<vmem_shared>>) target(%dma_start3A_14 : memref<328x128xf32, #tpu.memory_space<hbm>>) target_semaphore(%run_scoped3A : memref<!tpu.dma_semaphore, #tpu.memory_space<semaphore_mem>>)
      %dma_wait3A = arith.constant 0 : i32
      %dma_wait3A_17 = tpu.memref_slice %arg5[%arg0, %mul3A_12, %dma_wait3A] : memref<2x5248x128xf32, #tpu.memory_space<hbm>> -> memref<1x328x128xf32, #tpu.memory_space<hbm>>
      %dma_wait3A_18 = tpu.memref_squeeze %dma_wait3A_17 : memref<1x328x128xf32, #tpu.memory_space<hbm>> -> memref<328x128xf32, #tpu.memory_space<hbm>>
      %dma_wait3A_19 = arith.constant 0 : i32
      %dma_wait3A_20 = tpu.memref_slice %arg9[%mul3A_10, %dma_wait3A_19] : memref<5248x128xf32, #tpu.memory_space<vmem_shared>> -> memref<328x128xf32, #tpu.memory_space<vmem_shared>>
      tpu.wait_dma2 semaphore(%run_scoped3A : memref<!tpu.dma_semaphore, #tpu.memory_space<semaphore_mem>>) src(%dma_wait3A_20 : memref<328x128xf32, #tpu.memory_space<vmem_shared>>) dst(%dma_wait3A_18 : memref<328x128xf32, #tpu.memory_space<hbm>>)
      tpu.yield
    }) : () -> ()
    return
  }
}

module attributes {stable_mosaic.version = 14 : i64} {
  func.func @_eamax_body(%arg0: i32, %arg1: memref<20000x16xf32, #tpu.memory_space<vmem>>, %arg2: memref<1x128xf32, #tpu.memory_space<vmem>>, %arg3: memref<4xf32, #tpu.memory_space<smem>>) attributes {dimension_semantics = [#tpu.dimension_semantics<arbitrary>], iteration_bounds = array<i64: 16>, scalar_prefetch = 0 : i64, scratch_operands = 1 : i64, tpu.core_type = #tpu.core_type<tc>, window_params = [{transform_indices = @transform_0, window_bounds = array<i64: 20000, 16>}, {pipeline_mode = #tpu.pipeline_mode<synchronous>, transform_indices = @transform_1, window_bounds = array<i64: 1, 128>}]} {
    %get3A = arith.constant 0 : index
    %get3A_0 = arith.constant 0 : index
    %get3A_1 = vector.load %arg1[%get3A, %get3A_0] : memref<20000x16xf32, #tpu.memory_space<vmem>>, vector<20000x16xf32>
    %mul3A = arith.mulf %get3A_1, %get3A_1 : vector<20000x16xf32>
    %reduce_sum3A = arith.constant dense<0.000000e+00> : vector<20000xf32>
    %reduce_sum3A_2 = vector.multi_reduction <add>, %mul3A, %reduce_sum3A [1] : vector<20000x16xf32> to vector<20000xf32>
    %reduce_max3A = vector.shape_cast %reduce_sum3A_2 : vector<20000xf32> to vector<1x20000xf32>
    %reduce_max3A_3 = arith.constant dense<0xFF800000> : vector<1xf32>
    %reduce_max3A_4 = vector.multi_reduction <maximumf>, %reduce_max3A, %reduce_max3A_3 [1] : vector<1x20000xf32> to vector<1xf32>
    %reduce_max3A_5 = vector.shape_cast %reduce_max3A_4 : vector<1xf32> to vector<1x1xf32>
    %reduce_max3A_6 = vector.extract %reduce_max3A_5[0, 0] : f32 from vector<1x1xf32>
    %eq3A = arith.constant 0 : i32
    %eq3A_7 = arith.cmpi eq, %arg0, %eq3A : i32
    %get3A_8 = arith.constant 0 : index
    %get3A_9 = memref.load %arg3[%get3A_8] : memref<4xf32, #tpu.memory_space<smem>>
    %jit3A = arith.constant 0xFF800000 : f32
    %select_n3A = arith.select %eq3A_7, %jit3A, %get3A_9 : f32
    %max3A = arith.maximumf %select_n3A, %reduce_max3A_6 : f32
    %swap3A = arith.constant 0 : index
    %swap3A_10 = memref.load %arg3[%swap3A] : memref<4xf32, #tpu.memory_space<smem>>
    memref.store %max3A, %arg3[%swap3A] : memref<4xf32, #tpu.memory_space<smem>>
    %eq3A_11 = arith.constant 15 : i32
    %eq3A_12 = arith.cmpi eq, %arg0, %eq3A_11 : i32
    %convert_element_type3A = arith.extui %eq3A_12 : i1 to i32
    %cond3A = arith.constant 0 : i32
    %cond3A_13 = arith.cmpi ne, %convert_element_type3A, %cond3A : i32
    scf.if %cond3A_13 {
      %get3A_14 = arith.constant 0 : index
      %get3A_15 = memref.load %arg3[%get3A_14] : memref<4xf32, #tpu.memory_space<smem>>
      %broadcast_in_dim3A = vector.broadcast %get3A_15 : f32 to vector<1x128xf32>
      %swap3A_16 = arith.constant 0 : index
      %swap3A_17 = arith.constant 0 : index
      %swap3A_18 = vector.load %arg2[%swap3A_16, %swap3A_17] : memref<1x128xf32, #tpu.memory_space<vmem>>, vector<1x128xf32>
      tpu.vector_store %arg2[%swap3A_16, %swap3A_17], %broadcast_in_dim3A {strides = array<i32>} : memref<1x128xf32, #tpu.memory_space<vmem>>, vector<1x128xf32>,
    } else {
    }
    return
  }
  func.func @transform_0(%arg0: i32) -> (i32, i32) {
    %c0_i32 = arith.constant 0 : i32
    %c0_i32_0 = arith.constant 0 : i32
    return %arg0, %c0_i32 : i32, i32
  }
  func.func @transform_1(%arg0: i32) -> (i32, i32) {
    %c0_i32 = arith.constant 0 : i32
    %c0_i32_0 = arith.constant 0 : i32
    %c0_i32_1 = arith.constant 0 : i32
    return %c0_i32, %c0_i32_0 : i32, i32
  }
}

module attributes {stable_mosaic.version = 14 : i64} {
  func.func @_prep1_body(%arg0: i32, %arg1: memref<1000x128xf32, #tpu.memory_space<vmem>>, %arg2: memref<128x64xf32, #tpu.memory_space<vmem>>, %arg3: memref<1x64xf32, #tpu.memory_space<vmem>>, %arg4: memref<128x64xf32, #tpu.memory_space<vmem>>, %arg5: memref<1x64xf32, #tpu.memory_space<vmem>>, %arg6: memref<128x64xf32, #tpu.memory_space<vmem>>, %arg7: memref<1x64xf32, #tpu.memory_space<vmem>>, %arg8: memref<64x16xf32, #tpu.memory_space<vmem>>, %arg9: memref<128x64xf32, #tpu.memory_space<vmem>>, %arg10: memref<1x64xf32, #tpu.memory_space<vmem>>, %arg11: memref<1x128xf32, #tpu.memory_space<vmem>>, %arg12: memref<1000x128xf32, #tpu.memory_space<vmem>>, %arg13: memref<1000x128xf32, #tpu.memory_space<vmem>>, %arg14: memref<1000x64xf32, #tpu.memory_space<vmem>>, %arg15: memref<1x128xf32, #tpu.memory_space<vmem>>, %arg16: memref<4xf32, #tpu.memory_space<smem>>) attributes {dimension_semantics = [#tpu.dimension_semantics<arbitrary>], iteration_bounds = array<i64: 10>, scalar_prefetch = 0 : i64, scratch_operands = 1 : i64, tpu.core_type = #tpu.core_type<tc>, window_params = [{transform_indices = @transform_0, window_bounds = array<i64: 1000, 128>}, {pipeline_mode = #tpu.pipeline_mode<synchronous>, transform_indices = @transform_1, window_bounds = array<i64: 128, 64>}, {pipeline_mode = #tpu.pipeline_mode<synchronous>, transform_indices = @transform_2, window_bounds = array<i64: 1, 64>}, {pipeline_mode = #tpu.pipeline_mode<synchronous>, transform_indices = @transform_3, window_bounds = array<i64: 128, 64>}, {pipeline_mode = #tpu.pipeline_mode<synchronous>, transform_indices = @transform_4, window_bounds = array<i64: 1, 64>}, {pipeline_mode = #tpu.pipeline_mode<synchronous>, transform_indices = @transform_5, window_bounds = array<i64: 128, 64>}, {pipeline_mode = #tpu.pipeline_mode<synchronous>, transform_indices = @transform_6, window_bounds = array<i64: 1, 64>}, {pipeline_mode = #tpu.pipeline_mode<synchronous>, transform_indices = @transform_7, window_bounds = array<i64: 64, 16>}, {pipeline_mode = #tpu.pipeline_mode<synchronous>, transform_indices = @transform_8, window_bounds = array<i64: 128, 64>}, {pipeline_mode = #tpu.pipeline_mode<synchronous>, transform_indices = @transform_9, window_bounds = array<i64: 1, 64>}, {pipeline_mode = #tpu.pipeline_mode<synchronous>, transform_indices = @transform_10, window_bounds = array<i64: 1, 128>}, {transform_indices = @transform_11, window_bounds = array<i64: 1000, 128>}, {transform_indices = @transform_12, window_bounds = array<i64: 1000, 128>}, {transform_indices = @transform_13, window_bounds = array<i64: 1000, 64>}, {pipeline_mode = #tpu.pipeline_mode<synchronous>, transform_indices = @transform_14, window_bounds = array<i64: 1, 128>}]} {
    %get3A = arith.constant 0 : index
    %get3A_0 = arith.constant 0 : index
    %get3A_1 = vector.load %arg1[%get3A, %get3A_0] : memref<1000x128xf32, #tpu.memory_space<vmem>>, vector<1000x128xf32>
    %get3A_2 = arith.constant 0 : index
    %get3A_3 = arith.constant 0 : index
    %get3A_4 = vector.load %arg2[%get3A_2, %get3A_3] : memref<128x64xf32, #tpu.memory_space<vmem>>, vector<128x64xf32>
    %dot_general3A = arith.constant dense<0.000000e+00> : vector<1000x64xf32>
    %dot_general3A_5 = tpu.matmul %get3A_1, %get3A_4, %dot_general3A {dimension_numbers = #tpu.dot_dimension_numbers<[1], [0], [0], [1], [0, 0, 1, 1], [], []>, transpose_lhs_hint = false} : vector<1000x128xf32>, vector<128x64xf32>, vector<1000x64xf32> -> vector<1000x64xf32>
    %get3A_6 = arith.constant 0 : index
    %get3A_7 = arith.constant 0 : index
    %get3A_8 = vector.load %arg3[%get3A_6, %get3A_7] : memref<1x64xf32, #tpu.memory_space<vmem>>, vector<1x64xf32>
    %add3A = vector.broadcast %get3A_8 : vector<1x64xf32> to vector<1000x64xf32>
    %add3A_9 = arith.addf %dot_general3A_5, %add3A : vector<1000x64xf32>
    %get3A_10 = arith.constant 0 : index
    %get3A_11 = arith.constant 0 : index
    %get3A_12 = vector.load %arg4[%get3A_10, %get3A_11] : memref<128x64xf32, #tpu.memory_space<vmem>>, vector<128x64xf32>
    %dot_general3A_13 = arith.constant dense<0.000000e+00> : vector<1000x64xf32>
    %dot_general3A_14 = tpu.matmul %get3A_1, %get3A_12, %dot_general3A_13 {dimension_numbers = #tpu.dot_dimension_numbers<[1], [0], [0], [1], [0, 0, 1, 1], [], []>, transpose_lhs_hint = false} : vector<1000x128xf32>, vector<128x64xf32>, vector<1000x64xf32> -> vector<1000x64xf32>
    %get3A_15 = arith.constant 0 : index
    %get3A_16 = arith.constant 0 : index
    %get3A_17 = vector.load %arg5[%get3A_15, %get3A_16] : memref<1x64xf32, #tpu.memory_space<vmem>>, vector<1x64xf32>
    %add3A_18 = vector.broadcast %get3A_17 : vector<1x64xf32> to vector<1000x64xf32>
    %add3A_19 = arith.addf %dot_general3A_14, %add3A_18 : vector<1000x64xf32>
    %get3A_20 = arith.constant 0 : index
    %get3A_21 = arith.constant 0 : index
    %get3A_22 = vector.load %arg6[%get3A_20, %get3A_21] : memref<128x64xf32, #tpu.memory_space<vmem>>, vector<128x64xf32>
    %dot_general3A_23 = arith.constant dense<0.000000e+00> : vector<1000x64xf32>
    %dot_general3A_24 = tpu.matmul %get3A_1, %get3A_22, %dot_general3A_23 {dimension_numbers = #tpu.dot_dimension_numbers<[1], [0], [0], [1], [0, 0, 1, 1], [], []>, transpose_lhs_hint = false} : vector<1000x128xf32>, vector<128x64xf32>, vector<1000x64xf32> -> vector<1000x64xf32>
    %get3A_25 = arith.constant 0 : index
    %get3A_26 = arith.constant 0 : index
    %get3A_27 = vector.load %arg7[%get3A_25, %get3A_26] : memref<1x64xf32, #tpu.memory_space<vmem>>, vector<1x64xf32>
    %add3A_28 = vector.broadcast %get3A_27 : vector<1x64xf32> to vector<1000x64xf32>
    %add3A_29 = arith.addf %dot_general3A_24, %add3A_28 : vector<1000x64xf32>
    %get3A_30 = arith.constant 0 : index
    %get3A_31 = arith.constant 0 : index
    %get3A_32 = vector.load %arg8[%get3A_30, %get3A_31] : memref<64x16xf32, #tpu.memory_space<vmem>>, vector<64x16xf32>
    %dot_general3A_33 = arith.constant dense<0.000000e+00> : vector<1000x16xf32>
    %dot_general3A_34 = tpu.matmul %add3A_9, %get3A_32, %dot_general3A_33 {dimension_numbers = #tpu.dot_dimension_numbers<[1], [0], [0], [1], [0, 0, 1, 1], [], []>, transpose_lhs_hint = false} : vector<1000x64xf32>, vector<64x16xf32>, vector<1000x16xf32> -> vector<1000x16xf32>
    %broadcast_in_dim3A = arith.constant 0.000000e+00 : f32
    %broadcast_in_dim3A_35 = vector.broadcast %broadcast_in_dim3A : f32 to vector<1000x48xf32>
    %concatenate3A = tpu.concatenate %add3A_9, %dot_general3A_34, %broadcast_in_dim3A_35 in 1 : vector<1000x64xf32>, vector<1000x16xf32>, vector<1000x48xf32> -> vector<1000x128xf32>
    %swap3A = arith.constant 0 : index
    %swap3A_36 = arith.constant 0 : index
    %swap3A_37 = vector.load %arg12[%swap3A, %swap3A_36] : memref<1000x128xf32, #tpu.memory_space<vmem>>, vector<1000x128xf32>
    tpu.vector_store %arg12[%swap3A, %swap3A_36], %concatenate3A {strides = array<i32>} : memref<1000x128xf32, #tpu.memory_space<vmem>>, vector<1000x128xf32>,
    %concatenate3A_38 = tpu.concatenate %add3A_19, %add3A_29 in 1 : vector<1000x64xf32>, vector<1000x64xf32> -> vector<1000x128xf32>
    %swap3A_39 = arith.constant 0 : index
    %swap3A_40 = arith.constant 0 : index
    %swap3A_41 = vector.load %arg13[%swap3A_39, %swap3A_40] : memref<1000x128xf32, #tpu.memory_space<vmem>>, vector<1000x128xf32>
    tpu.vector_store %arg13[%swap3A_39, %swap3A_40], %concatenate3A_38 {strides = array<i32>} : memref<1000x128xf32, #tpu.memory_space<vmem>>, vector<1000x128xf32>,
    %get3A_42 = arith.constant 0 : index
    %get3A_43 = arith.constant 0 : index
    %get3A_44 = vector.load %arg9[%get3A_42, %get3A_43] : memref<128x64xf32, #tpu.memory_space<vmem>>, vector<128x64xf32>
    %dot_general3A_45 = arith.constant dense<0.000000e+00> : vector<1000x64xf32>
    %dot_general3A_46 = tpu.matmul %get3A_1, %get3A_44, %dot_general3A_45 {dimension_numbers = #tpu.dot_dimension_numbers<[1], [0], [0], [1], [0, 0, 1, 1], [], []>, transpose_lhs_hint = false} : vector<1000x128xf32>, vector<128x64xf32>, vector<1000x64xf32> -> vector<1000x64xf32>
    %get3A_47 = arith.constant 0 : index
    %get3A_48 = arith.constant 0 : index
    %get3A_49 = vector.load %arg10[%get3A_47, %get3A_48] : memref<1x64xf32, #tpu.memory_space<vmem>>, vector<1x64xf32>
    %add3A_50 = vector.broadcast %get3A_49 : vector<1x64xf32> to vector<1000x64xf32>
    %add3A_51 = arith.addf %dot_general3A_46, %add3A_50 : vector<1000x64xf32>
    %swap3A_52 = arith.constant 0 : index
    %swap3A_53 = arith.constant 0 : index
    %swap3A_54 = vector.load %arg14[%swap3A_52, %swap3A_53] : memref<1000x64xf32, #tpu.memory_space<vmem>>, vector<1000x64xf32>
    tpu.vector_store %arg14[%swap3A_52, %swap3A_53], %add3A_51 {strides = array<i32>} : memref<1000x64xf32, #tpu.memory_space<vmem>>, vector<1000x64xf32>,
    %mul3A = arith.mulf %add3A_9, %add3A_9 : vector<1000x64xf32>
    %reduce_sum3A = arith.constant dense<0.000000e+00> : vector<1000xf32>
    %reduce_sum3A_55 = vector.multi_reduction <add>, %mul3A, %reduce_sum3A [1] : vector<1000x64xf32> to vector<1000xf32>
    %reduce_max3A = vector.shape_cast %reduce_sum3A_55 : vector<1000xf32> to vector<1x1000xf32>
    %reduce_max3A_56 = arith.constant dense<0xFF800000> : vector<1xf32>
    %reduce_max3A_57 = vector.multi_reduction <maximumf>, %reduce_max3A, %reduce_max3A_56 [1] : vector<1x1000xf32> to vector<1xf32>
    %reduce_max3A_58 = vector.shape_cast %reduce_max3A_57 : vector<1xf32> to vector<1x1xf32>
    %reduce_max3A_59 = vector.extract %reduce_max3A_58[0, 0] : f32 from vector<1x1xf32>
    %mul3A_60 = arith.mulf %add3A_19, %add3A_19 : vector<1000x64xf32>
    %reduce_sum3A_61 = arith.constant dense<0.000000e+00> : vector<1000xf32>
    %reduce_sum3A_62 = vector.multi_reduction <add>, %mul3A_60, %reduce_sum3A_61 [1] : vector<1000x64xf32> to vector<1000xf32>
    %reduce_max3A_63 = vector.shape_cast %reduce_sum3A_62 : vector<1000xf32> to vector<1x1000xf32>
    %reduce_max3A_64 = arith.constant dense<0xFF800000> : vector<1xf32>
    %reduce_max3A_65 = vector.multi_reduction <maximumf>, %reduce_max3A_63, %reduce_max3A_64 [1] : vector<1x1000xf32> to vector<1xf32>
    %reduce_max3A_66 = vector.shape_cast %reduce_max3A_65 : vector<1xf32> to vector<1x1xf32>
    %reduce_max3A_67 = vector.extract %reduce_max3A_66[0, 0] : f32 from vector<1x1xf32>
    %mul3A_68 = arith.mulf %dot_general3A_34, %dot_general3A_34 : vector<1000x16xf32>
    %reduce_sum3A_69 = arith.constant dense<0.000000e+00> : vector<1000xf32>
    %reduce_sum3A_70 = vector.multi_reduction <add>, %mul3A_68, %reduce_sum3A_69 [1] : vector<1000x16xf32> to vector<1000xf32>
    %reduce_max3A_71 = vector.shape_cast %reduce_sum3A_70 : vector<1000xf32> to vector<1x1000xf32>
    %reduce_max3A_72 = arith.constant dense<0xFF800000> : vector<1xf32>
    %reduce_max3A_73 = vector.multi_reduction <maximumf>, %reduce_max3A_71, %reduce_max3A_72 [1] : vector<1x1000xf32> to vector<1xf32>
    %reduce_max3A_74 = vector.shape_cast %reduce_max3A_73 : vector<1xf32> to vector<1x1xf32>
    %reduce_max3A_75 = vector.extract %reduce_max3A_74[0, 0] : f32 from vector<1x1xf32>
    %eq3A = arith.constant 0 : i32
    %eq3A_76 = arith.cmpi eq, %arg0, %eq3A : i32
    %get3A_77 = arith.constant 0 : index
    %get3A_78 = memref.load %arg16[%get3A_77] : memref<4xf32, #tpu.memory_space<smem>>
    %jit3A = arith.constant 0xFF800000 : f32
    %select_n3A = arith.select %eq3A_76, %jit3A, %get3A_78 : f32
    %max3A = arith.maximumf %select_n3A, %reduce_max3A_59 : f32
    %swap3A_79 = arith.constant 0 : index
    %swap3A_80 = memref.load %arg16[%swap3A_79] : memref<4xf32, #tpu.memory_space<smem>>
    memref.store %max3A, %arg16[%swap3A_79] : memref<4xf32, #tpu.memory_space<smem>>
    %get3A_81 = arith.constant 1 : index
    %get3A_82 = memref.load %arg16[%get3A_81] : memref<4xf32, #tpu.memory_space<smem>>
    %jit3A_83 = arith.constant 0xFF800000 : f32
    %select_n3A_84 = arith.select %eq3A_76, %jit3A_83, %get3A_82 : f32
    %max3A_85 = arith.maximumf %select_n3A_84, %reduce_max3A_67 : f32
    %swap3A_86 = arith.constant 1 : index
    %swap3A_87 = memref.load %arg16[%swap3A_86] : memref<4xf32, #tpu.memory_space<smem>>
    memref.store %max3A_85, %arg16[%swap3A_86] : memref<4xf32, #tpu.memory_space<smem>>
    %get3A_88 = arith.constant 2 : index
    %get3A_89 = memref.load %arg16[%get3A_88] : memref<4xf32, #tpu.memory_space<smem>>
    %jit3A_90 = arith.constant 0xFF800000 : f32
    %select_n3A_91 = arith.select %eq3A_76, %jit3A_90, %get3A_89 : f32
    %max3A_92 = arith.maximumf %select_n3A_91, %reduce_max3A_75 : f32
    %swap3A_93 = arith.constant 2 : index
    %swap3A_94 = memref.load %arg16[%swap3A_93] : memref<4xf32, #tpu.memory_space<smem>>
    memref.store %max3A_92, %arg16[%swap3A_93] : memref<4xf32, #tpu.memory_space<smem>>
    %eq3A_95 = arith.constant 9 : i32
    %eq3A_96 = arith.cmpi eq, %arg0, %eq3A_95 : i32
    %convert_element_type3A = arith.extui %eq3A_96 : i1 to i32
    %cond3A = arith.constant 0 : i32
    %cond3A_97 = arith.cmpi ne, %convert_element_type3A, %cond3A : i32
    scf.if %cond3A_97 {
      %get3A_98 = arith.constant 0 : index
      %get3A_99 = arith.constant 0 : index
      %get3A_100 = vector.load %arg11[%get3A_98, %get3A_99] : memref<1x128xf32, #tpu.memory_space<vmem>>, vector<1x128xf32>
      %get3A_101 = arith.constant 0 : index
      %get3A_102 = memref.load %arg16[%get3A_101] : memref<4xf32, #tpu.memory_space<smem>>
      %get3A_103 = arith.constant 1 : index
      %get3A_104 = memref.load %arg16[%get3A_103] : memref<4xf32, #tpu.memory_space<smem>>
      %mul3A_105 = arith.mulf %get3A_102, %get3A_104 : f32
      %sqrt3A = math.sqrt %mul3A_105 : f32
      %get3A_106 = arith.constant 2 : index
      %get3A_107 = memref.load %arg16[%get3A_106] : memref<4xf32, #tpu.memory_space<smem>>
      %mul3A_108 = vector.broadcast %get3A_107 : f32 to vector<1x128xf32>
      %mul3A_109 = arith.mulf %mul3A_108, %get3A_100 : vector<1x128xf32>
      %sqrt3A_110 = math.sqrt %mul3A_109 : vector<1x128xf32>
      %add3A_111 = vector.broadcast %sqrt3A : f32 to vector<1x128xf32>
      %add3A_112 = arith.addf %add3A_111, %sqrt3A_110 : vector<1x128xf32>
      %div3A = arith.constant 8.000000e+00 : f32
      %div3A_113 = vector.broadcast %div3A : f32 to vector<1x128xf32>
      %div3A_114 = arith.divf %add3A_112, %div3A_113 : vector<1x128xf32>
      %swap3A_115 = arith.constant 0 : index
      %swap3A_116 = arith.constant 0 : index
      %swap3A_117 = vector.load %arg15[%swap3A_115, %swap3A_116] : memref<1x128xf32, #tpu.memory_space<vmem>>, vector<1x128xf32>
      tpu.vector_store %arg15[%swap3A_115, %swap3A_116], %div3A_114 {strides = array<i32>} : memref<1x128xf32, #tpu.memory_space<vmem>>, vector<1x128xf32>,
    } else {
    }
    return
  }
  func.func @transform_0(%arg0: i32) -> (i32, i32) {
    %c0_i32 = arith.constant 0 : i32
    %c0_i32_0 = arith.constant 0 : i32
    return %arg0, %c0_i32 : i32, i32
  }
  func.func @transform_1(%arg0: i32) -> (i32, i32) {
    %c0_i32 = arith.constant 0 : i32
    %c0_i32_0 = arith.constant 0 : i32
    %c0_i32_1 = arith.constant 0 : i32
    return %c0_i32, %c0_i32_0 : i32, i32
  }
  func.func @transform_2(%arg0: i32) -> (i32, i32) {
    %c0_i32 = arith.constant 0 : i32
    %c0_i32_0 = arith.constant 0 : i32
    %c0_i32_1 = arith.constant 0 : i32
    return %c0_i32, %c0_i32_0 : i32, i32
  }
  func.func @transform_3(%arg0: i32) -> (i32, i32) {
    %c0_i32 = arith.constant 0 : i32
    %c0_i32_0 = arith.constant 0 : i32
    %c0_i32_1 = arith.constant 0 : i32
    return %c0_i32, %c0_i32_0 : i32, i32
  }
  func.func @transform_4(%arg0: i32) -> (i32, i32) {
    %c0_i32 = arith.constant 0 : i32
    %c0_i32_0 = arith.constant 0 : i32
    %c0_i32_1 = arith.constant 0 : i32
    return %c0_i32, %c0_i32_0 : i32, i32
  }
  func.func @transform_5(%arg0: i32) -> (i32, i32) {
    %c0_i32 = arith.constant 0 : i32
    %c0_i32_0 = arith.constant 0 : i32
    %c0_i32_1 = arith.constant 0 : i32
    return %c0_i32, %c0_i32_0 : i32, i32
  }
  func.func @transform_6(%arg0: i32) -> (i32, i32) {
    %c0_i32 = arith.constant 0 : i32
    %c0_i32_0 = arith.constant 0 : i32
    %c0_i32_1 = arith.constant 0 : i32
    return %c0_i32, %c0_i32_0 : i32, i32
  }
  func.func @transform_7(%arg0: i32) -> (i32, i32) {
    %c0_i32 = arith.constant 0 : i32
    %c0_i32_0 = arith.constant 0 : i32
    %c0_i32_1 = arith.constant 0 : i32
    return %c0_i32, %c0_i32_0 : i32, i32
  }
  func.func @transform_8(%arg0: i32) -> (i32, i32) {
    %c0_i32 = arith.constant 0 : i32
    %c0_i32_0 = arith.constant 0 : i32
    %c0_i32_1 = arith.constant 0 : i32
    return %c0_i32, %c0_i32_0 : i32, i32
  }
  func.func @transform_9(%arg0: i32) -> (i32, i32) {
    %c0_i32 = arith.constant 0 : i32
    %c0_i32_0 = arith.constant 0 : i32
    %c0_i32_1 = arith.constant 0 : i32
    return %c0_i32, %c0_i32_0 : i32, i32
  }
  func.func @transform_10(%arg0: i32) -> (i32, i32) {
    %c0_i32 = arith.constant 0 : i32
    %c0_i32_0 = arith.constant 0 : i32
    %c0_i32_1 = arith.constant 0 : i32
    return %c0_i32, %c0_i32_0 : i32, i32
  }
  func.func @transform_11(%arg0: i32) -> (i32, i32) {
    %c0_i32 = arith.constant 0 : i32
    %c0_i32_0 = arith.constant 0 : i32
    return %arg0, %c0_i32 : i32, i32
  }
  func.func @transform_12(%arg0: i32) -> (i32, i32) {
    %c0_i32 = arith.constant 0 : i32
    %c0_i32_0 = arith.constant 0 : i32
    return %arg0, %c0_i32 : i32, i32
  }
  func.func @transform_13(%arg0: i32) -> (i32, i32) {
    %c0_i32 = arith.constant 0 : i32
    %c0_i32_0 = arith.constant 0 : i32
    return %arg0, %c0_i32 : i32, i32
  }
  func.func @transform_14(%arg0: i32) -> (i32, i32) {
    %c0_i32 = arith.constant 0 : i32
    %c0_i32_0 = arith.constant 0 : i32
    %c0_i32_1 = arith.constant 0 : i32
    return %c0_i32, %c0_i32_0 : i32, i32
  }
}

module attributes {stable_mosaic.version = 14 : i64} {
  func.func @_combine1_body(%arg0: i32, %arg1: memref<1000x128xf32, #tpu.memory_space<vmem>>, %arg2: memref<16x64xf32, #tpu.memory_space<vmem>>, %arg3: memref<1000x64xf32, #tpu.memory_space<vmem>>, %arg4: memref<1x64xf32, #tpu.memory_space<vmem>>, %arg5: memref<1x64xf32, #tpu.memory_space<vmem>>, %arg6: memref<64x16xf32, #tpu.memory_space<vmem>>, %arg7: memref<1x16xf32, #tpu.memory_space<vmem>>, %arg8: memref<64x16xf32, #tpu.memory_space<vmem>>, %arg9: memref<1x16xf32, #tpu.memory_space<vmem>>, %arg10: memref<64x16xf32, #tpu.memory_space<vmem>>, %arg11: memref<1x16xf32, #tpu.memory_space<vmem>>, %arg12: memref<16x16xf32, #tpu.memory_space<vmem>>, %arg13: memref<64x16xf32, #tpu.memory_space<vmem>>, %arg14: memref<1x16xf32, #tpu.memory_space<vmem>>, %arg15: memref<1x128xf32, #tpu.memory_space<vmem>>, %arg16: memref<1000x128xf32, #tpu.memory_space<vmem>>, %arg17: memref<1000x128xf32, #tpu.memory_space<vmem>>, %arg18: memref<1000x16xf32, #tpu.memory_space<vmem>>, %arg19: memref<1x128xf32, #tpu.memory_space<vmem>>, %arg20: memref<4xf32, #tpu.memory_space<smem>>) attributes {dimension_semantics = [#tpu.dimension_semantics<arbitrary>], iteration_bounds = array<i64: 10>, scalar_prefetch = 0 : i64, scratch_operands = 1 : i64, tpu.core_type = #tpu.core_type<tc>, window_params = [{transform_indices = @transform_0, window_bounds = array<i64: 1000, 128>}, {pipeline_mode = #tpu.pipeline_mode<synchronous>, transform_indices = @transform_1, window_bounds = array<i64: 16, 64>}, {transform_indices = @transform_2, window_bounds = array<i64: 1000, 64>}, {pipeline_mode = #tpu.pipeline_mode<synchronous>, transform_indices = @transform_3, window_bounds = array<i64: 1, 64>}, {pipeline_mode = #tpu.pipeline_mode<synchronous>, transform_indices = @transform_4, window_bounds = array<i64: 1, 64>}, {pipeline_mode = #tpu.pipeline_mode<synchronous>, transform_indices = @transform_5, window_bounds = array<i64: 64, 16>}, {pipeline_mode = #tpu.pipeline_mode<synchronous>, transform_indices = @transform_6, window_bounds = array<i64: 1, 16>}, {pipeline_mode = #tpu.pipeline_mode<synchronous>, transform_indices = @transform_7, window_bounds = array<i64: 64, 16>}, {pipeline_mode = #tpu.pipeline_mode<synchronous>, transform_indices = @transform_8, window_bounds = array<i64: 1, 16>}, {pipeline_mode = #tpu.pipeline_mode<synchronous>, transform_indices = @transform_9, window_bounds = array<i64: 64, 16>}, {pipeline_mode = #tpu.pipeline_mode<synchronous>, transform_indices = @transform_10, window_bounds = array<i64: 1, 16>}, {pipeline_mode = #tpu.pipeline_mode<synchronous>, transform_indices = @transform_11, window_bounds = array<i64: 16, 16>}, {pipeline_mode = #tpu.pipeline_mode<synchronous>, transform_indices = @transform_12, window_bounds = array<i64: 64, 16>}, {pipeline_mode = #tpu.pipeline_mode<synchronous>, transform_indices = @transform_13, window_bounds = array<i64: 1, 16>}, {pipeline_mode = #tpu.pipeline_mode<synchronous>, transform_indices = @transform_14, window_bounds = array<i64: 1, 128>}, {transform_indices = @transform_15, window_bounds = array<i64: 1000, 128>}, {transform_indices = @transform_16, window_bounds = array<i64: 1000, 128>}, {transform_indices = @transform_17, window_bounds = array<i64: 1000, 16>}, {pipeline_mode = #tpu.pipeline_mode<synchronous>, transform_indices = @transform_18, window_bounds = array<i64: 1, 128>}]} {
    %get3A = arith.constant 0 : index
    %get3A_0 = arith.constant 0 : index
    %get3A_1 = vector.load %arg1[%get3A, %get3A_0] : memref<1000x128xf32, #tpu.memory_space<vmem>>, vector<1000x128xf32>
    %slice3A = vector.extract_strided_slice %get3A_1 {offsets = [0, 0], sizes = [1000, 64], strides = [1, 1]} : vector<1000x128xf32> to vector<1000x64xf32>
    %slice3A_2 = vector.extract_strided_slice %get3A_1 {offsets = [0, 64], sizes = [1000, 16], strides = [1, 1]} : vector<1000x128xf32> to vector<1000x16xf32>
    %slice3A_3 = vector.extract_strided_slice %get3A_1 {offsets = [0, 80], sizes = [1000, 1], strides = [1, 1]} : vector<1000x128xf32> to vector<1000x1xf32>
    %get3A_4 = arith.constant 0 : index
    %get3A_5 = arith.constant 0 : index
    %get3A_6 = vector.load %arg2[%get3A_4, %get3A_5] : memref<16x64xf32, #tpu.memory_space<vmem>>, vector<16x64xf32>
    %dot_general3A = arith.constant dense<0.000000e+00> : vector<1000x64xf32>
    %dot_general3A_7 = tpu.matmul %slice3A_2, %get3A_6, %dot_general3A {dimension_numbers = #tpu.dot_dimension_numbers<[1], [0], [0], [1], [0, 0, 1, 1], [], []>, transpose_lhs_hint = false} : vector<1000x16xf32>, vector<16x64xf32>, vector<1000x64xf32> -> vector<1000x64xf32>
    %add3A = arith.addf %slice3A, %dot_general3A_7 : vector<1000x64xf32>
    %add3A_8 = arith.constant 1.000000e-16 : f32
    %add3A_9 = vector.broadcast %add3A_8 : f32 to vector<1000x1xf32>
    %add3A_10 = arith.addf %slice3A_3, %add3A_9 : vector<1000x1xf32>
    %div3A = vector.broadcast %add3A_10 : vector<1000x1xf32> to vector<1000x64xf32>
    %div3A_11 = arith.divf %add3A, %div3A : vector<1000x64xf32>
    %get3A_12 = arith.constant 0 : index
    %get3A_13 = arith.constant 0 : index
    %get3A_14 = vector.load %arg3[%get3A_12, %get3A_13] : memref<1000x64xf32, #tpu.memory_space<vmem>>, vector<1000x64xf32>
    %add3A_15 = arith.addf %div3A_11, %get3A_14 : vector<1000x64xf32>
    %reduce_sum3A = arith.constant dense<0.000000e+00> : vector<1000xf32>
    %reduce_sum3A_16 = vector.multi_reduction <add>, %add3A_15, %reduce_sum3A [1] : vector<1000x64xf32> to vector<1000xf32>
    %broadcast_in_dim3A = vector.shape_cast %reduce_sum3A_16 : vector<1000xf32> to vector<1000x1xf32>
    %div3A_17 = arith.constant 6.400000e+01 : f32
    %div3A_18 = vector.broadcast %div3A_17 : f32 to vector<1000x1xf32>
    %div3A_19 = arith.divf %broadcast_in_dim3A, %div3A_18 : vector<1000x1xf32>
    %sub3A = vector.broadcast %div3A_19 : vector<1000x1xf32> to vector<1000x64xf32>
    %sub3A_20 = arith.subf %add3A_15, %sub3A : vector<1000x64xf32>
    %sub3A_21 = vector.broadcast %div3A_19 : vector<1000x1xf32> to vector<1000x64xf32>
    %sub3A_22 = arith.subf %add3A_15, %sub3A_21 : vector<1000x64xf32>
    %mul3A = arith.mulf %sub3A_20, %sub3A_22 : vector<1000x64xf32>
    %reduce_sum3A_23 = arith.constant dense<0.000000e+00> : vector<1000xf32>
    %reduce_sum3A_24 = vector.multi_reduction <add>, %mul3A, %reduce_sum3A_23 [1] : vector<1000x64xf32> to vector<1000xf32>
    %broadcast_in_dim3A_25 = vector.shape_cast %reduce_sum3A_24 : vector<1000xf32> to vector<1000x1xf32>
    %div3A_26 = arith.constant 6.400000e+01 : f32
    %div3A_27 = vector.broadcast %div3A_26 : f32 to vector<1000x1xf32>
    %div3A_28 = arith.divf %broadcast_in_dim3A_25, %div3A_27 : vector<1000x1xf32>
    %sub3A_29 = vector.broadcast %div3A_19 : vector<1000x1xf32> to vector<1000x64xf32>
    %sub3A_30 = arith.subf %add3A_15, %sub3A_29 : vector<1000x64xf32>
    %add3A_31 = arith.constant 9.99999974E-6 : f32
    %add3A_32 = vector.broadcast %add3A_31 : f32 to vector<1000x1xf32>
    %add3A_33 = arith.addf %div3A_28, %add3A_32 : vector<1000x1xf32>
    %sqrt3A = math.sqrt %add3A_33 : vector<1000x1xf32>
    %div3A_34 = vector.broadcast %sqrt3A : vector<1000x1xf32> to vector<1000x64xf32>
    %div3A_35 = arith.divf %sub3A_30, %div3A_34 : vector<1000x64xf32>
    %get3A_36 = arith.constant 0 : index
    %get3A_37 = arith.constant 0 : index
    %get3A_38 = vector.load %arg4[%get3A_36, %get3A_37] : memref<1x64xf32, #tpu.memory_space<vmem>>, vector<1x64xf32>
    %mul3A_39 = vector.broadcast %get3A_38 : vector<1x64xf32> to vector<1000x64xf32>
    %mul3A_40 = arith.mulf %div3A_35, %mul3A_39 : vector<1000x64xf32>
    %get3A_41 = arith.constant 0 : index
    %get3A_42 = arith.constant 0 : index
    %get3A_43 = vector.load %arg5[%get3A_41, %get3A_42] : memref<1x64xf32, #tpu.memory_space<vmem>>, vector<1x64xf32>
    %add3A_44 = vector.broadcast %get3A_43 : vector<1x64xf32> to vector<1000x64xf32>
    %add3A_45 = arith.addf %mul3A_40, %add3A_44 : vector<1000x64xf32>
    %max3A = arith.constant 0.000000e+00 : f32
    %max3A_46 = vector.broadcast %max3A : f32 to vector<1000x64xf32>
    %max3A_47 = arith.maximumf %add3A_45, %max3A_46 : vector<1000x64xf32>
    %get3A_48 = arith.constant 0 : index
    %get3A_49 = arith.constant 0 : index
    %get3A_50 = vector.load %arg6[%get3A_48, %get3A_49] : memref<64x16xf32, #tpu.memory_space<vmem>>, vector<64x16xf32>
    %dot_general3A_51 = arith.constant dense<0.000000e+00> : vector<1000x16xf32>
    %dot_general3A_52 = tpu.matmul %max3A_47, %get3A_50, %dot_general3A_51 {dimension_numbers = #tpu.dot_dimension_numbers<[1], [0], [0], [1], [0, 0, 1, 1], [], []>, transpose_lhs_hint = false} : vector<1000x64xf32>, vector<64x16xf32>, vector<1000x16xf32> -> vector<1000x16xf32>
    %get3A_53 = arith.constant 0 : index
    %get3A_54 = arith.constant 0 : index
    %get3A_55 = vector.load %arg7[%get3A_53, %get3A_54] : memref<1x16xf32, #tpu.memory_space<vmem>>, vector<1x16xf32>
    %add3A_56 = vector.broadcast %get3A_55 : vector<1x16xf32> to vector<1000x16xf32>
    %add3A_57 = arith.addf %dot_general3A_52, %add3A_56 : vector<1000x16xf32>
    %get3A_58 = arith.constant 0 : index
    %get3A_59 = arith.constant 0 : index
    %get3A_60 = vector.load %arg8[%get3A_58, %get3A_59] : memref<64x16xf32, #tpu.memory_space<vmem>>, vector<64x16xf32>
    %dot_general3A_61 = arith.constant dense<0.000000e+00> : vector<1000x16xf32>
    %dot_general3A_62 = tpu.matmul %max3A_47, %get3A_60, %dot_general3A_61 {dimension_numbers = #tpu.dot_dimension_numbers<[1], [0], [0], [1], [0, 0, 1, 1], [], []>, transpose_lhs_hint = false} : vector<1000x64xf32>, vector<64x16xf32>, vector<1000x16xf32> -> vector<1000x16xf32>
    %get3A_63 = arith.constant 0 : index
    %get3A_64 = arith.constant 0 : index
    %get3A_65 = vector.load %arg9[%get3A_63, %get3A_64] : memref<1x16xf32, #tpu.memory_space<vmem>>, vector<1x16xf32>
    %add3A_66 = vector.broadcast %get3A_65 : vector<1x16xf32> to vector<1000x16xf32>
    %add3A_67 = arith.addf %dot_general3A_62, %add3A_66 : vector<1000x16xf32>
    %get3A_68 = arith.constant 0 : index
    %get3A_69 = arith.constant 0 : index
    %get3A_70 = vector.load %arg10[%get3A_68, %get3A_69] : memref<64x16xf32, #tpu.memory_space<vmem>>, vector<64x16xf32>
    %dot_general3A_71 = arith.constant dense<0.000000e+00> : vector<1000x16xf32>
    %dot_general3A_72 = tpu.matmul %max3A_47, %get3A_70, %dot_general3A_71 {dimension_numbers = #tpu.dot_dimension_numbers<[1], [0], [0], [1], [0, 0, 1, 1], [], []>, transpose_lhs_hint = false} : vector<1000x64xf32>, vector<64x16xf32>, vector<1000x16xf32> -> vector<1000x16xf32>
    %get3A_73 = arith.constant 0 : index
    %get3A_74 = arith.constant 0 : index
    %get3A_75 = vector.load %arg11[%get3A_73, %get3A_74] : memref<1x16xf32, #tpu.memory_space<vmem>>, vector<1x16xf32>
    %add3A_76 = vector.broadcast %get3A_75 : vector<1x16xf32> to vector<1000x16xf32>
    %add3A_77 = arith.addf %dot_general3A_72, %add3A_76 : vector<1000x16xf32>
    %get3A_78 = arith.constant 0 : index
    %get3A_79 = arith.constant 0 : index
    %get3A_80 = vector.load %arg12[%get3A_78, %get3A_79] : memref<16x16xf32, #tpu.memory_space<vmem>>, vector<16x16xf32>
    %dot_general3A_81 = arith.constant dense<0.000000e+00> : vector<1000x16xf32>
    %dot_general3A_82 = tpu.matmul %add3A_57, %get3A_80, %dot_general3A_81 {dimension_numbers = #tpu.dot_dimension_numbers<[1], [0], [0], [1], [0, 0, 1, 1], [], []>, transpose_lhs_hint = false} : vector<1000x16xf32>, vector<16x16xf32>, vector<1000x16xf32> -> vector<1000x16xf32>
    %broadcast_in_dim3A_83 = arith.constant 0.000000e+00 : f32
    %broadcast_in_dim3A_84 = vector.broadcast %broadcast_in_dim3A_83 : f32 to vector<1000x96xf32>
    %broadcast_in_dim3A_85 = arith.constant 0.000000e+00 : f32
    %broadcast_in_dim3A_86 = vector.broadcast %broadcast_in_dim3A_85 : f32 to vector<1000x96xf32>
    %concatenate3A = tpu.concatenate %add3A_57, %dot_general3A_82, %broadcast_in_dim3A_84 in 1 : vector<1000x16xf32>, vector<1000x16xf32>, vector<1000x96xf32> -> vector<1000x128xf32>
    %swap3A = arith.constant 0 : index
    %swap3A_87 = arith.constant 0 : index
    %swap3A_88 = vector.load %arg16[%swap3A, %swap3A_87] : memref<1000x128xf32, #tpu.memory_space<vmem>>, vector<1000x128xf32>
    tpu.vector_store %arg16[%swap3A, %swap3A_87], %concatenate3A {strides = array<i32>} : memref<1000x128xf32, #tpu.memory_space<vmem>>, vector<1000x128xf32>,
    %concatenate3A_89 = tpu.concatenate %add3A_67, %add3A_77, %broadcast_in_dim3A_86 in 1 : vector<1000x16xf32>, vector<1000x16xf32>, vector<1000x96xf32> -> vector<1000x128xf32>
    %swap3A_90 = arith.constant 0 : index
    %swap3A_91 = arith.constant 0 : index
    %swap3A_92 = vector.load %arg17[%swap3A_90, %swap3A_91] : memref<1000x128xf32, #tpu.memory_space<vmem>>, vector<1000x128xf32>
    tpu.vector_store %arg17[%swap3A_90, %swap3A_91], %concatenate3A_89 {strides = array<i32>} : memref<1000x128xf32, #tpu.memory_space<vmem>>, vector<1000x128xf32>,
    %get3A_93 = arith.constant 0 : index
    %get3A_94 = arith.constant 0 : index
    %get3A_95 = vector.load %arg13[%get3A_93, %get3A_94] : memref<64x16xf32, #tpu.memory_space<vmem>>, vector<64x16xf32>
    %dot_general3A_96 = arith.constant dense<0.000000e+00> : vector<1000x16xf32>
    %dot_general3A_97 = tpu.matmul %max3A_47, %get3A_95, %dot_general3A_96 {dimension_numbers = #tpu.dot_dimension_numbers<[1], [0], [0], [1], [0, 0, 1, 1], [], []>, transpose_lhs_hint = false} : vector<1000x64xf32>, vector<64x16xf32>, vector<1000x16xf32> -> vector<1000x16xf32>
    %get3A_98 = arith.constant 0 : index
    %get3A_99 = arith.constant 0 : index
    %get3A_100 = vector.load %arg14[%get3A_98, %get3A_99] : memref<1x16xf32, #tpu.memory_space<vmem>>, vector<1x16xf32>
    %add3A_101 = vector.broadcast %get3A_100 : vector<1x16xf32> to vector<1000x16xf32>
    %add3A_102 = arith.addf %dot_general3A_97, %add3A_101 : vector<1000x16xf32>
    %swap3A_103 = arith.constant 0 : index
    %swap3A_104 = arith.constant 0 : index
    %swap3A_105 = vector.load %arg18[%swap3A_103, %swap3A_104] : memref<1000x16xf32, #tpu.memory_space<vmem>>, vector<1000x16xf32>
    tpu.vector_store %arg18[%swap3A_103, %swap3A_104], %add3A_102 {strides = array<i32>} : memref<1000x16xf32, #tpu.memory_space<vmem>>, vector<1000x16xf32>,
    %mul3A_106 = arith.mulf %add3A_57, %add3A_57 : vector<1000x16xf32>
    %reduce_sum3A_107 = arith.constant dense<0.000000e+00> : vector<1000xf32>
    %reduce_sum3A_108 = vector.multi_reduction <add>, %mul3A_106, %reduce_sum3A_107 [1] : vector<1000x16xf32> to vector<1000xf32>
    %reduce_max3A = vector.shape_cast %reduce_sum3A_108 : vector<1000xf32> to vector<1x1000xf32>
    %reduce_max3A_109 = arith.constant dense<0xFF800000> : vector<1xf32>
    %reduce_max3A_110 = vector.multi_reduction <maximumf>, %reduce_max3A, %reduce_max3A_109 [1] : vector<1x1000xf32> to vector<1xf32>
    %reduce_max3A_111 = vector.shape_cast %reduce_max3A_110 : vector<1xf32> to vector<1x1xf32>
    %reduce_max3A_112 = vector.extract %reduce_max3A_111[0, 0] : f32 from vector<1x1xf32>
    %mul3A_113 = arith.mulf %add3A_67, %add3A_67 : vector<1000x16xf32>
    %reduce_sum3A_114 = arith.constant dense<0.000000e+00> : vector<1000xf32>
    %reduce_sum3A_115 = vector.multi_reduction <add>, %mul3A_113, %reduce_sum3A_114 [1] : vector<1000x16xf32> to vector<1000xf32>
    %reduce_max3A_116 = vector.shape_cast %reduce_sum3A_115 : vector<1000xf32> to vector<1x1000xf32>
    %reduce_max3A_117 = arith.constant dense<0xFF800000> : vector<1xf32>
    %reduce_max3A_118 = vector.multi_reduction <maximumf>, %reduce_max3A_116, %reduce_max3A_117 [1] : vector<1x1000xf32> to vector<1xf32>
    %reduce_max3A_119 = vector.shape_cast %reduce_max3A_118 : vector<1xf32> to vector<1x1xf32>
    %reduce_max3A_120 = vector.extract %reduce_max3A_119[0, 0] : f32 from vector<1x1xf32>
    %mul3A_121 = arith.mulf %dot_general3A_82, %dot_general3A_82 : vector<1000x16xf32>
    %reduce_sum3A_122 = arith.constant dense<0.000000e+00> : vector<1000xf32>
    %reduce_sum3A_123 = vector.multi_reduction <add>, %mul3A_121, %reduce_sum3A_122 [1] : vector<1000x16xf32> to vector<1000xf32>
    %reduce_max3A_124 = vector.shape_cast %reduce_sum3A_123 : vector<1000xf32> to vector<1x1000xf32>
    %reduce_max3A_125 = arith.constant dense<0xFF800000> : vector<1xf32>
    %reduce_max3A_126 = vector.multi_reduction <maximumf>, %reduce_max3A_124, %reduce_max3A_125 [1] : vector<1x1000xf32> to vector<1xf32>
    %reduce_max3A_127 = vector.shape_cast %reduce_max3A_126 : vector<1xf32> to vector<1x1xf32>
    %reduce_max3A_128 = vector.extract %reduce_max3A_127[0, 0] : f32 from vector<1x1xf32>
    %eq3A = arith.constant 0 : i32
    %eq3A_129 = arith.cmpi eq, %arg0, %eq3A : i32
    %get3A_130 = arith.constant 0 : index
    %get3A_131 = memref.load %arg20[%get3A_130] : memref<4xf32, #tpu.memory_space<smem>>
    %jit3A = arith.constant 0xFF800000 : f32
    %select_n3A = arith.select %eq3A_129, %jit3A, %get3A_131 : f32
    %max3A_132 = arith.maximumf %select_n3A, %reduce_max3A_112 : f32
    %swap3A_133 = arith.constant 0 : index
    %swap3A_134 = memref.load %arg20[%swap3A_133] : memref<4xf32, #tpu.memory_space<smem>>
    memref.store %max3A_132, %arg20[%swap3A_133] : memref<4xf32, #tpu.memory_space<smem>>
    %get3A_135 = arith.constant 1 : index
    %get3A_136 = memref.load %arg20[%get3A_135] : memref<4xf32, #tpu.memory_space<smem>>
    %jit3A_137 = arith.constant 0xFF800000 : f32
    %select_n3A_138 = arith.select %eq3A_129, %jit3A_137, %get3A_136 : f32
    %max3A_139 = arith.maximumf %select_n3A_138, %reduce_max3A_120 : f32
    %swap3A_140 = arith.constant 1 : index
    %swap3A_141 = memref.load %arg20[%swap3A_140] : memref<4xf32, #tpu.memory_space<smem>>
    memref.store %max3A_139, %arg20[%swap3A_140] : memref<4xf32, #tpu.memory_space<smem>>
    %get3A_142 = arith.constant 2 : index
    %get3A_143 = memref.load %arg20[%get3A_142] : memref<4xf32, #tpu.memory_space<smem>>
    %jit3A_144 = arith.constant 0xFF800000 : f32
    %select_n3A_145 = arith.select %eq3A_129, %jit3A_144, %get3A_143 : f32
    %max3A_146 = arith.maximumf %select_n3A_145, %reduce_max3A_128 : f32
    %swap3A_147 = arith.constant 2 : index
    %swap3A_148 = memref.load %arg20[%swap3A_147] : memref<4xf32, #tpu.memory_space<smem>>
    memref.store %max3A_146, %arg20[%swap3A_147] : memref<4xf32, #tpu.memory_space<smem>>
    %eq3A_149 = arith.constant 9 : i32
    %eq3A_150 = arith.cmpi eq, %arg0, %eq3A_149 : i32
    %convert_element_type3A = arith.extui %eq3A_150 : i1 to i32
    %cond3A = arith.constant 0 : i32
    %cond3A_151 = arith.cmpi ne, %convert_element_type3A, %cond3A : i32
    scf.if %cond3A_151 {
      %get3A_152 = arith.constant 0 : index
      %get3A_153 = arith.constant 0 : index
      %get3A_154 = vector.load %arg15[%get3A_152, %get3A_153] : memref<1x128xf32, #tpu.memory_space<vmem>>, vector<1x128xf32>
      %get3A_155 = arith.constant 0 : index
      %get3A_156 = memref.load %arg20[%get3A_155] : memref<4xf32, #tpu.memory_space<smem>>
      %get3A_157 = arith.constant 1 : index
      %get3A_158 = memref.load %arg20[%get3A_157] : memref<4xf32, #tpu.memory_space<smem>>
      %mul3A_159 = arith.mulf %get3A_156, %get3A_158 : f32
      %sqrt3A_160 = math.sqrt %mul3A_159 : f32
      %get3A_161 = arith.constant 2 : index
      %get3A_162 = memref.load %arg20[%get3A_161] : memref<4xf32, #tpu.memory_space<smem>>
      %mul3A_163 = vector.broadcast %get3A_162 : f32 to vector<1x128xf32>
      %mul3A_164 = arith.mulf %mul3A_163, %get3A_154 : vector<1x128xf32>
      %sqrt3A_165 = math.sqrt %mul3A_164 : vector<1x128xf32>
      %add3A_166 = vector.broadcast %sqrt3A_160 : f32 to vector<1x128xf32>
      %add3A_167 = arith.addf %add3A_166, %sqrt3A_165 : vector<1x128xf32>
      %div3A_168 = arith.constant 4.000000e+00 : f32
      %div3A_169 = vector.broadcast %div3A_168 : f32 to vector<1x128xf32>
      %div3A_170 = arith.divf %add3A_167, %div3A_169 : vector<1x128xf32>
      %swap3A_171 = arith.constant 0 : index
      %swap3A_172 = arith.constant 0 : index
      %swap3A_173 = vector.load %arg19[%swap3A_171, %swap3A_172] : memref<1x128xf32, #tpu.memory_space<vmem>>, vector<1x128xf32>
      tpu.vector_store %arg19[%swap3A_171, %swap3A_172], %div3A_170 {strides = array<i32>} : memref<1x128xf32, #tpu.memory_space<vmem>>, vector<1x128xf32>,
    } else {
    }
    return
  }
  func.func @transform_0(%arg0: i32) -> (i32, i32) {
    %c0_i32 = arith.constant 0 : i32
    %c0_i32_0 = arith.constant 0 : i32
    return %arg0, %c0_i32 : i32, i32
  }
  func.func @transform_1(%arg0: i32) -> (i32, i32) {
    %c0_i32 = arith.constant 0 : i32
    %c0_i32_0 = arith.constant 0 : i32
    %c0_i32_1 = arith.constant 0 : i32
    return %c0_i32, %c0_i32_0 : i32, i32
  }
  func.func @transform_2(%arg0: i32) -> (i32, i32) {
    %c0_i32 = arith.constant 0 : i32
    %c0_i32_0 = arith.constant 0 : i32
    return %arg0, %c0_i32 : i32, i32
  }
  func.func @transform_3(%arg0: i32) -> (i32, i32) {
    %c0_i32 = arith.constant 0 : i32
    %c0_i32_0 = arith.constant 0 : i32
    %c0_i32_1 = arith.constant 0 : i32
    return %c0_i32, %c0_i32_0 : i32, i32
  }
  func.func @transform_4(%arg0: i32) -> (i32, i32) {
    %c0_i32 = arith.constant 0 : i32
    %c0_i32_0 = arith.constant 0 : i32
    %c0_i32_1 = arith.constant 0 : i32
    return %c0_i32, %c0_i32_0 : i32, i32
  }
  func.func @transform_5(%arg0: i32) -> (i32, i32) {
    %c0_i32 = arith.constant 0 : i32
    %c0_i32_0 = arith.constant 0 : i32
    %c0_i32_1 = arith.constant 0 : i32
    return %c0_i32, %c0_i32_0 : i32, i32
  }
  func.func @transform_6(%arg0: i32) -> (i32, i32) {
    %c0_i32 = arith.constant 0 : i32
    %c0_i32_0 = arith.constant 0 : i32
    %c0_i32_1 = arith.constant 0 : i32
    return %c0_i32, %c0_i32_0 : i32, i32
  }
  func.func @transform_7(%arg0: i32) -> (i32, i32) {
    %c0_i32 = arith.constant 0 : i32
    %c0_i32_0 = arith.constant 0 : i32
    %c0_i32_1 = arith.constant 0 : i32
    return %c0_i32, %c0_i32_0 : i32, i32
  }
  func.func @transform_8(%arg0: i32) -> (i32, i32) {
    %c0_i32 = arith.constant 0 : i32
    %c0_i32_0 = arith.constant 0 : i32
    %c0_i32_1 = arith.constant 0 : i32
    return %c0_i32, %c0_i32_0 : i32, i32
  }
  func.func @transform_9(%arg0: i32) -> (i32, i32) {
    %c0_i32 = arith.constant 0 : i32
    %c0_i32_0 = arith.constant 0 : i32
    %c0_i32_1 = arith.constant 0 : i32
    return %c0_i32, %c0_i32_0 : i32, i32
  }
  func.func @transform_10(%arg0: i32) -> (i32, i32) {
    %c0_i32 = arith.constant 0 : i32
    %c0_i32_0 = arith.constant 0 : i32
    %c0_i32_1 = arith.constant 0 : i32
    return %c0_i32, %c0_i32_0 : i32, i32
  }
  func.func @transform_11(%arg0: i32) -> (i32, i32) {
    %c0_i32 = arith.constant 0 : i32
    %c0_i32_0 = arith.constant 0 : i32
    %c0_i32_1 = arith.constant 0 : i32
    return %c0_i32, %c0_i32_0 : i32, i32
  }
  func.func @transform_12(%arg0: i32) -> (i32, i32) {
    %c0_i32 = arith.constant 0 : i32
    %c0_i32_0 = arith.constant 0 : i32
    %c0_i32_1 = arith.constant 0 : i32
    return %c0_i32, %c0_i32_0 : i32, i32
  }
  func.func @transform_13(%arg0: i32) -> (i32, i32) {
    %c0_i32 = arith.constant 0 : i32
    %c0_i32_0 = arith.constant 0 : i32
    %c0_i32_1 = arith.constant 0 : i32
    return %c0_i32, %c0_i32_0 : i32, i32
  }
  func.func @transform_14(%arg0: i32) -> (i32, i32) {
    %c0_i32 = arith.constant 0 : i32
    %c0_i32_0 = arith.constant 0 : i32
    %c0_i32_1 = arith.constant 0 : i32
    return %c0_i32, %c0_i32_0 : i32, i32
  }
  func.func @transform_15(%arg0: i32) -> (i32, i32) {
    %c0_i32 = arith.constant 0 : i32
    %c0_i32_0 = arith.constant 0 : i32
    return %arg0, %c0_i32 : i32, i32
  }
  func.func @transform_16(%arg0: i32) -> (i32, i32) {
    %c0_i32 = arith.constant 0 : i32
    %c0_i32_0 = arith.constant 0 : i32
    return %arg0, %c0_i32 : i32, i32
  }
  func.func @transform_17(%arg0: i32) -> (i32, i32) {
    %c0_i32 = arith.constant 0 : i32
    %c0_i32_0 = arith.constant 0 : i32
    return %arg0, %c0_i32 : i32, i32
  }
  func.func @transform_18(%arg0: i32) -> (i32, i32) {
    %c0_i32 = arith.constant 0 : i32
    %c0_i32_0 = arith.constant 0 : i32
    %c0_i32_1 = arith.constant 0 : i32
    return %c0_i32, %c0_i32_0 : i32, i32
  }
}

module attributes {stable_mosaic.version = 14 : i64} {
  func.func @_final_body(%arg0: memref<10000x128xf32, #tpu.memory_space<vmem>>, %arg1: memref<16x16xf32, #tpu.memory_space<vmem>>, %arg2: memref<10000x16xf32, #tpu.memory_space<vmem>>, %arg3: memref<1x16xf32, #tpu.memory_space<vmem>>, %arg4: memref<1x16xf32, #tpu.memory_space<vmem>>, %arg5: memref<10000x1xi32, #tpu.memory_space<vmem>>, %arg6: memref<16x10xf32, #tpu.memory_space<vmem>>, %arg7: memref<1x10xf32, #tpu.memory_space<vmem>>, %arg8: memref<64x10xf32, #tpu.memory_space<vmem>>) attributes {dimension_semantics = [], scalar_prefetch = 0 : i64, scratch_operands = 0 : i64, tpu.core_type = #tpu.core_type<tc>} {
    %get3A = arith.constant 0 : index
    %get3A_0 = arith.constant 0 : index
    %get3A_1 = vector.load %arg0[%get3A, %get3A_0] : memref<10000x128xf32, #tpu.memory_space<vmem>>, vector<10000x128xf32>
    %slice3A = vector.extract_strided_slice %get3A_1 {offsets = [0, 0], sizes = [10000, 16], strides = [1, 1]} : vector<10000x128xf32> to vector<10000x16xf32>
    %slice3A_2 = vector.extract_strided_slice %get3A_1 {offsets = [0, 16], sizes = [10000, 16], strides = [1, 1]} : vector<10000x128xf32> to vector<10000x16xf32>
    %slice3A_3 = vector.extract_strided_slice %get3A_1 {offsets = [0, 32], sizes = [10000, 1], strides = [1, 1]} : vector<10000x128xf32> to vector<10000x1xf32>
    %get3A_4 = arith.constant 0 : index
    %get3A_5 = arith.constant 0 : index
    %get3A_6 = vector.load %arg1[%get3A_4, %get3A_5] : memref<16x16xf32, #tpu.memory_space<vmem>>, vector<16x16xf32>
    %dot_general3A = arith.constant dense<0.000000e+00> : vector<10000x16xf32>
    %dot_general3A_7 = tpu.matmul %slice3A_2, %get3A_6, %dot_general3A {dimension_numbers = #tpu.dot_dimension_numbers<[1], [0], [0], [1], [0, 0, 1, 1], [], []>, transpose_lhs_hint = false} : vector<10000x16xf32>, vector<16x16xf32>, vector<10000x16xf32> -> vector<10000x16xf32>
    %add3A = arith.addf %slice3A, %dot_general3A_7 : vector<10000x16xf32>
    %add3A_8 = arith.constant 1.000000e-16 : f32
    %add3A_9 = vector.broadcast %add3A_8 : f32 to vector<10000x1xf32>
    %add3A_10 = arith.addf %slice3A_3, %add3A_9 : vector<10000x1xf32>
    %div3A = vector.broadcast %add3A_10 : vector<10000x1xf32> to vector<10000x16xf32>
    %div3A_11 = arith.divf %add3A, %div3A : vector<10000x16xf32>
    %get3A_12 = arith.constant 0 : index
    %get3A_13 = arith.constant 0 : index
    %get3A_14 = vector.load %arg2[%get3A_12, %get3A_13] : memref<10000x16xf32, #tpu.memory_space<vmem>>, vector<10000x16xf32>
    %add3A_15 = arith.addf %div3A_11, %get3A_14 : vector<10000x16xf32>
    %reduce_sum3A = arith.constant dense<0.000000e+00> : vector<10000xf32>
    %reduce_sum3A_16 = vector.multi_reduction <add>, %add3A_15, %reduce_sum3A [1] : vector<10000x16xf32> to vector<10000xf32>
    %broadcast_in_dim3A = vector.shape_cast %reduce_sum3A_16 : vector<10000xf32> to vector<10000x1xf32>
    %div3A_17 = arith.constant 1.600000e+01 : f32
    %div3A_18 = vector.broadcast %div3A_17 : f32 to vector<10000x1xf32>
    %div3A_19 = arith.divf %broadcast_in_dim3A, %div3A_18 : vector<10000x1xf32>
    %sub3A = vector.broadcast %div3A_19 : vector<10000x1xf32> to vector<10000x16xf32>
    %sub3A_20 = arith.subf %add3A_15, %sub3A : vector<10000x16xf32>
    %sub3A_21 = vector.broadcast %div3A_19 : vector<10000x1xf32> to vector<10000x16xf32>
    %sub3A_22 = arith.subf %add3A_15, %sub3A_21 : vector<10000x16xf32>
    %mul3A = arith.mulf %sub3A_20, %sub3A_22 : vector<10000x16xf32>
    %reduce_sum3A_23 = arith.constant dense<0.000000e+00> : vector<10000xf32>
    %reduce_sum3A_24 = vector.multi_reduction <add>, %mul3A, %reduce_sum3A_23 [1] : vector<10000x16xf32> to vector<10000xf32>
    %broadcast_in_dim3A_25 = vector.shape_cast %reduce_sum3A_24 : vector<10000xf32> to vector<10000x1xf32>
    %div3A_26 = arith.constant 1.600000e+01 : f32
    %div3A_27 = vector.broadcast %div3A_26 : f32 to vector<10000x1xf32>
    %div3A_28 = arith.divf %broadcast_in_dim3A_25, %div3A_27 : vector<10000x1xf32>
    %sub3A_29 = vector.broadcast %div3A_19 : vector<10000x1xf32> to vector<10000x16xf32>
    %sub3A_30 = arith.subf %add3A_15, %sub3A_29 : vector<10000x16xf32>
    %add3A_31 = arith.constant 9.99999974E-6 : f32
    %add3A_32 = vector.broadcast %add3A_31 : f32 to vector<10000x1xf32>
    %add3A_33 = arith.addf %div3A_28, %add3A_32 : vector<10000x1xf32>
    %sqrt3A = math.sqrt %add3A_33 : vector<10000x1xf32>
    %div3A_34 = vector.broadcast %sqrt3A : vector<10000x1xf32> to vector<10000x16xf32>
    %div3A_35 = arith.divf %sub3A_30, %div3A_34 : vector<10000x16xf32>
    %get3A_36 = arith.constant 0 : index
    %get3A_37 = arith.constant 0 : index
    %get3A_38 = vector.load %arg3[%get3A_36, %get3A_37] : memref<1x16xf32, #tpu.memory_space<vmem>>, vector<1x16xf32>
    %mul3A_39 = vector.broadcast %get3A_38 : vector<1x16xf32> to vector<10000x16xf32>
    %mul3A_40 = arith.mulf %div3A_35, %mul3A_39 : vector<10000x16xf32>
    %get3A_41 = arith.constant 0 : index
    %get3A_42 = arith.constant 0 : index
    %get3A_43 = vector.load %arg4[%get3A_41, %get3A_42] : memref<1x16xf32, #tpu.memory_space<vmem>>, vector<1x16xf32>
    %add3A_44 = vector.broadcast %get3A_43 : vector<1x16xf32> to vector<10000x16xf32>
    %add3A_45 = arith.addf %mul3A_40, %add3A_44 : vector<10000x16xf32>
    %max3A = arith.constant 0.000000e+00 : f32
    %max3A_46 = vector.broadcast %max3A : f32 to vector<10000x16xf32>
    %max3A_47 = arith.maximumf %add3A_45, %max3A_46 : vector<10000x16xf32>
    %iota3A = tpu.iota {dimensions = array<i32: 1>} : vector<10000x64xi32>
    %get3A_48 = arith.constant 0 : index
    %get3A_49 = arith.constant 0 : index
    %get3A_50 = vector.load %arg5[%get3A_48, %get3A_49] : memref<10000x1xi32, #tpu.memory_space<vmem>>, vector<10000x1xi32>
    %eq3A = vector.broadcast %get3A_50 : vector<10000x1xi32> to vector<10000x64xi32>
    %eq3A_51 = arith.cmpi eq, %eq3A, %iota3A : vector<10000x64xi32>
    %convert_element_type3A = arith.extui %eq3A_51 : vector<10000x64xi1> to vector<10000x64xi32>
    %convert_element_type3A_52 = arith.sitofp %convert_element_type3A : vector<10000x64xi32> to vector<10000x64xf32>
    %dot_general3A_53 = arith.constant dense<0.000000e+00> : vector<64x16xf32>
    %dot_general3A_54 = tpu.matmul %convert_element_type3A_52, %max3A_47, %dot_general3A_53 {dimension_numbers = #tpu.dot_dimension_numbers<[0], [0], [1], [1], [0, 1, 1, 1], [], []>, transpose_lhs_hint = false} : vector<10000x64xf32>, vector<10000x16xf32>, vector<64x16xf32> -> vector<64x16xf32>
    %reduce_sum3A_55 = arith.constant dense<0.000000e+00> : vector<64xf32>
    %reduce_sum3A_56 = vector.multi_reduction <add>, %convert_element_type3A_52, %reduce_sum3A_55 [0] : vector<10000x64xf32> to vector<64xf32>
    %max3A_57 = arith.constant 1.000000e+00 : f32
    %max3A_58 = vector.broadcast %max3A_57 : f32 to vector<64xf32>
    %max3A_59 = arith.maximumf %reduce_sum3A_56, %max3A_58 : vector<64xf32>
    %broadcast_in_dim3A_60 = vector.shape_cast %max3A_59 : vector<64xf32> to vector<64x1xf32>
    %div3A_61 = vector.broadcast %broadcast_in_dim3A_60 : vector<64x1xf32> to vector<64x16xf32>
    %div3A_62 = arith.divf %dot_general3A_54, %div3A_61 : vector<64x16xf32>
    %get3A_63 = arith.constant 0 : index
    %get3A_64 = arith.constant 0 : index
    %get3A_65 = vector.load %arg6[%get3A_63, %get3A_64] : memref<16x10xf32, #tpu.memory_space<vmem>>, vector<16x10xf32>
    %dot_general3A_66 = arith.constant dense<0.000000e+00> : vector<64x10xf32>
    %dot_general3A_67 = tpu.matmul %div3A_62, %get3A_65, %dot_general3A_66 {dimension_numbers = #tpu.dot_dimension_numbers<[1], [0], [0], [1], [0, 0, 1, 1], [], []>, transpose_lhs_hint = false} : vector<64x16xf32>, vector<16x10xf32>, vector<64x10xf32> -> vector<64x10xf32>
    %get3A_68 = arith.constant 0 : index
    %get3A_69 = arith.constant 0 : index
    %get3A_70 = vector.load %arg7[%get3A_68, %get3A_69] : memref<1x10xf32, #tpu.memory_space<vmem>>, vector<1x10xf32>
    %add3A_71 = vector.broadcast %get3A_70 : vector<1x10xf32> to vector<64x10xf32>
    %add3A_72 = arith.addf %dot_general3A_67, %add3A_71 : vector<64x10xf32>
    %swap3A = arith.constant 0 : index
    %swap3A_73 = arith.constant 0 : index
    %swap3A_74 = vector.load %arg8[%swap3A, %swap3A_73] : memref<64x10xf32, #tpu.memory_space<vmem>>, vector<64x10xf32>
    tpu.vector_store %arg8[%swap3A, %swap3A_73], %add3A_72 {strides = array<i32>} : memref<64x10xf32, #tpu.memory_space<vmem>>, vector<64x10xf32>,
    return
  }
}

</mosaic_0001>

<sc_bundles>
// kernel: kernel.10.cloned.1.call-start
scs
__scs_entry_jumppad:
0x0: {  	(pc) =	sbr.rel $0x88, $3  }
0x1: {  	(tag) =	ssettag $0x0;
	lr =	simm.s32 $0x1  }
0x2: {  	[smem:$0x3F85] =	sst lr;
	_ =	strace $0xD0000000  }
0x3: {  	_ = 	snop  }
0x4: {  	_ = 	snop  }
0x5: {  	_ = 	snop  }
0x6: {  	_ = 	snop  }
0x7: {  	_ = 	snop  }
__scs_overlays_trampoline_lowered:
0x8: {  	[smem:$0x3F94] =	sst s0  }
0x9: {  	[smem:$0x3F95] =	sst s1  }
0xa: {  	[smem:$0x3F96] =	sst s2  }
0xb: {  	[smem:$0x3F97] =	sst s3  }
0xc: {  	[smem:$0x3F98] =	sst s4  }
0xd: {  	[smem:$0x3F99] =	sst s5  }
0xe: {  	[smem:$0x3F9A] =	sst s6  }
0xf: {  	[smem:$0x3F9B] =	sst s7  }
0x10: {  	[smem:$0x3F9C] =	sst s8  }
0x11: {  	[smem:$0x3F9D] =	sst s9;
	s0 =	simm.s32 @!p0 $0x0  }
0x12: {  	s1 =	sld [smem:$0x3F83];
	s0 =	simm.s32 @p0 $0x1  }
0x13: {  	[smem:$0x3F9E] =	sst s0;
	s0 =	simm.s32 @!p1 $0x0  }
0x14: {  	s2 =	sld [smem:$0x3F82];
	s0 =	simm.s32 @p1 $0x1  }
0x15: {  	[smem:$0x3F9F] =	sst s0;
	s0 =	simm.s32 @!p2 $0x0  }
0x16: {  	s3 =	sld [smem:$0x3FDB];
	s0 =	simm.s32 @p2 $0x1  }
0x17: {  	s4 =	simm.s32 $0x1BF5;
	[smem:$0x3FA1] =	sst s0  }
0x18: {  	s0 =	sld [smem:$0x3F84];
	_ =	swait.ge [sflag:s4], $0x0  }
0x19: {  	s7 =	sld [smem:$0x3F85]  }
0x1a: {  	s8 =	sadd.s32 $0xFFFFE003, lr  }
0x1b: {  	s9 =	sadd.s32 $0xFFFFFEF7, lr;
	s5 =	simm.s32 $0xFFFFFFFF;
	p2 =	slt.u32 s8, $0xFFFFF086  }
0x1c: {  	p1 =	slt.u32 s9, $0xF7A;
	s5 =	simm.s32 @!p2 $0x0  }
0x1d: {  	s5 =	simm.s32 @p1 $0x1;
	p0 =	seq.s32 s7, s2  }
0x1e: {  	s7 =	smul.u32 @!p0 $0xF7A, s2;
	p2 =	seq.s32 @!p0 s5, $0x0  }
0x1f: {  	s9 =	smul.u32 $0xF7A, s1;
	s8 =	simm.s32 @!p0 $0x1BF5;
	p2 =	por !p2, p0  }
0x20: {  	[sflag:s8] =	ssyncset.s32 @!p0 $0xFFFFF086;
	s6 =	sadd.s32 @!p0 s3, s7;
	s7 =	simm.s32 @!p0 $0x108  }
0x21: {  	s3 =	sadd.s32 s3, s9;
	s6 =	sadd.s32 @!p0 $0x88, s6;
	s7 =	simm.s32 @p2 $0x1082  }
0x22: {  	[simem:s7], [sflag:s8] =	dma.local @!p0 [hbm:s6], $0xF7A  }
0x23: {  	s9 =	sor.u32 $0xD0000000, s2;
	s6 =	simm.s32 $0x108;
	_ =	swait.ge @!p0 [sflag:s8], $0x0  }
0x24: {  	s3 =	sadd.s32 $0x88, s3;
	s6 =	simm.s32 @!p1 $0x1082;
	[sflag:s4] =	ssyncset.s32 $0xFFFFF086  }
0x25: {  	[simem:s6], [sflag:s4] =	dma.local [hbm:s3], $0xF7A  }
0x26: {  	[smem:$0x3F85] =	sst s1;
	(tag) =	ssettag s2;
	_ =	strace s9  }
0x27: {  	s1 =	sld [smem:$0x3F95]  }
0x28: {  	s2 =	sld [smem:$0x3F96]  }
0x29: {  	s4 =	sld [smem:$0x3F98]  }
0x2a: {  	p0 =	seq.s32 s5, $0x0;
	s5 =	sld [smem:$0x3F99]  }
0x2b: {  	s6 =	sld [smem:$0x3F9A]  }
0x2c: {  	s7 =	sld [smem:$0x3F9B]  }
0x2d: {  	s3 =	simm.s32 $0x108;
	s8 =	sld [smem:$0x3F9C]  }
0x2e: {  	s3 =	simm.s32 @!p0 $0x1082;
	s9 =	sld [smem:$0x3F9D]  }
0x2f: {  	lr =	sadd.s32 s0, s3;
	s0 =	sld [smem:$0x3F94]  }
0x30: {  	s3 =	sld [smem:$0x3F97]  }
0x31: {  	[smem:$0x3FA0] =	sst s10  }
0x32: {  	s10 =	sld [smem:$0x3F9E];
	_ =	sdelay $0x3  }
0x33: {  	p0 =	seq.s32 s10, $0x1;
	s10 =	sld [smem:$0x3FA0];
	_ =	sdelay $0x3  }
0x34: {  	[smem:$0x3FA0] =	sst s10  }
0x35: {  	s10 =	sld [smem:$0x3F9F];
	_ =	sdelay $0x3  }
0x36: {  	p1 =	seq.s32 s10, $0x1;
	s10 =	sld [smem:$0x3FA0];
	_ =	sdelay $0x3  }
0x37: {  	[smem:$0x3FA0] =	sst s10  }
0x38: {  	s10 =	sld [smem:$0x3FA1]  }
0x39: {  	_ = 	snop;
	(pc) =	sbr.ind lr, $3  }
0x3a: {  	_ = 	snop  }
0x3b: {  	_ = 	snop  }
0x3c: {  	p2 =	seq.s32 s10, $0x1;
	s10 =	sld [smem:$0x3FA0]  }
0x3d: {  	_ =	shalt  }
0x3e: {  	_ =	shalt  }
0x3f: {  	_ =	shalt  }
0x40: {  	_ =	shalt  }
0x41: {  	_ =	shalt  }
0x42: {  	_ =	shalt  }
0x43: {  	_ =	shalt  }
0x44: {  	_ =	shalt  }
0x45: {  	_ =	shalt  }
0x46: {  	_ =	shalt  }
0x47: {  	_ =	shalt  }
0x48: {  	_ =	shalt  }
0x49: {  	_ =	shalt  }
0x4a: {  	_ =	shalt  }
0x4b: {  	_ =	shalt  }
0x4c: {  	_ =	shalt  }
0x4d: {  	_ =	shalt  }
0x4e: {  	_ =	shalt  }
0x4f: {  	_ =	shalt  }
0x50: {  	_ =	shalt  }
0x51: {  	_ =	shalt  }
0x52: {  	_ =	shalt  }
0x53: {  	_ =	shalt  }
0x54: {  	_ =	shalt  }
0x55: {  	_ =	shalt  }
0x56: {  	_ =	shalt  }
0x57: {  	_ =	shalt  }
0x58: {  	_ =	shalt  }
0x59: {  	_ =	shalt  }
0x5a: {  	_ =	shalt  }
0x5b: {  	_ =	shalt  }
0x5c: {  	_ =	shalt  }
0x5d: {  	_ =	shalt  }
0x5e: {  	_ =	shalt  }
0x5f: {  	_ =	shalt  }
0x60: {  	_ =	shalt  }
0x61: {  	_ =	shalt  }
0x62: {  	_ =	shalt  }
0x63: {  	_ =	shalt  }
0x64: {  	_ =	shalt  }
0x65: {  	_ =	shalt  }
0x66: {  	_ =	shalt  }
0x67: {  	_ =	shalt  }
0x68: {  	_ =	shalt  }
0x69: {  	_ =	shalt  }
0x6a: {  	_ =	shalt  }
0x6b: {  	_ =	shalt  }
0x6c: {  	_ =	shalt  }
0x6d: {  	_ =	shalt  }
0x6e: {  	_ =	shalt  }
0x6f: {  	_ =	shalt  }
0x70: {  	_ =	shalt  }
0x71: {  	_ =	shalt  }
0x72: {  	_ =	shalt  }
0x73: {  	_ =	shalt  }
0x74: {  	_ =	shalt  }
0x75: {  	_ =	shalt  }
0x76: {  	_ =	shalt  }
0x77: {  	_ =	shalt  }
0x78: {  	_ =	shalt  }
0x79: {  	_ =	shalt  }
0x7a: {  	_ =	shalt  }
0x7b: {  	_ =	shalt  }
0x7c: {  	_ =	shalt  }
0x7d: {  	_ =	shalt  }
0x7e: {  	_ =	shalt  }
0x7f: {  	_ =	shalt  }
0x80: {  	_ =	shalt  }
0x81: {  	_ =	shalt  }
0x82: {  	_ =	shalt  }
0x83: {  	_ =	shalt  }
0x84: {  	_ =	shalt  }
0x85: {  	_ =	shalt  }
0x86: {  	_ =	shalt  }
0x87: {  	_ =	shalt  }
.Lfunc_end0:
.L_simem_size_0:
called_computation_lowered:
.L_overlay_start_0:
0x88: {  	s2 =	sld [smem:$0x3FD9]  }
0x89: {  	s3 =	sld [smem:$0x3FFE];
	_ =	sdelay $0x1  }
0x8a: {  	s1 =	srdreg.scid  }
0x8b: {  	s0 =	sand.u32 $0x1, s1  }
0x8c: {  	s17 =	sshll.u32 s0, $0xA;
	s2 =	sadd.s32 s3, s2  }
0x8d: {  	s2 =	sadd.s32 s2, s17  }
0x8e: {  	[smem:$0x3FAC] =	sst s2  }
0x8f: {  	_ = 	snop  }
0x90: {  	s2 =	sld [smem:$0x3FD0];
	(tm) =	ssettm $0x1  }
0x91: {  	s18 =	sld [smem:$0x3FFB];
	_ =	sdelay $0x3  }
0x92: {  	_ =	strace s18  }
0x93: {  	s3 =	sld [smem:$0x3FFC];
	_ =	sdelay $0x3  }
0x94: {  	_ =	strace s3  }
0x95: {  	s3 =	sld [smem:$0x3FFD];
	_ =	sdelay $0x3  }
0x96: {  	_ =	strace s3  }
0x97: {  	_ =	strace $0x8FFFFFFF  }
0x98: {  	s19 =	sld [smem:$0x3FDB];
	_ =	sdelay $0x1  }
0x99: {  	s4 =	simm.s32 $_scs_section_size  }
0x9a: {  	s5 =	simm.s32 $_size__tile_overlayer_lowered;
	s6 =	simm.s32 $_tile_overlayer_lowered  }
0x9b: {  	s22 =	simm.s32 $0x1BFF;
	s21 =	sshll.u32 s6, $0x1;
	s3 =	sadd.s32 s4, s19  }
0x9c: {  	s7 =	simm.s32 $0x0;
	s20 =	sshll.u32 s5, $0x1;
	s5 =	sadd.s32 s21, s3  }
0x9d: {  	[timem:s7], [sflag:s22] =	dma.local [hbm:s5], s20  }
0x9e: {  	_ =	swait.ge [sflag:s22], s20  }
0x9f: {  	s4 =	ssub.s32 $0x0, s20;
	[sflag:s22] =	ssyncset.done $0x0  }
0xa0: {  	[sflag:s22] =	ssyncadd.s32 s4;
	_ =	sdelay $0x1  }
0xa1: {  	s23 =	simm.s32 $0x1B8B  }
0xa2: {  	_ =	swait.ge [sflag:s23], $0x1  }
0xa3: {  	[sflag:s23] =	ssyncset.done $0x0  }
0xa4: {  	s25 =	simm.s32 $0x1B8E;
	s24 =	sld [smem:$0x3FFE];
	[sflag:s23] =	ssyncadd.s32 $0xFFFFFFFF  }
0xa5: {  	s26 =	simm.s32 $execute0_lowered;
	[smem:$0x3FD2] =	sst s25  }
0xa6: {  	s5 =	sshll.u32 s26, $0x1;
	_ =	strace $0x80000046;
	[dreg:$0x1] =	wrdreg $0xFFFFFFFF  }
0xa7: {  	s28 =	simm.s32 $_size_execute0_lowered;
	s3 =	sadd.s32 s3, s5;
	[dreg:$0x0] =	wrdreg $0x0  }
0xa8: {  	s5 =	sshll.u32 s28, $0x1;
	[dreg:$0x2] =	wrdreg s3  }
0xa9: {  	[dreg:$0x3] =	wrdreg s5  }
0xaa: {  	[dreg:$0x4] =	wrdreg $0xC0  }
0xab: {  	_ =	task [dreg:s7], $0x5FFFF  }
0xac: {  	[dreg:$0x1] =	wrdreg $0xFFFFFFFF  }
0xad: {  	[dreg:$0x0] =	wrdreg $0x60  }
0xae: {  	[dreg:$0x2] =	wrdreg s24  }
0xaf: {  	[dreg:$0x3] =	wrdreg s2  }
0xb0: {  	[dreg:$0x4] =	wrdreg $0x9  }
0xb1: {  	_ =	task.clear_ibuf [dreg:s7], $0x5FFFF;
	_ =	strace $0x90000046  }
0xb2: {  	s29 =	simm.s32 $0x9;
	_ =	strace $0x80000048  }
0xb3: {  	_ =	swait.ge [sflag:s29], $0x1  }
0xb4: {  	[sflag:s29] =	ssyncadd.s32 $0xFFFFFFFF  }
0xb5: {  	_ =	strace $0x90000048  }
0xb6: {  	_ =	sfence  }
0xb7: {  	s30 =	sld [smem:$0x0];
	_ =	sdelay $0x2  }
0xb8: {  	s31 =	sshll.u32 s1, $0xD;
	s1 =	sshrl.u32 s1, $0x2  }
0xb9: {  	s3 =	sand.u32 $0x4000, s31;
	s1 =	sadd.s32 s1, s30  }
0xba: {  	s0 =	sor.u32 s3, s0;
	s1 =	sshll.u32 s1, $0x11  }
0xbb: {  	s0 =	sor.u32 s1, s0  }
0xbc: {  	s0 =	sadd.s32 $0x8F2B, s0  }
0xbd: {  	[sflag:s0] =	ssyncadd.remote.s32 $0x1  }
0xbe: {  	_ =	sfence.sel $0xFFFF  }
0xbf: {  	[dreg:$0x0] =	wrdreg $0xFFFFFFFF;
	(pc) =	sbr.abs _section_cstart, $3  }
0xc0: {  	[dreg:$0x1] =	wrdreg $0xFFFFFFFF  }
0xc1: {  	_ =	task.clear_ibuf [dreg:s7], $0x2FFFF;
	_ =	strace $0x9FFFFFFF  }
0xc2: {  	(tm) =	ssettm $0x7FFFFFFF  }
0xc3: {  	_ =	shalt  }
tec
execute0_lowered:
.L_overlay_start_1:
0x0: {  	(tag) =	ssettag $0x1  }
0x1: {  	v0 =	vimm.s32 $0xFEDCBA98  }
0x2: {  	s0 =	rddreg [dreg:$0x0];
	v1 =	vimm.s32 $0x76543210;
	v0 =	vunpack.c.l.s4.s8 v0  }
0x3: {  	s1 =	rddreg [dreg:$0x1];
	s3 =	simm.s32 $0x0;
	s4 =	srdreg.scid;
	v1 =	vunpack.c.l.s4.s8 v1  }
0x4: {  	s2 =	stileid.u32;
	v2 =	vimm.s32 $0x32107654;
	v3 =	vimm.s32 $0xDCFE98BA;
	s12 =	simm.s32 $0x3;
	s13 =	simm.s32 $0x4000;
	v0 =	vunpack.c.0.s8.s32 v0  }
0x5: {  	v4 =	vimm.s32 $0x54761032;
	s14 =	simm.s32 $0x12000;
	s15 =	simm.s32 $0x50;
	s16 =	simm.s32 $0x8000;
	v1 =	vunpack.c.0.s8.s32 v1  }
0x6: {  	v5 =	vimm.s32 $0xEFCDAB89;
	s17 =	simm.s32 $0x1;
	s18 =	simm.s32 $0xA800;
	s19 =	simm.s32 $0x2;
	v0 =	vand.u32 $0xF, v0  }
0x7: {  	v6 =	vimm.s32 $0x67452301;
	s20 =	simm.s32 $0xD000;
	s21 =	simm.s32 $0xF800;
	s22 =	simm.s32 $0x0;
	v0 =	vcombine.low v0, v1;
	v1 =	vimm.s32 $0xBA98FEDC  }
0x8: {  	[smem:$0x7FF] =	sst s3;
	s8 =	sand.u32 $0x1, s4;
	s4 =	sadd.s32 $0x536600, s0;
	v2 =	vunpack.c.l.s4.s8 v2;
	v3 =	vunpack.c.l.s4.s8 v3;
	v1 =	vunpack.c.l.s4.s8 v1  }
0x9: {  	s5 =	sshll.u32 s2, $0x1;
	s6 =	sadd.s32 $0x6000, s0;
	v4 =	vunpack.c.l.s4.s8 v4;
	v5 =	vunpack.c.l.s4.s8 v5;
	v6 =	vunpack.c.l.s4.s8 v6;
	_ =	strace $0x80000047  }
0xa: {  	s10 =	sor.u32 s8, s5;
	s5 =	sadd.s32 $0x50F400, s0;
	s31 =	ssub.s32 $0x2, s8;
	v2 =	vunpack.c.0.s8.s32 v2;
	v3 =	vunpack.c.0.s8.s32 v3;
	v1 =	vunpack.c.0.s8.s32 v1  }
0xb: {  	s7 =	sshll.u32 s10, $0xB;
	s11 =	sshrl.u32 s31, $0x1;
	s10 =	smul.u32 $0x138800, s10;
	v4 =	vunpack.c.0.s8.s32 v4;
	v5 =	vunpack.c.0.s8.s32 v5;
	v6 =	vunpack.c.0.s8.s32 v6  }
0xc: {  	vm0 =	vcmask $0x300;
	s9 =	sadd.s32 s7, s0;
	s7 =	sadd.s32 $0x587600, s0;
	s0 =	ssub.s32 s31, s11;
	v1 =	vcombine.low v2, v1;
	v2 =	vimm.f32 $0.0e+00  }
0xd: {  	s8 =	sadd.s32 $0x577600, s9;
	s9 =	sadd.s32 $0x567600, s9;
	s11 =	smax.u32 s0, $0x1;
	v3 =	vcombine.low v4, v3;
	v4 =	vcombine.low v6, v5;
	v5 =	vsel vm0, $0x3F800000, v2  }
.LBB2_1:
0xe: {  	[tilespmem:s3], [sflag:$0x3] =	stream.linear.gather [hbm4b:s8+s3], $0x3E80, $0x38;
	[tilespmem:$0x12080] =	vst v63  }
0xf: {  	_ =	swait.ge [sflag:s12], $0x3E80  }
0x10: {  	[sflag:s12] =	ssyncset.done $0x0  }
0x11: {  	[sflag:s12] =	ssyncadd.s32 $0xFFFFC180  }
0x12: {  	[tilespmem:s13], [sflag:$0x3] =	stream.linear.gather [hbm4b:s9+s3], $0x3E80, $0x38;
	[tilespmem:$0x12080] =	vst v63  }
0x13: {  	_ =	swait.ge [sflag:s12], $0x3E80  }
0x14: {  	[sflag:s12] =	ssyncset.done $0x0  }
0x15: {  	[sflag:s12] =	ssyncadd.s32 $0xFFFFC180  }
0x16: {  	[tilespmem:s14], [sflag:$0x3] =	stream.linear.gather [hbm4b:s1+s3], $0x80, $0x38;
	[tilespmem:$0x12080] =	vst v63  }
0x17: {  	_ =	swait.ge [sflag:s12], $0x80  }
0x18: {  	[sflag:s12] =	ssyncset.done $0x0  }
0x19: {  	[sflag:s12] =	ssyncadd.s32 $0xFFFFFF80  }
0x1a: {  	s0 =	simm.s32 $0x200;
	s24 =	simm.s32 $0x0;
	v6 =	vld [tilespmem:$0x12000]  }
.LBB2_2:
0x1b: {  	p0 =	sne.s32 s0, $0x9E00;
	[tilespmem:s24+$0xF860] =	vst v2;
	s23 =	smov.u32 s0;
	s0 =	sadd.s32 $0x200, s0  }
.Ltmp0:
0x1c: {  	[tilespmem:s24+$0xF870] =	vst v2;
	(pc) =	sbr.rel @p0 .LBB2_2-.Ltmp0, $2  }
0x1d: {  	_ =	sdelay $0x2  }
0x1e: {  	s24 =	sshra.s32 s23, $0x2  }
0x1f: {  	[tilespmem:s24+$0xF860] =	vst v2  }
0x20: {  	s23 =	simm.s32 $0x0;
	[tilespmem:s24+$0xF870] =	vst v2;
	s24 =	simm.s32 $0x0  }
.LBB2_4:
0x21: {  	s0 =	sshll.u32 s24, $0x7  }
0x22: {  	s25 =	sadd.s32 $0x4000, s0  }
0x23: {  	[tilespmem:s16], [sflag:$0x1] =	stream.indirect.gather [hbm4b:s4+s15], $0x80, s25, s15, $0xb8;
	[tilespmem:$0x12080] =	vst v63  }
0x24: {  	_ =	swait.ge [sflag:s17], $0x2800  }
0x25: {  	[sflag:s17] =	ssyncset.done $0x0  }
0x26: {  	s26 =	smul.u32 $0x2800, s24;
	[sflag:s17] =	ssyncadd.s32 $0xFFFFD800  }
0x27: {  	[tilespmem:s18], [sflag:$0x2] =	stream.indirect.gather [hbm4b:s5+s15], $0x80, s0, s15, $0xb8;
	[tilespmem:$0x12080] =	vst v63  }
0x28: {  	s26 =	sadd.s32 s10, s26;
	_ =	swait.ge [sflag:s19], $0x2800  }
0x29: {  	s25 =	sshrl.u32 s26, $0x3;
	[sflag:s19] =	ssyncset.done $0x0  }
0x2a: {  	s0 =	sadd.s32 s6, s25;
	[sflag:s19] =	ssyncadd.s32 $0xFFFFD800  }
0x2b: {  	[tilespmem:s20], [sflag:$0x3] =	stream.linear.gather [hbm4b:s0+s23], $0x2800, $0x38;
	[tilespmem:$0x12080] =	vst v63  }
0x2c: {  	_ =	swait.ge [sflag:s12], $0x2800  }
0x2d: {  	[sflag:s12] =	ssyncset.done $0x0  }
0x2e: {  	s30 =	simm.s32 $0x0;
	[sflag:s12] =	ssyncadd.s32 $0xFFFFD800  }
0x2f: {  	v7 =	vld [tilespmem:s30+$0x8040]  }
0x30: {  	v23 =	vld [tilespmem:s30+$0xD000]  }
0x31: {  	v8 =	vld [tilespmem:s30+$0x8000]  }
0x32: {  	v9 =	vld [tilespmem:s30+$0xA800]  }
0x33: {  	v10 =	vld [tilespmem:s30+$0x8010]  }
0x34: {  	v11 =	vld [tilespmem:s30+$0xA810]  }
0x35: {  	v12 =	vld [tilespmem:s30+$0x8020]  }
0x36: {  	v13 =	vld [tilespmem:s30+$0xA820]  }
0x37: {  	v14 =	vld [tilespmem:s30+$0x8030];
	v7 =	vmul.f32 v23, v7;
	v8 =	vmul.f32 v9, v8  }
0x38: {  	v9 =	vld [tilespmem:s30+$0xA830]  }
0x39: {  	v10 =	vmul.f32 v11, v10;
	v7 =	vadd.f32 v8, v7;
	_ =	sdelay $0x1  }
0x3a: {  	v8 =	vmul.f32 v13, v12;
	v10 =	vadd.f32 v10, v7;
	_ =	sdelay $0x1  }
0x3b: {  	v9 =	vmul.f32 v9, v14;
	v8 =	vadd.f32 v8, v10  }
0x3c: {  	v20 =	vld [tilespmem:s30+$0xA840]  }
0x3d: {  	v21 =	vld [tilespmem:s30+$0xA850];
	v8 =	vadd.f32 v9, v8  }
0x3e: {  	v25 =	vld [tilespmem:s30+$0xA860]  }
0x3f: {  	s26 =	simm.s32 $0x80;
	v26 =	vld [tilespmem:s30+$0xA870];
	v9 =	vperm.xlane v8, v0  }
0x40: {  	v15 =	vld [tilespmem:s26+$0xA800]  }
0x41: {  	v16 =	vld [tilespmem:s26+$0x8010];
	v8 =	vadd.f32 v8, v9  }
0x42: {  	v13 =	vld [tilespmem:s26+$0x8040]  }
0x43: {  	v7 =	vld [tilespmem:s26+$0xD000];
	v9 =	vperm.xlane v8, v1  }
0x44: {  	v14 =	vld [tilespmem:s26+$0x8000]  }
0x45: {  	v17 =	vld [tilespmem:s26+$0xA810];
	v27 =	vadd.f32 v8, v9  }
0x46: {  	v18 =	vld [tilespmem:s26+$0x8020]  }
0x47: {  	v19 =	vld [tilespmem:s26+$0xA820];
	v28 =	vperm.xlane v27, v3  }
0x48: {  	v22 =	vld [tilespmem:s26+$0x8030]  }
0x49: {  	s28 =	simm.s32 $0x100;
	v24 =	vld [tilespmem:s26+$0xA830];
	v13 =	vmul.f32 v7, v13;
	v14 =	vmul.f32 v15, v14;
	v27 =	vadd.f32 v27, v28  }
0x4a: {  	v29 =	vld [tilespmem:s28+$0x8040]  }
0x4b: {  	v30 =	vld [tilespmem:s28+$0xA800];
	v16 =	vmul.f32 v17, v16;
	v13 =	vadd.f32 v14, v13;
	v15 =	vperm.xlane v27, v4  }
0x4c: {  	v31 =	vld [tilespmem:s28+$0x8010]  }
0x4d: {  	s29 =	simm.s32 $0x180;
	v32 =	vld [tilespmem:s28+$0xA810];
	v16 =	vadd.f32 v16, v13;
	v14 =	vadd.f32 v27, v15;
	v15 =	vmul.f32 v19, v18  }
0x4e: {  	v56 =	vld [tilespmem:s29+$0xA800]  }
0x4f: {  	v57 =	vld [tilespmem:s29+$0xA820];
	v15 =	vadd.f32 v15, v16;
	v16 =	vmul.f32 v24, v22  }
0x50: {  	v8 =	vld [tilespmem:s28+$0xD000]  }
0x51: {  	v28 =	vld [tilespmem:s28+$0x8000];
	v24 =	vadd.f32 v16, v15  }
0x52: {  	v27 =	vld [tilespmem:s28+$0x8020]  }
0x53: {  	v18 =	vld [tilespmem:s28+$0xA820];
	v33 =	vperm.xlane v24, v0  }
0x54: {  	v19 =	vld [tilespmem:s28+$0x8030]  }
0x55: {  	v14 =	vmul.f32 $1.250000000e-01, v14;
	v22 =	vld [tilespmem:s28+$0xA830];
	v24 =	vadd.f32 v24, v33  }
0x56: {  	v36 =	vld [tilespmem:s29+$0x8030];
	v29 =	vmul.f32 v8, v29  }
0x57: {  	v38 =	vld [tilespmem:s29+$0xA830];
	v28 =	vmul.f32 v30, v28;
	v14 =	vsub.f32 v14, v6;
	v55 =	vperm.xlane v24, v1  }
0x58: {  	v11 =	vld [tilespmem:s26+$0xA840];
	v31 =	vmul.f32 v32, v31  }
0x59: {  	v17 =	vld [tilespmem:s28+$0xA870];
	v28 =	vadd.f32 v28, v29;
	v14 =	vmul.f32 $1.442695020e+00, v14;
	v24 =	vadd.f32 v24, v55  }
0x5a: {  	v12 =	vld [tilespmem:s26+$0xA870];
	v18 =	vmul.f32 v18, v27;
	v19 =	vmul.f32 v22, v19  }
0x5b: {  	v30 =	vld [tilespmem:s29+$0x8040];
	v27 =	vadd.f32 v31, v28;
	(erf) = vpow2.f32 v14;
	v22 =	vperm.xlane v24, v3  }
0x5c: {  	v29 =	vld [tilespmem:s29+$0x8000]  }
0x5d: {  	v28 =	vld [tilespmem:s29+$0x8010];
	v18 =	vadd.f32 v18, v27;
	v22 =	vadd.f32 v24, v22  }
0x5e: {  	v31 =	vld [tilespmem:s29+$0xA810]  }
0x5f: {  	v14 =	vld [tilespmem:s29+$0xD000];
	v34 =	vadd.f32 v19, v18;
	v39 =	vperm.xlane v22, v4  }
0x60: {  	v10 =	vld [tilespmem:s26+$0xA850]  }
0x61: {  	v13 =	vld [tilespmem:s28+$0xA840];
	v24 =	vperm.xlane v34, v0;
	v22 =	vadd.f32 v22, v39  }
0x62: {  	v9 =	vld [tilespmem:s26+$0xA860]  }
0x63: {  	v27 =	vld [tilespmem:s29+$0x8020];
	v29 =	vmul.f32 v56, v29;
	v24 =	vadd.f32 v34, v24;
	v60 =	vmul.f32 $1.250000000e-01, v22  }
0x64: {  	v16 =	vld [tilespmem:s28+$0xA850];
	v28 =	vmul.f32 v31, v28;
	v30 =	vmul.f32 v14, v30;
	v35 =	vpop (erf)  }
0x65: {  	v15 =	vld [tilespmem:s28+$0xA860];
	v37 =	vmul.f32 v5, v35;
	v59 =	vperm.xlane v24, v1;
	v31 =	vsub.f32 v60, v6  }
0x66: {  	v18 =	vld [tilespmem:s29+$0xA840];
	v58 =	vmul.f32 v35, v20  }
0x67: {  	v19 =	vld [tilespmem:s29+$0xA850];
	v29 =	vadd.f32 v29, v30;
	[tilespmem:s30+$0xF850] =	vst v37;
	v30 =	vadd.f32 v24, v59;
	v31 =	vmul.f32 $1.442695020e+00, v31  }
0x68: {  	v27 =	vmul.f32 v57, v27;
	v21 =	vmul.f32 v35, v21;
	v20 =	vld [tilespmem:s29+$0xA860];
	[tilespmem:s30+$0xF800] =	vst v58  }
0x69: {  	s31 =	simm.s32 $0x200;
	v28 =	vadd.f32 v28, v29;
	v22 =	vld [tilespmem:s29+$0xA870];
	v29 =	vperm.xlane v30, v3;
	(erf) = vpow2.f32 v31  }
0x6a: {  	v63 =	vmul.f32 v38, v36;
	v61 =	vmul.f32 v35, v25;
	v24 =	vld [tilespmem:s31+$0x8040];
	[tilespmem:s30+$0xF810] =	vst v21  }
0x6b: {  	v62 =	vmul.f32 v26, v35;
	v28 =	vadd.f32 v27, v28;
	v21 =	vld [tilespmem:s31+$0xD000];
	v25 =	vadd.f32 v30, v29  }
0x6c: {  	v26 =	vld [tilespmem:s31+$0x8000];
	[tilespmem:s30+$0xF820] =	vst v61;
	v29 =	vmul.f32 v23, v35  }
0x6d: {  	s0 =	simm.s32 $0xA00;
	v27 =	vld [tilespmem:s31+$0xA800];
	[tilespmem:s30+$0xF830] =	vst v62;
	v23 =	vadd.f32 v63, v28;
	v28 =	vperm.xlane v25, v4  }
.LBB2_5:
0x6e: {  	p0 =	sne.s32 s0, $0x9E00;
	v30 =	vld [tilespmem:s31+$0x8010];
	[tilespmem:s30+$0xF840] =	vst v29;
	v31 =	vmov v22;
	s30 =	smov.u32 s26;
	s26 =	smov.u32 s28  }
0x6f: {  	s28 =	smov.u32 s29;
	s29 =	smov.u32 s31;
	v22 =	vld [tilespmem:s31+$0xA810];
	v33 =	vperm.xlane v23, v0;
	v25 =	vadd.f32 v25, v28  }
0x70: {  	v28 =	vld [tilespmem:s29+$0x8020];
	v32 =	vmov v21  }
0x71: {  	v21 =	vld [tilespmem:s29+$0xA820];
	v23 =	vadd.f32 v23, v33;
	v25 =	vmul.f32 $1.250000000e-01, v25  }
0x72: {  	v24 =	vmul.f32 v32, v24;
	v26 =	vmul.f32 v27, v26;
	v27 =	vld [tilespmem:s29+$0xA840];
	v29 =	vpop (erf)  }
0x73: {  	v33 =	vld [tilespmem:s29+$0x8030];
	v34 =	vperm.xlane v23, v1;
	v25 =	vsub.f32 v25, v6;
	v35 =	vmul.f32 v5, v29  }
0x74: {  	v36 =	vmul.f32 v29, v11;
	v11 =	vmovc v13;
	v13 =	vmov v18;
	v22 =	vmul.f32 v22, v30;
	v30 =	vld [tilespmem:s29+$0xA830]  }
0x75: {  	v38 =	vadd.f32 v26, v24;
	v37 =	vld [tilespmem:s29+$0xA850];
	v23 =	vadd.f32 v23, v34;
	v24 =	vmul.f32 $1.442695020e+00, v25;
	[tilespmem:s30+$0xF850] =	vst v35  }
0x76: {  	v25 =	vmul.f32 v21, v28;
	v34 =	vld [tilespmem:s29+$0xA860];
	[tilespmem:s30+$0xF800] =	vst v36;
	v21 =	vmul.f32 v29, v10;
	v10 =	vmovc v16;
	v16 =	vmov v19  }
.Ltmp1:
0x77: {  	s31 =	sshra.s32 s0, $0x2;
	v36 =	vadd.f32 v22, v38;
	v22 =	vld [tilespmem:s29+$0xA870];
	v26 =	vperm.xlane v23, v3;
	(erf) = vpow2.f32 v24;
	v18 =	vmovc v27;
	(pc) =	sbr.rel @p0 .LBB2_5-.Ltmp1, $4  }
0x78: {  	v35 =	vmul.f32 v12, v29;
	v27 =	vmul.f32 v29, v9;
	v9 =	vmovc v15;
	v15 =	vmov v20;
	v24 =	vld [tilespmem:s31+$0x8040];
	[tilespmem:s30+$0xF810] =	vst v21  }
0x79: {  	v12 =	vmovc v17;
	v36 =	vadd.f32 v25, v36;
	v21 =	vld [tilespmem:s31+$0xD000];
	v28 =	vmul.f32 v30, v33;
	v25 =	vadd.f32 v23, v26  }
0x7a: {  	v17 =	vmovc v31;
	v29 =	vmul.f32 v7, v29;
	v7 =	vmovc v8;
	v8 =	vmov v14;
	v26 =	vld [tilespmem:s31+$0x8000];
	[tilespmem:s30+$0xF820] =	vst v27;
	v19 =	vmov v37  }
0x7b: {  	s0 =	sadd.s32 $0x200, s0;
	v14 =	vmovc v32;
	v27 =	vld [tilespmem:s31+$0xA800];
	v23 =	vadd.f32 v28, v36;
	v28 =	vperm.xlane v25, v4;
	[tilespmem:s30+$0xF830] =	vst v35;
	v20 =	vmov v34  }
0x7c: {  	v30 =	vld [tilespmem:s31+$0x8010];
	[tilespmem:s30+$0xF840] =	vst v29  }
0x7d: {  	v29 =	vld [tilespmem:s31+$0xA810]  }
0x7e: {  	v31 =	vld [tilespmem:s31+$0x8020]  }
0x7f: {  	v32 =	vld [tilespmem:s31+$0xA820]  }
0x80: {  	v45 =	vld [tilespmem:s31+$0x8030];
	v24 =	vmul.f32 v21, v24;
	v26 =	vmul.f32 v27, v26  }
0x81: {  	v33 =	vld [tilespmem:s31+$0xA830]  }
0x82: {  	v29 =	vmul.f32 v29, v30;
	v24 =	vadd.f32 v26, v24;
	_ =	sdelay $0x1  }
0x83: {  	v46 =	vperm.xlane v23, v0;
	v47 =	vmul.f32 v32, v31;
	v24 =	vadd.f32 v29, v24;
	_ =	sdelay $0x1  }
0x84: {  	v23 =	vadd.f32 v23, v46;
	v48 =	vmul.f32 v33, v45;
	v24 =	vadd.f32 v47, v24;
	_ =	sdelay $0x1  }
0x85: {  	v49 =	vperm.xlane v23, v1;
	v24 =	vadd.f32 v48, v24;
	_ =	sdelay $0x1  }
0x86: {  	v23 =	vadd.f32 v23, v49;
	v26 =	vperm.xlane v24, v0;
	_ =	sdelay $0x1  }
0x87: {  	v25 =	vadd.f32 v25, v28;
	v27 =	vperm.xlane v23, v3;
	v24 =	vadd.f32 v24, v26;
	_ =	sdelay $0x1  }
0x88: {  	v25 =	vmul.f32 $1.250000000e-01, v25;
	v23 =	vadd.f32 v23, v27;
	v26 =	vperm.xlane v24, v1;
	_ =	sdelay $0x1  }
0x89: {  	v25 =	vsub.f32 v25, v6;
	v27 =	vperm.xlane v23, v4;
	v24 =	vadd.f32 v24, v26;
	_ =	sdelay $0x1  }
0x8a: {  	v25 =	vmul.f32 $1.442695020e+00, v25;
	v23 =	vadd.f32 v23, v27;
	v26 =	vperm.xlane v24, v3;
	_ =	sdelay $0x1  }
0x8b: {  	(erf) = vpow2.f32 v25;
	v23 =	vmul.f32 $1.250000000e-01, v23;
	v24 =	vadd.f32 v24, v26;
	_ =	sdelay $0x1  }
0x8c: {  	v23 =	vsub.f32 v23, v6;
	v53 =	vperm.xlane v24, v4  }
0x8d: {  	v50 =	vpop (erf)  }
0x8e: {  	v52 =	vmul.f32 v5, v50;
	v23 =	vmul.f32 $1.442695020e+00, v23;
	v24 =	vadd.f32 v24, v53  }
0x8f: {  	v51 =	vld [tilespmem:s31+$0xA840];
	v11 =	vmul.f32 v50, v11;
	v10 =	vmul.f32 v50, v10  }
0x90: {  	v54 =	vld [tilespmem:s31+$0xA850];
	[tilespmem:s26+$0xF850] =	vst v52;
	(erf) = vpow2.f32 v23;
	v55 =	vmul.f32 $1.250000000e-01, v24  }
0x91: {  	v9 =	vmul.f32 v50, v9;
	v27 =	vld [tilespmem:s31+$0xA860];
	[tilespmem:s26+$0xF800] =	vst v11  }
0x92: {  	v57 =	vmul.f32 v12, v50;
	v56 =	vld [tilespmem:s31+$0xA870];
	[tilespmem:s26+$0xF810] =	vst v10;
	v11 =	vsub.f32 v55, v6  }
0x93: {  	v7 =	vmul.f32 v7, v50;
	[tilespmem:s26+$0xF820] =	vst v9;
	v58 =	vpop (erf)  }
0x94: {  	[tilespmem:s26+$0xF830] =	vst v57;
	v59 =	vmul.f32 v5, v58;
	v11 =	vmul.f32 $1.442695020e+00, v11  }
0x95: {  	[tilespmem:s26+$0xF840] =	vst v7;
	v7 =	vmul.f32 v58, v13  }
0x96: {  	v60 =	vmul.f32 v58, v16;
	[tilespmem:s28+$0xF850] =	vst v59;
	(erf) = vpow2.f32 v11  }
0x97: {  	[tilespmem:s28+$0xF800] =	vst v7;
	v7 =	vmul.f32 v58, v15  }
0x98: {  	v61 =	vmul.f32 v17, v58;
	[tilespmem:s28+$0xF810] =	vst v60  }
0x99: {  	[tilespmem:s28+$0xF820] =	vst v7;
	v7 =	vmul.f32 v8, v58;
	v62 =	vpop (erf)  }
0x9a: {  	[tilespmem:s28+$0xF830] =	vst v61;
	v8 =	vmul.f32 v5, v62  }
0x9b: {  	[tilespmem:s28+$0xF840] =	vst v7;
	v7 =	vmul.f32 v62, v18  }
0x9c: {  	[tilespmem:s29+$0xF850] =	vst v8;
	v8 =	vmul.f32 v62, v19  }
0x9d: {  	[tilespmem:s29+$0xF800] =	vst v7;
	v7 =	vmul.f32 v62, v20  }
0x9e: {  	[tilespmem:s29+$0xF810] =	vst v8;
	v8 =	vmul.f32 v22, v62  }
0x9f: {  	[tilespmem:s29+$0xF820] =	vst v7;
	v7 =	vmul.f32 v14, v62;
	v63 =	vpop (erf)  }
0xa0: {  	[tilespmem:s29+$0xF830] =	vst v8;
	v8 =	vmul.f32 v5, v63  }
0xa1: {  	[tilespmem:s29+$0xF840] =	vst v7;
	v7 =	vmul.f32 v63, v51  }
0xa2: {  	[tilespmem:s31+$0xF850] =	vst v8;
	v8 =	vmul.f32 v63, v54  }
0xa3: {  	[tilespmem:s31+$0xF800] =	vst v7;
	v7 =	vmul.f32 v63, v27  }
0xa4: {  	[tilespmem:s31+$0xF810] =	vst v8;
	v8 =	vmul.f32 v56, v63  }
0xa5: {  	s24 =	sadd.s32 $0x1, s24;
	[tilespmem:s31+$0xF820] =	vst v7;
	v7 =	vmul.f32 v21, v63  }
0xa6: {  	p0 =	sne.s32 s24, $0x7D;
	[tilespmem:s31+$0xF830] =	vst v8  }
.Ltmp2:
0xa7: {  	s0 =	sadd.s32 s7, s25;
	[tilespmem:s31+$0xF840] =	vst v7;
	(pc) =	sbr.rel @p0 .LBB2_4-.Ltmp2, $4  }
0xa8: {  	[hbm4b:s0+s3] =	stream.linear.scatter [tilespmem:s21], [sflag:$0x3], $0x2800, $0x38;
	[tilespmem:$0x12080] =	vst v63  }
0xa9: {  	_ =	swait.ge [sflag:s12], $0x2800  }
0xaa: {  	[sflag:s12] =	ssyncset.done $0x0  }
0xab: {  	[sflag:s12] =	ssyncadd.s32 $0xFFFFD800  }
0xac: {  	s22 =	sadd.s32 $0x1, s22  }
0xad: {  	p0 =	sne.s32 s22, s11  }
.Ltmp3:
0xae: {  	_ = 	snop;
	(pc) =	sbr.rel @p0 .LBB2_1-.Ltmp3, $1  }
0xaf: {  	_ =	sdelay $0x3  }
0xb0: {  	_ =	sfence.sel $0x180000  }
0xb1: {  	[bflag:$0x0] =	sbarrier.arrive $0xFFFF  }
0xb2: {  	_ =	strace $0x90000047  }
0xb3: {  	[bflag:$0x2] =	sbarrier.arrive $0xFFFF  }
0xb4: {  	p0 =	sne.s32 s2, $0x0;
	s0 =	rddreg [dreg:$0x2]  }
0xb5: {  	s0 =	sadd.s32 @!p0 $0x100000, s0  }
0xb6: {  	[sflag:s0] =	ssyncadd.tile.s32 @!p0 $0x1;
	_ =	shalt  }
.Lfunc_end2:
_tile_overlayer_lowered:
.L_overlay_start_2:
0xb7: {  	(tag) =	ssettag $0x2  }
0xb8: {  	s0 =	rddreg [dreg:$0x0];
	s2 =	stileid.u32  }
0xb9: {  	s1 =	rddreg [dreg:$0x1];
	p0 =	sne.s32 s2, $0x0  }
0xba: {  	s3 =	rddreg [dreg:$0x2];
	[bflag:$0x3] =	sbarrier.arrive $0xFFFF;
	s2 =	simm.s32 @!p0 $0x1C03  }
0xbb: {  	[timem:s3], [sflag:s2] =	dma.local @!p0 [hbm:s0], s1  }
0xbc: {  	s0 =	simm.s32 @!p0 $0x3  }
0xbd: {  	_ =	swait.ge @!p0 [sflag:s0], s1  }
0xbe: {  	s1 =	ssub.s32 @!p0 $0x0, s1;
	[sflag:s0] =	ssyncset.done @!p0 $0x0  }
0xbf: {  	[sflag:s0] =	ssyncadd.s32 @!p0 s1  }
0xc0: {  	[bflag:$0x3] =	sbarrier.arrive $0xFFFF  }
0xc1: {  	_ =	shalt  }

// kernel: kernel.13.cloned.1.call-start
scs
__scs_entry_jumppad:
0x0: {  	(pc) =	sbr.rel $0x88, $3  }
0x1: {  	(tag) =	ssettag $0x0;
	lr =	simm.s32 $0x1  }
0x2: {  	[smem:$0x3F85] =	sst lr;
	_ =	strace $0xD0000000  }
0x3: {  	_ = 	snop  }
0x4: {  	_ = 	snop  }
0x5: {  	_ = 	snop  }
0x6: {  	_ = 	snop  }
0x7: {  	_ = 	snop  }
__scs_overlays_trampoline_lowered:
0x8: {  	[smem:$0x3F94] =	sst s0  }
0x9: {  	[smem:$0x3F95] =	sst s1  }
0xa: {  	[smem:$0x3F96] =	sst s2  }
0xb: {  	[smem:$0x3F97] =	sst s3  }
0xc: {  	[smem:$0x3F98] =	sst s4  }
0xd: {  	[smem:$0x3F99] =	sst s5  }
0xe: {  	[smem:$0x3F9A] =	sst s6  }
0xf: {  	[smem:$0x3F9B] =	sst s7  }
0x10: {  	[smem:$0x3F9C] =	sst s8  }
0x11: {  	[smem:$0x3F9D] =	sst s9;
	s0 =	simm.s32 @!p0 $0x0  }
0x12: {  	s1 =	sld [smem:$0x3F83];
	s0 =	simm.s32 @p0 $0x1  }
0x13: {  	[smem:$0x3F9E] =	sst s0;
	s0 =	simm.s32 @!p1 $0x0  }
0x14: {  	s2 =	sld [smem:$0x3F82];
	s0 =	simm.s32 @p1 $0x1  }
0x15: {  	[smem:$0x3F9F] =	sst s0;
	s0 =	simm.s32 @!p2 $0x0  }
0x16: {  	s3 =	sld [smem:$0x3FDB];
	s0 =	simm.s32 @p2 $0x1  }
0x17: {  	s4 =	simm.s32 $0x1BF5;
	[smem:$0x3FA1] =	sst s0  }
0x18: {  	s0 =	sld [smem:$0x3F84];
	_ =	swait.ge [sflag:s4], $0x0  }
0x19: {  	s7 =	sld [smem:$0x3F85]  }
0x1a: {  	s8 =	sadd.s32 $0xFFFFE003, lr  }
0x1b: {  	s9 =	sadd.s32 $0xFFFFFEF7, lr;
	s5 =	simm.s32 $0xFFFFFFFF;
	p2 =	slt.u32 s8, $0xFFFFF086  }
0x1c: {  	p1 =	slt.u32 s9, $0xF7A;
	s5 =	simm.s32 @!p2 $0x0  }
0x1d: {  	s5 =	simm.s32 @p1 $0x1;
	p0 =	seq.s32 s7, s2  }
0x1e: {  	s7 =	smul.u32 @!p0 $0xF7A, s2;
	p2 =	seq.s32 @!p0 s5, $0x0  }
0x1f: {  	s9 =	smul.u32 $0xF7A, s1;
	s8 =	simm.s32 @!p0 $0x1BF5;
	p2 =	por !p2, p0  }
0x20: {  	[sflag:s8] =	ssyncset.s32 @!p0 $0xFFFFF086;
	s6 =	sadd.s32 @!p0 s3, s7;
	s7 =	simm.s32 @!p0 $0x108  }
0x21: {  	s3 =	sadd.s32 s3, s9;
	s6 =	sadd.s32 @!p0 $0x88, s6;
	s7 =	simm.s32 @p2 $0x1082  }
0x22: {  	[simem:s7], [sflag:s8] =	dma.local @!p0 [hbm:s6], $0xF7A  }
0x23: {  	s9 =	sor.u32 $0xD0000000, s2;
	s6 =	simm.s32 $0x108;
	_ =	swait.ge @!p0 [sflag:s8], $0x0  }
0x24: {  	s3 =	sadd.s32 $0x88, s3;
	s6 =	simm.s32 @!p1 $0x1082;
	[sflag:s4] =	ssyncset.s32 $0xFFFFF086  }
0x25: {  	[simem:s6], [sflag:s4] =	dma.local [hbm:s3], $0xF7A  }
0x26: {  	[smem:$0x3F85] =	sst s1;
	(tag) =	ssettag s2;
	_ =	strace s9  }
0x27: {  	s1 =	sld [smem:$0x3F95]  }
0x28: {  	s2 =	sld [smem:$0x3F96]  }
0x29: {  	s4 =	sld [smem:$0x3F98]  }
0x2a: {  	p0 =	seq.s32 s5, $0x0;
	s5 =	sld [smem:$0x3F99]  }
0x2b: {  	s6 =	sld [smem:$0x3F9A]  }
0x2c: {  	s7 =	sld [smem:$0x3F9B]  }
0x2d: {  	s3 =	simm.s32 $0x108;
	s8 =	sld [smem:$0x3F9C]  }
0x2e: {  	s3 =	simm.s32 @!p0 $0x1082;
	s9 =	sld [smem:$0x3F9D]  }
0x2f: {  	lr =	sadd.s32 s0, s3;
	s0 =	sld [smem:$0x3F94]  }
0x30: {  	s3 =	sld [smem:$0x3F97]  }
0x31: {  	[smem:$0x3FA0] =	sst s10  }
0x32: {  	s10 =	sld [smem:$0x3F9E];
	_ =	sdelay $0x3  }
0x33: {  	p0 =	seq.s32 s10, $0x1;
	s10 =	sld [smem:$0x3FA0];
	_ =	sdelay $0x3  }
0x34: {  	[smem:$0x3FA0] =	sst s10  }
0x35: {  	s10 =	sld [smem:$0x3F9F];
	_ =	sdelay $0x3  }
0x36: {  	p1 =	seq.s32 s10, $0x1;
	s10 =	sld [smem:$0x3FA0];
	_ =	sdelay $0x3  }
0x37: {  	[smem:$0x3FA0] =	sst s10  }
0x38: {  	s10 =	sld [smem:$0x3FA1]  }
0x39: {  	_ = 	snop;
	(pc) =	sbr.ind lr, $3  }
0x3a: {  	_ = 	snop  }
0x3b: {  	_ = 	snop  }
0x3c: {  	p2 =	seq.s32 s10, $0x1;
	s10 =	sld [smem:$0x3FA0]  }
0x3d: {  	_ =	shalt  }
0x3e: {  	_ =	shalt  }
0x3f: {  	_ =	shalt  }
0x40: {  	_ =	shalt  }
0x41: {  	_ =	shalt  }
0x42: {  	_ =	shalt  }
0x43: {  	_ =	shalt  }
0x44: {  	_ =	shalt  }
0x45: {  	_ =	shalt  }
0x46: {  	_ =	shalt  }
0x47: {  	_ =	shalt  }
0x48: {  	_ =	shalt  }
0x49: {  	_ =	shalt  }
0x4a: {  	_ =	shalt  }
0x4b: {  	_ =	shalt  }
0x4c: {  	_ =	shalt  }
0x4d: {  	_ =	shalt  }
0x4e: {  	_ =	shalt  }
0x4f: {  	_ =	shalt  }
0x50: {  	_ =	shalt  }
0x51: {  	_ =	shalt  }
0x52: {  	_ =	shalt  }
0x53: {  	_ =	shalt  }
0x54: {  	_ =	shalt  }
0x55: {  	_ =	shalt  }
0x56: {  	_ =	shalt  }
0x57: {  	_ =	shalt  }
0x58: {  	_ =	shalt  }
0x59: {  	_ =	shalt  }
0x5a: {  	_ =	shalt  }
0x5b: {  	_ =	shalt  }
0x5c: {  	_ =	shalt  }
0x5d: {  	_ =	shalt  }
0x5e: {  	_ =	shalt  }
0x5f: {  	_ =	shalt  }
0x60: {  	_ =	shalt  }
0x61: {  	_ =	shalt  }
0x62: {  	_ =	shalt  }
0x63: {  	_ =	shalt  }
0x64: {  	_ =	shalt  }
0x65: {  	_ =	shalt  }
0x66: {  	_ =	shalt  }
0x67: {  	_ =	shalt  }
0x68: {  	_ =	shalt  }
0x69: {  	_ =	shalt  }
0x6a: {  	_ =	shalt  }
0x6b: {  	_ =	shalt  }
0x6c: {  	_ =	shalt  }
0x6d: {  	_ =	shalt  }
0x6e: {  	_ =	shalt  }
0x6f: {  	_ =	shalt  }
0x70: {  	_ =	shalt  }
0x71: {  	_ =	shalt  }
0x72: {  	_ =	shalt  }
0x73: {  	_ =	shalt  }
0x74: {  	_ =	shalt  }
0x75: {  	_ =	shalt  }
0x76: {  	_ =	shalt  }
0x77: {  	_ =	shalt  }
0x78: {  	_ =	shalt  }
0x79: {  	_ =	shalt  }
0x7a: {  	_ =	shalt  }
0x7b: {  	_ =	shalt  }
0x7c: {  	_ =	shalt  }
0x7d: {  	_ =	shalt  }
0x7e: {  	_ =	shalt  }
0x7f: {  	_ =	shalt  }
0x80: {  	_ =	shalt  }
0x81: {  	_ =	shalt  }
0x82: {  	_ =	shalt  }
0x83: {  	_ =	shalt  }
0x84: {  	_ =	shalt  }
0x85: {  	_ =	shalt  }
0x86: {  	_ =	shalt  }
0x87: {  	_ =	shalt  }
.Lfunc_end0:
.L_simem_size_0:
called_computation.1_lowered:
.L_overlay_start_0:
0x88: {  	s2 =	sld [smem:$0x3FD9]  }
0x89: {  	s3 =	sld [smem:$0x3FFE];
	_ =	sdelay $0x1  }
0x8a: {  	s1 =	srdreg.scid  }
0x8b: {  	s0 =	sand.u32 $0x1, s1  }
0x8c: {  	s16 =	sshll.u32 s0, $0xA;
	s2 =	sadd.s32 s3, s2  }
0x8d: {  	s2 =	sadd.s32 s2, s16  }
0x8e: {  	[smem:$0x3FAC] =	sst s2  }
0x8f: {  	_ = 	snop  }
0x90: {  	(tm) =	ssettm $0x1  }
0x91: {  	s17 =	sld [smem:$0x3FFB];
	_ =	sdelay $0x3  }
0x92: {  	_ =	strace s17  }
0x93: {  	s2 =	sld [smem:$0x3FFC];
	_ =	sdelay $0x3  }
0x94: {  	_ =	strace s2  }
0x95: {  	s2 =	sld [smem:$0x3FFD];
	_ =	sdelay $0x3  }
0x96: {  	_ =	strace s2  }
0x97: {  	_ =	strace $0x8FFFFFFF  }
0x98: {  	s18 =	sld [smem:$0x3FDB];
	_ =	sdelay $0x1  }
0x99: {  	s19 =	simm.s32 $_scs_section_size  }
0x9a: {  	s4 =	simm.s32 $_size__tile_overlayer_lowered;
	s5 =	simm.s32 $_tile_overlayer_lowered  }
0x9b: {  	s22 =	simm.s32 $0x1BFF;
	s21 =	sshll.u32 s5, $0x1;
	s2 =	sadd.s32 s19, s18  }
0x9c: {  	s6 =	simm.s32 $0x0;
	s20 =	sshll.u32 s4, $0x1;
	s4 =	sadd.s32 s21, s2  }
0x9d: {  	[timem:s6], [sflag:s22] =	dma.local [hbm:s4], s20  }
0x9e: {  	_ =	swait.ge [sflag:s22], s20  }
0x9f: {  	s3 =	ssub.s32 $0x0, s20;
	[sflag:s22] =	ssyncset.done $0x0  }
0xa0: {  	[sflag:s22] =	ssyncadd.s32 s3;
	_ =	sdelay $0x1  }
0xa1: {  	s23 =	simm.s32 $0x1B8B  }
0xa2: {  	_ =	swait.ge [sflag:s23], $0x1  }
0xa3: {  	[sflag:s23] =	ssyncset.done $0x0  }
0xa4: {  	s25 =	simm.s32 $0x1B8E;
	s24 =	sld [smem:$0x3FFE];
	[sflag:s23] =	ssyncadd.s32 $0xFFFFFFFF  }
0xa5: {  	s26 =	simm.s32 $execute0_lowered;
	[smem:$0x3FD2] =	sst s25  }
0xa6: {  	s4 =	sshll.u32 s26, $0x1;
	_ =	strace $0x80000049;
	[dreg:$0x1] =	wrdreg $0xFFFFFFFF  }
0xa7: {  	s28 =	simm.s32 $_size_execute0_lowered;
	s2 =	sadd.s32 s2, s4;
	[dreg:$0x0] =	wrdreg $0x0  }
0xa8: {  	s4 =	sshll.u32 s28, $0x1;
	[dreg:$0x2] =	wrdreg s2  }
0xa9: {  	[dreg:$0x3] =	wrdreg s4  }
0xaa: {  	[dreg:$0x4] =	wrdreg $0xC0  }
0xab: {  	_ =	task [dreg:s6], $0x5FFFF  }
0xac: {  	[dreg:$0x1] =	wrdreg $0xFFFFFFFF  }
0xad: {  	[dreg:$0x0] =	wrdreg $0x60  }
0xae: {  	[dreg:$0x2] =	wrdreg s24  }
0xaf: {  	[dreg:$0x3] =	wrdreg $0xA8800  }
0xb0: {  	[dreg:$0x4] =	wrdreg $0x9  }
0xb1: {  	_ =	task.clear_ibuf [dreg:s6], $0x5FFFF;
	_ =	strace $0x90000049  }
0xb2: {  	s29 =	simm.s32 $0x9;
	_ =	strace $0x8000004B  }
0xb3: {  	_ =	swait.ge [sflag:s29], $0x1  }
0xb4: {  	[sflag:s29] =	ssyncadd.s32 $0xFFFFFFFF  }
0xb5: {  	_ =	strace $0x9000004B  }
0xb6: {  	_ =	sfence  }
0xb7: {  	s30 =	sld [smem:$0x0];
	_ =	sdelay $0x2  }
0xb8: {  	s31 =	sshll.u32 s1, $0xD;
	s1 =	sshrl.u32 s1, $0x2  }
0xb9: {  	s3 =	sand.u32 $0x4000, s31;
	s1 =	sadd.s32 s1, s30  }
0xba: {  	s0 =	sor.u32 s3, s0;
	s1 =	sshll.u32 s1, $0x11  }
0xbb: {  	s0 =	sor.u32 s1, s0  }
0xbc: {  	s0 =	sadd.s32 $0x8F2B, s0  }
0xbd: {  	[sflag:s0] =	ssyncadd.remote.s32 $0x1  }
0xbe: {  	_ =	sfence.sel $0xFFFF  }
0xbf: {  	[dreg:$0x0] =	wrdreg $0xFFFFFFFF;
	(pc) =	sbr.abs _section_cstart, $3  }
0xc0: {  	[dreg:$0x1] =	wrdreg $0xFFFFFFFF  }
0xc1: {  	_ =	task.clear_ibuf [dreg:s6], $0x2FFFF;
	_ =	strace $0x9FFFFFFF  }
0xc2: {  	(tm) =	ssettm $0x7FFFFFFF  }
0xc3: {  	_ =	shalt  }
tec
execute0_lowered:
.L_overlay_start_1:
0x0: {  	(tag) =	ssettag $0x1  }
0x1: {  	s5 =	rddreg [dreg:$0x0]  }
0x2: {  	s0 =	stileid.u32;
	s1 =	srdreg.scid  }
0x3: {  	s2 =	rddreg [dreg:$0x1];
	s3 =	simm.s32 $0x0;
	s13 =	simm.s32 $0x1  }
0x4: {  	s15 =	simm.s32 $0xA800;
	s16 =	simm.s32 $0x0;
	s4 =	smul.u32 $0x4E200, s0  }
0x5: {  	s6 =	sand.u32 $0x1, s1;
	s1 =	rddreg [dreg:$0x2];
	s9 =	smul.u32 $0xA400, s0  }
0x6: {  	[smem:$0x7FF] =	sst s3;
	s8 =	sshll.u32 s0, $0xC;
	s11 =	smul.u32 $0x29000, s0  }
0x7: {  	s31 =	sshll.u32 s0, $0x6;
	s7 =	smul.u32 $0xA4000, s6;
	_ =	strace $0x8000004A  }
0x8: {  	s8 =	sadd.s32 s8, s5;
	s30 =	ssub.s32 $0x2, s6;
	s14 =	smul.u32 $0x1400, s6  }
0x9: {  	s10 =	sadd.s32 s4, s5;
	s4 =	sadd.s32 $0x50F400, s5;
	s12 =	sshrl.u32 s30, $0x1  }
0xa: {  	s11 =	sshrl.u32 s11, $0x2;
	s7 =	sadd.s32 s9, s7;
	s9 =	ssub.s32 s30, s12  }
0xb: {  	s11 =	sadd.s32 s11, s2;
	s12 =	simm.s32 $0x8000;
	s7 =	sshrl.u32 s7, $0x3  }
0xc: {  	v0 =	vmov s14;
	s14 =	simm.s32 $0x50;
	s7 =	sadd.s32 s7, s5;
	s5 =	sadd.s32 $0xA69600, s8  }
0xd: {  	s11 =	sshrl.u32 s11, $0x3;
	s8 =	sadd.s32 $0x587600, s10;
	s10 =	sor.u32 $0x1C02, s31  }
0xe: {  	s6 =	sadd.s32 $0x510A00, s7;
	s7 =	smax.u32 s9, $0x1;
	s9 =	simm.s32 $0x2  }
.LBB2_1:
0xf: {  	[tilespmem:s3], [sflag:$0x2] =	stream.linear.gather [hbm4b:s5+s3], $0x7D00, $0x38;
	[tilespmem:$0x14C80] =	vst v63  }
0x10: {  	_ =	swait.ge [sflag:s9], $0x7D00  }
0x11: {  	[sflag:s9] =	ssyncset.done $0x0  }
0x12: {  	[sflag:s9] =	ssyncadd.s32 $0xFFFF8300  }
0x13: {  	[spmem:s11], [sflag:s10] =	dma.local [hbm:s4], $0x1480  }
0x14: {  	_ =	swait.ge [sflag:s9], $0x1480  }
0x15: {  	[sflag:s9] =	ssyncset.done $0x0  }
0x16: {  	[sflag:s9] =	ssyncadd.s32 $0xFFFFEB80  }
0x17: {  	s17 =	sadd.s32 $0x0, s8;
	[bflag:$0x0] =	sbarrier.arrive $0xFFFF  }
0x18: {  	[tilespmem:s12], [sflag:$0x1] =	stream.linear.gather [hbm4b:s17+s3], $0x2800, $0x38;
	[tilespmem:$0x14C80] =	vst v63  }
0x19: {  	_ =	swait.ge [sflag:s13], $0x2800  }
0x1a: {  	[sflag:s13] =	ssyncset.done $0x0  }
0x1b: {  	s31 =	simm.s32 $0x20;
	[sflag:s13] =	ssyncadd.s32 $0xFFFFD800  }
0x1c: {  	v1 =	vld [tilespmem:s31+$0xFFFFFFE0];
	_ =	sdelay $0x4  }
0x1d: {  	v1 =	vsub.s32 v1, v0  }
0x1e: {  	vm0 =	vlt.u32 v1, $0x1400  }
0x1f: {  	v1 =	vnsel vm0, $0x1478, v1  }
0x20: {  	[tilespmem:$0xA800] =	vst v1  }
0x21: {  	v1 =	vld [tilespmem:s31+$0xFFFFFFF0];
	_ =	sdelay $0x4  }
0x22: {  	v1 =	vsub.s32 v1, v0  }
0x23: {  	vm12 =	vlt.u32 v1, $0x1400  }
0x24: {  	v1 =	vnsel vm12, $0x1478, v1  }
0x25: {  	[tilespmem:$0xA810] =	vst v1  }
0x26: {  	v1 =	vld [tilespmem:s31+$0x0];
	_ =	sdelay $0x4  }
0x27: {  	v1 =	vsub.s32 v1, v0  }
0x28: {  	vm13 =	vlt.u32 v1, $0x1400  }
0x29: {  	v1 =	vnsel vm13, $0x1478, v1  }
0x2a: {  	[tilespmem:$0xA820] =	vst v1  }
0x2b: {  	v1 =	vld [tilespmem:s31+$0x10];
	_ =	sdelay $0x4  }
0x2c: {  	v1 =	vsub.s32 v1, v0  }
0x2d: {  	vm14 =	vlt.u32 v1, $0x1400  }
0x2e: {  	v1 =	vnsel vm14, $0x1478, v1  }
0x2f: {  	[tilespmem:$0xA830] =	vst v1  }
0x30: {  	v1 =	vld [tilespmem:s31+$0x20];
	_ =	sdelay $0x4  }
0x31: {  	v1 =	vsub.s32 v1, v0  }
0x32: {  	vm15 =	vlt.u32 v1, $0x1400  }
0x33: {  	v1 =	vnsel vm15, $0x1478, v1  }
0x34: {  	[tilespmem:$0xA840] =	vst v1  }
0x35: {  	[spmem:s2] =	stream.indirect.scatter.add.f32 [tilespmem:s12], [sflag:$0x2], $0x80, s15, s14, $0xb8;
	[tilespmem:$0x14C80] =	vst v63  }
0x36: {  	s18 =	simm.s32 $0x500;
	_ =	swait.ge [sflag:s9], $0x2800  }
0x37: {  	s20 =	simm.s32 $0xA00;
	s17 =	simm.s32 $0xA0;
	[sflag:s9] =	ssyncset.done $0x0  }
.LBB2_2:
0x38: {  	s21 =	sadd.s32 s18, s8  }
0x39: {  	[sflag:s9] =	ssyncadd.s32 $0xFFFFD800;
	s18 =	smov.u32 s20;
	s19 =	sadd.s32 $0x500, s20  }
0x3a: {  	[tilespmem:s12], [sflag:$0x1] =	stream.linear.gather [hbm4b:s21+s3], $0x2800, $0x38;
	[tilespmem:$0x14C80] =	vst v63  }
0x3b: {  	p0 =	sne.s32 s20, $0x4DD00;
	_ =	swait.ge [sflag:s13], $0x2800  }
0x3c: {  	[sflag:s13] =	ssyncset.done $0x0  }
0x3d: {  	[sflag:s13] =	ssyncadd.s32 $0xFFFFD800  }
0x3e: {  	v1 =	vld [tilespmem:s17+$0xFFFFFFE0];
	_ =	sdelay $0x4  }
0x3f: {  	v1 =	vsub.s32 v1, v0  }
0x40: {  	vm0 =	vlt.u32 v1, $0x1400  }
0x41: {  	v1 =	vnsel vm0, $0x1478, v1  }
0x42: {  	[tilespmem:$0xA800] =	vst v1  }
0x43: {  	v1 =	vld [tilespmem:s17+$0xFFFFFFF0];
	_ =	sdelay $0x4  }
0x44: {  	v1 =	vsub.s32 v1, v0  }
0x45: {  	vm0 =	vlt.u32 v1, $0x1400  }
0x46: {  	v1 =	vnsel vm0, $0x1478, v1  }
0x47: {  	[tilespmem:$0xA810] =	vst v1  }
0x48: {  	v1 =	vld [tilespmem:s17+$0x0];
	_ =	sdelay $0x4  }
0x49: {  	v1 =	vsub.s32 v1, v0  }
0x4a: {  	vm0 =	vlt.u32 v1, $0x1400  }
0x4b: {  	v1 =	vnsel vm0, $0x1478, v1  }
0x4c: {  	[tilespmem:$0xA820] =	vst v1  }
0x4d: {  	v1 =	vld [tilespmem:s17+$0x10];
	_ =	sdelay $0x4  }
0x4e: {  	v1 =	vsub.s32 v1, v0  }
0x4f: {  	vm0 =	vlt.u32 v1, $0x1400  }
0x50: {  	v1 =	vnsel vm0, $0x1478, v1  }
0x51: {  	[tilespmem:$0xA830] =	vst v1  }
0x52: {  	v1 =	vld [tilespmem:s17+$0x20];
	_ =	sdelay $0x4  }
0x53: {  	v1 =	vsub.s32 v1, v0  }
0x54: {  	vm0 =	vlt.u32 v1, $0x1400  }
.Ltmp0:
0x55: {  	v1 =	vnsel vm0, $0x1478, v1;
	(pc) =	sbr.rel @p0 .LBB2_2-.Ltmp0, $4  }
0x56: {  	[tilespmem:$0xA840] =	vst v1  }
0x57: {  	[spmem:s2] =	stream.indirect.scatter.add.f32 [tilespmem:s12], [sflag:$0x2], $0x80, s15, s14, $0xb8;
	[tilespmem:$0x14C80] =	vst v63  }
0x58: {  	_ =	swait.ge [sflag:s9], $0x2800  }
0x59: {  	s20 =	smov.u32 s19;
	s17 =	sadd.s32 $0x80, s17;
	[sflag:s9] =	ssyncset.done $0x0  }
0x5a: {  	s18 =	sadd.s32 s18, s8;
	[sflag:s9] =	ssyncadd.s32 $0xFFFFD800  }
0x5b: {  	[tilespmem:s12], [sflag:$0x1] =	stream.linear.gather [hbm4b:s18+s3], $0x2800, $0x38;
	[tilespmem:$0x14C80] =	vst v63  }
0x5c: {  	_ =	swait.ge [sflag:s13], $0x2800  }
0x5d: {  	[sflag:s13] =	ssyncset.done $0x0  }
0x5e: {  	[sflag:s13] =	ssyncadd.s32 $0xFFFFD800  }
0x5f: {  	v1 =	vld [tilespmem:s17+$0xFFFFFFE0];
	_ =	sdelay $0x4  }
0x60: {  	v1 =	vsub.s32 v1, v0  }
0x61: {  	vm0 =	vlt.u32 v1, $0x1400  }
0x62: {  	v1 =	vnsel vm0, $0x1478, v1  }
0x63: {  	[tilespmem:$0xA800] =	vst v1  }
0x64: {  	v1 =	vld [tilespmem:s17+$0xFFFFFFF0];
	_ =	sdelay $0x4  }
0x65: {  	v1 =	vsub.s32 v1, v0  }
0x66: {  	vm12 =	vlt.u32 v1, $0x1400  }
0x67: {  	v1 =	vnsel vm12, $0x1478, v1  }
0x68: {  	[tilespmem:$0xA810] =	vst v1  }
0x69: {  	v1 =	vld [tilespmem:s17+$0x0];
	_ =	sdelay $0x4  }
0x6a: {  	v1 =	vsub.s32 v1, v0  }
0x6b: {  	vm13 =	vlt.u32 v1, $0x1400  }
0x6c: {  	v1 =	vnsel vm13, $0x1478, v1  }
0x6d: {  	[tilespmem:$0xA820] =	vst v1  }
0x6e: {  	v1 =	vld [tilespmem:s17+$0x10];
	_ =	sdelay $0x4  }
0x6f: {  	v1 =	vsub.s32 v1, v0  }
0x70: {  	vm14 =	vlt.u32 v1, $0x1400  }
0x71: {  	v1 =	vnsel vm14, $0x1478, v1  }
0x72: {  	[tilespmem:$0xA830] =	vst v1  }
0x73: {  	v1 =	vld [tilespmem:s17+$0x20];
	_ =	sdelay $0x4  }
0x74: {  	v1 =	vsub.s32 v1, v0  }
0x75: {  	vm15 =	vlt.u32 v1, $0x1400  }
0x76: {  	v1 =	vnsel vm15, $0x1478, v1  }
0x77: {  	[tilespmem:$0xA840] =	vst v1  }
0x78: {  	[spmem:s2] =	stream.indirect.scatter.add.f32 [tilespmem:s12], [sflag:$0x2], $0x80, s15, s14, $0xb8;
	[tilespmem:$0x14C80] =	vst v63  }
0x79: {  	_ =	swait.ge [sflag:s9], $0x2800  }
0x7a: {  	s16 =	sadd.s32 $0x1, s16;
	[sflag:s9] =	ssyncset.done $0x0  }
0x7b: {  	p0 =	sne.s32 s16, s7;
	[sflag:s9] =	ssyncadd.s32 $0xFFFFD800  }
.Ltmp1:
0x7c: {  	[bflag:$0x0] =	sbarrier.arrive $0xFFFF;
	(pc) =	sbr.rel @p0 .LBB2_1-.Ltmp1, $4  }
0x7d: {  	[hbm:s6], [sflag:s10] =	dma.local [spmem:s11], $0x1480  }
0x7e: {  	_ =	swait.ge [sflag:s9], $0x1480  }
0x7f: {  	[sflag:s9] =	ssyncset.done $0x0  }
0x80: {  	[sflag:s9] =	ssyncadd.s32 $0xFFFFEB80  }
0x81: {  	_ =	sfence.sel $0x180000  }
0x82: {  	[bflag:$0x0] =	sbarrier.arrive $0xFFFF  }
0x83: {  	p0 =	sne.s32 s0, $0x0;
	_ =	strace $0x9000004A  }
0x84: {  	s0 =	sadd.s32 @!p0 $0x100000, s1;
	[bflag:$0x2] =	sbarrier.arrive $0xFFFF  }
0x85: {  	[sflag:s0] =	ssyncadd.tile.s32 @!p0 $0x1;
	_ =	shalt  }
.Lfunc_end2:
_tile_overlayer_lowered:
.L_overlay_start_2:
0x86: {  	(tag) =	ssettag $0x2  }
0x87: {  	s0 =	rddreg [dreg:$0x0];
	s2 =	stileid.u32  }
0x88: {  	s1 =	rddreg [dreg:$0x1];
	p0 =	sne.s32 s2, $0x0  }
0x89: {  	s3 =	rddreg [dreg:$0x2];
	[bflag:$0x3] =	sbarrier.arrive $0xFFFF;
	s2 =	simm.s32 @!p0 $0x1C02  }
0x8a: {  	[timem:s3], [sflag:s2] =	dma.local @!p0 [hbm:s0], s1  }
0x8b: {  	s0 =	simm.s32 @!p0 $0x2  }
0x8c: {  	_ =	swait.ge @!p0 [sflag:s0], s1  }
0x8d: {  	s1 =	ssub.s32 @!p0 $0x0, s1;
	[sflag:s0] =	ssyncset.done @!p0 $0x0  }
0x8e: {  	[sflag:s0] =	ssyncadd.s32 @!p0 s1  }
0x8f: {  	[bflag:$0x3] =	sbarrier.arrive $0xFFFF  }
0x90: {  	_ =	shalt  }

// kernel: kernel.16.cloned.1.call-start
scs
__scs_entry_jumppad:
0x0: {  	(pc) =	sbr.rel $0x88, $3  }
0x1: {  	(tag) =	ssettag $0x0;
	lr =	simm.s32 $0x1  }
0x2: {  	[smem:$0x3F85] =	sst lr;
	_ =	strace $0xD0000000  }
0x3: {  	_ = 	snop  }
0x4: {  	_ = 	snop  }
0x5: {  	_ = 	snop  }
0x6: {  	_ = 	snop  }
0x7: {  	_ = 	snop  }
__scs_overlays_trampoline_lowered:
0x8: {  	[smem:$0x3F94] =	sst s0  }
0x9: {  	[smem:$0x3F95] =	sst s1  }
0xa: {  	[smem:$0x3F96] =	sst s2  }
0xb: {  	[smem:$0x3F97] =	sst s3  }
0xc: {  	[smem:$0x3F98] =	sst s4  }
0xd: {  	[smem:$0x3F99] =	sst s5  }
0xe: {  	[smem:$0x3F9A] =	sst s6  }
0xf: {  	[smem:$0x3F9B] =	sst s7  }
0x10: {  	[smem:$0x3F9C] =	sst s8  }
0x11: {  	[smem:$0x3F9D] =	sst s9;
	s0 =	simm.s32 @!p0 $0x0  }
0x12: {  	s1 =	sld [smem:$0x3F83];
	s0 =	simm.s32 @p0 $0x1  }
0x13: {  	[smem:$0x3F9E] =	sst s0;
	s0 =	simm.s32 @!p1 $0x0  }
0x14: {  	s2 =	sld [smem:$0x3F82];
	s0 =	simm.s32 @p1 $0x1  }
0x15: {  	[smem:$0x3F9F] =	sst s0;
	s0 =	simm.s32 @!p2 $0x0  }
0x16: {  	s3 =	sld [smem:$0x3FDB];
	s0 =	simm.s32 @p2 $0x1  }
0x17: {  	s4 =	simm.s32 $0x1BF5;
	[smem:$0x3FA1] =	sst s0  }
0x18: {  	s0 =	sld [smem:$0x3F84];
	_ =	swait.ge [sflag:s4], $0x0  }
0x19: {  	s7 =	sld [smem:$0x3F85]  }
0x1a: {  	s8 =	sadd.s32 $0xFFFFE003, lr  }
0x1b: {  	s9 =	sadd.s32 $0xFFFFFEF7, lr;
	s5 =	simm.s32 $0xFFFFFFFF;
	p2 =	slt.u32 s8, $0xFFFFF086  }
0x1c: {  	p1 =	slt.u32 s9, $0xF7A;
	s5 =	simm.s32 @!p2 $0x0  }
0x1d: {  	s5 =	simm.s32 @p1 $0x1;
	p0 =	seq.s32 s7, s2  }
0x1e: {  	s7 =	smul.u32 @!p0 $0xF7A, s2;
	p2 =	seq.s32 @!p0 s5, $0x0  }
0x1f: {  	s9 =	smul.u32 $0xF7A, s1;
	s8 =	simm.s32 @!p0 $0x1BF5;
	p2 =	por !p2, p0  }
0x20: {  	[sflag:s8] =	ssyncset.s32 @!p0 $0xFFFFF086;
	s6 =	sadd.s32 @!p0 s3, s7;
	s7 =	simm.s32 @!p0 $0x108  }
0x21: {  	s3 =	sadd.s32 s3, s9;
	s6 =	sadd.s32 @!p0 $0x88, s6;
	s7 =	simm.s32 @p2 $0x1082  }
0x22: {  	[simem:s7], [sflag:s8] =	dma.local @!p0 [hbm:s6], $0xF7A  }
0x23: {  	s9 =	sor.u32 $0xD0000000, s2;
	s6 =	simm.s32 $0x108;
	_ =	swait.ge @!p0 [sflag:s8], $0x0  }
0x24: {  	s3 =	sadd.s32 $0x88, s3;
	s6 =	simm.s32 @!p1 $0x1082;
	[sflag:s4] =	ssyncset.s32 $0xFFFFF086  }
0x25: {  	[simem:s6], [sflag:s4] =	dma.local [hbm:s3], $0xF7A  }
0x26: {  	[smem:$0x3F85] =	sst s1;
	(tag) =	ssettag s2;
	_ =	strace s9  }
0x27: {  	s1 =	sld [smem:$0x3F95]  }
0x28: {  	s2 =	sld [smem:$0x3F96]  }
0x29: {  	s4 =	sld [smem:$0x3F98]  }
0x2a: {  	p0 =	seq.s32 s5, $0x0;
	s5 =	sld [smem:$0x3F99]  }
0x2b: {  	s6 =	sld [smem:$0x3F9A]  }
0x2c: {  	s7 =	sld [smem:$0x3F9B]  }
0x2d: {  	s3 =	simm.s32 $0x108;
	s8 =	sld [smem:$0x3F9C]  }
0x2e: {  	s3 =	simm.s32 @!p0 $0x1082;
	s9 =	sld [smem:$0x3F9D]  }
0x2f: {  	lr =	sadd.s32 s0, s3;
	s0 =	sld [smem:$0x3F94]  }
0x30: {  	s3 =	sld [smem:$0x3F97]  }
0x31: {  	[smem:$0x3FA0] =	sst s10  }
0x32: {  	s10 =	sld [smem:$0x3F9E];
	_ =	sdelay $0x3  }
0x33: {  	p0 =	seq.s32 s10, $0x1;
	s10 =	sld [smem:$0x3FA0];
	_ =	sdelay $0x3  }
0x34: {  	[smem:$0x3FA0] =	sst s10  }
0x35: {  	s10 =	sld [smem:$0x3F9F];
	_ =	sdelay $0x3  }
0x36: {  	p1 =	seq.s32 s10, $0x1;
	s10 =	sld [smem:$0x3FA0];
	_ =	sdelay $0x3  }
0x37: {  	[smem:$0x3FA0] =	sst s10  }
0x38: {  	s10 =	sld [smem:$0x3FA1]  }
0x39: {  	_ = 	snop;
	(pc) =	sbr.ind lr, $3  }
0x3a: {  	_ = 	snop  }
0x3b: {  	_ = 	snop  }
0x3c: {  	p2 =	seq.s32 s10, $0x1;
	s10 =	sld [smem:$0x3FA0]  }
0x3d: {  	_ =	shalt  }
0x3e: {  	_ =	shalt  }
0x3f: {  	_ =	shalt  }
0x40: {  	_ =	shalt  }
0x41: {  	_ =	shalt  }
0x42: {  	_ =	shalt  }
0x43: {  	_ =	shalt  }
0x44: {  	_ =	shalt  }
0x45: {  	_ =	shalt  }
0x46: {  	_ =	shalt  }
0x47: {  	_ =	shalt  }
0x48: {  	_ =	shalt  }
0x49: {  	_ =	shalt  }
0x4a: {  	_ =	shalt  }
0x4b: {  	_ =	shalt  }
0x4c: {  	_ =	shalt  }
0x4d: {  	_ =	shalt  }
0x4e: {  	_ =	shalt  }
0x4f: {  	_ =	shalt  }
0x50: {  	_ =	shalt  }
0x51: {  	_ =	shalt  }
0x52: {  	_ =	shalt  }
0x53: {  	_ =	shalt  }
0x54: {  	_ =	shalt  }
0x55: {  	_ =	shalt  }
0x56: {  	_ =	shalt  }
0x57: {  	_ =	shalt  }
0x58: {  	_ =	shalt  }
0x59: {  	_ =	shalt  }
0x5a: {  	_ =	shalt  }
0x5b: {  	_ =	shalt  }
0x5c: {  	_ =	shalt  }
0x5d: {  	_ =	shalt  }
0x5e: {  	_ =	shalt  }
0x5f: {  	_ =	shalt  }
0x60: {  	_ =	shalt  }
0x61: {  	_ =	shalt  }
0x62: {  	_ =	shalt  }
0x63: {  	_ =	shalt  }
0x64: {  	_ =	shalt  }
0x65: {  	_ =	shalt  }
0x66: {  	_ =	shalt  }
0x67: {  	_ =	shalt  }
0x68: {  	_ =	shalt  }
0x69: {  	_ =	shalt  }
0x6a: {  	_ =	shalt  }
0x6b: {  	_ =	shalt  }
0x6c: {  	_ =	shalt  }
0x6d: {  	_ =	shalt  }
0x6e: {  	_ =	shalt  }
0x6f: {  	_ =	shalt  }
0x70: {  	_ =	shalt  }
0x71: {  	_ =	shalt  }
0x72: {  	_ =	shalt  }
0x73: {  	_ =	shalt  }
0x74: {  	_ =	shalt  }
0x75: {  	_ =	shalt  }
0x76: {  	_ =	shalt  }
0x77: {  	_ =	shalt  }
0x78: {  	_ =	shalt  }
0x79: {  	_ =	shalt  }
0x7a: {  	_ =	shalt  }
0x7b: {  	_ =	shalt  }
0x7c: {  	_ =	shalt  }
0x7d: {  	_ =	shalt  }
0x7e: {  	_ =	shalt  }
0x7f: {  	_ =	shalt  }
0x80: {  	_ =	shalt  }
0x81: {  	_ =	shalt  }
0x82: {  	_ =	shalt  }
0x83: {  	_ =	shalt  }
0x84: {  	_ =	shalt  }
0x85: {  	_ =	shalt  }
0x86: {  	_ =	shalt  }
0x87: {  	_ =	shalt  }
.Lfunc_end0:
.L_simem_size_0:
called_computation.2_lowered:
.L_overlay_start_0:
0x88: {  	s2 =	sld [smem:$0x3FD9]  }
0x89: {  	s3 =	sld [smem:$0x3FFE];
	_ =	sdelay $0x1  }
0x8a: {  	s1 =	srdreg.scid  }
0x8b: {  	s0 =	sand.u32 $0x1, s1  }
0x8c: {  	s17 =	sshll.u32 s0, $0xA;
	s2 =	sadd.s32 s3, s2  }
0x8d: {  	s2 =	sadd.s32 s2, s17  }
0x8e: {  	[smem:$0x3FAC] =	sst s2  }
0x8f: {  	_ = 	snop  }
0x90: {  	s2 =	sld [smem:$0x3FD0];
	(tm) =	ssettm $0x1  }
0x91: {  	s18 =	sld [smem:$0x3FFB];
	_ =	sdelay $0x3  }
0x92: {  	_ =	strace s18  }
0x93: {  	s3 =	sld [smem:$0x3FFC];
	_ =	sdelay $0x3  }
0x94: {  	_ =	strace s3  }
0x95: {  	s3 =	sld [smem:$0x3FFD];
	_ =	sdelay $0x3  }
0x96: {  	_ =	strace s3  }
0x97: {  	_ =	strace $0x8FFFFFFF  }
0x98: {  	s19 =	sld [smem:$0x3FDB];
	_ =	sdelay $0x1  }
0x99: {  	s4 =	simm.s32 $_scs_section_size  }
0x9a: {  	s5 =	simm.s32 $_size__tile_overlayer_lowered;
	s6 =	simm.s32 $_tile_overlayer_lowered  }
0x9b: {  	s22 =	simm.s32 $0x1BFF;
	s21 =	sshll.u32 s6, $0x1;
	s3 =	sadd.s32 s4, s19  }
0x9c: {  	s7 =	simm.s32 $0x0;
	s20 =	sshll.u32 s5, $0x1;
	s5 =	sadd.s32 s21, s3  }
0x9d: {  	[timem:s7], [sflag:s22] =	dma.local [hbm:s5], s20  }
0x9e: {  	_ =	swait.ge [sflag:s22], s20  }
0x9f: {  	s4 =	ssub.s32 $0x0, s20;
	[sflag:s22] =	ssyncset.done $0x0  }
0xa0: {  	[sflag:s22] =	ssyncadd.s32 s4;
	_ =	sdelay $0x1  }
0xa1: {  	s23 =	simm.s32 $0x1B8B  }
0xa2: {  	_ =	swait.ge [sflag:s23], $0x1  }
0xa3: {  	[sflag:s23] =	ssyncset.done $0x0  }
0xa4: {  	s25 =	simm.s32 $0x1B8E;
	s24 =	sld [smem:$0x3FFE];
	[sflag:s23] =	ssyncadd.s32 $0xFFFFFFFF  }
0xa5: {  	s26 =	simm.s32 $execute0_lowered;
	[smem:$0x3FD2] =	sst s25  }
0xa6: {  	s5 =	sshll.u32 s26, $0x1;
	_ =	strace $0x8000004C;
	[dreg:$0x1] =	wrdreg $0xFFFFFFFF  }
0xa7: {  	s28 =	simm.s32 $_size_execute0_lowered;
	s3 =	sadd.s32 s3, s5;
	[dreg:$0x0] =	wrdreg $0x0  }
0xa8: {  	s5 =	sshll.u32 s28, $0x1;
	[dreg:$0x2] =	wrdreg s3  }
0xa9: {  	[dreg:$0x3] =	wrdreg s5  }
0xaa: {  	[dreg:$0x4] =	wrdreg $0xC0  }
0xab: {  	_ =	task [dreg:s7], $0x5FFFF  }
0xac: {  	[dreg:$0x1] =	wrdreg $0xFFFFFFFF  }
0xad: {  	[dreg:$0x0] =	wrdreg $0x60  }
0xae: {  	[dreg:$0x2] =	wrdreg s24  }
0xaf: {  	[dreg:$0x3] =	wrdreg s2  }
0xb0: {  	[dreg:$0x4] =	wrdreg $0x9  }
0xb1: {  	_ =	task.clear_ibuf [dreg:s7], $0x5FFFF;
	_ =	strace $0x9000004C  }
0xb2: {  	s29 =	simm.s32 $0x9;
	_ =	strace $0x8000004E  }
0xb3: {  	_ =	swait.ge [sflag:s29], $0x1  }
0xb4: {  	[sflag:s29] =	ssyncadd.s32 $0xFFFFFFFF  }
0xb5: {  	_ =	strace $0x9000004E  }
0xb6: {  	_ =	sfence  }
0xb7: {  	s30 =	sld [smem:$0x0];
	_ =	sdelay $0x2  }
0xb8: {  	s31 =	sshll.u32 s1, $0xD;
	s1 =	sshrl.u32 s1, $0x2  }
0xb9: {  	s3 =	sand.u32 $0x4000, s31;
	s1 =	sadd.s32 s1, s30  }
0xba: {  	s0 =	sor.u32 s3, s0;
	s1 =	sshll.u32 s1, $0x11  }
0xbb: {  	s0 =	sor.u32 s1, s0  }
0xbc: {  	s0 =	sadd.s32 $0x8F2B, s0  }
0xbd: {  	[sflag:s0] =	ssyncadd.remote.s32 $0x1  }
0xbe: {  	_ =	sfence.sel $0xFFFF  }
0xbf: {  	[dreg:$0x0] =	wrdreg $0xFFFFFFFF;
	(pc) =	sbr.abs _section_cstart, $3  }
0xc0: {  	[dreg:$0x1] =	wrdreg $0xFFFFFFFF  }
0xc1: {  	_ =	task.clear_ibuf [dreg:s7], $0x2FFFF;
	_ =	strace $0x9FFFFFFF  }
0xc2: {  	(tm) =	ssettm $0x7FFFFFFF  }
0xc3: {  	_ =	shalt  }
tec
execute0_lowered:
.L_overlay_start_1:
0x0: {  	(tag) =	ssettag $0x1  }
0x1: {  	v0 =	vimm.s32 $0xFEDCBA98  }
0x2: {  	v1 =	vimm.s32 $0x76543210;
	v0 =	vunpack.c.l.s4.s8 v0  }
0x3: {  	s0 =	rddreg [dreg:$0x0];
	s3 =	simm.s32 $0x0;
	s1 =	srdreg.scid;
	v2 =	vimm.s32 $0x32107654;
	v1 =	vunpack.c.l.s4.s8 v1  }
0x4: {  	s2 =	stileid.u32;
	v3 =	vimm.s32 $0xDCFE98BA;
	v4 =	vimm.s32 $0x54761032;
	s12 =	simm.s32 $0x3;
	s14 =	simm.s32 $0x12000;
	v0 =	vunpack.c.0.s8.s32 v0  }
0x5: {  	v5 =	vimm.s32 $0xEFCDAB89;
	v6 =	vimm.s32 $0x67452301;
	s15 =	simm.s32 $0x50;
	s16 =	simm.s32 $0x8000;
	s17 =	simm.s32 $0x1;
	v1 =	vunpack.c.0.s8.s32 v1  }
0x6: {  	s18 =	simm.s32 $0xA800;
	s19 =	simm.s32 $0x2;
	s20 =	simm.s32 $0xD000;
	v2 =	vunpack.c.l.s4.s8 v2;
	v3 =	vunpack.c.l.s4.s8 v3;
	v0 =	vand.u32 $0xF, v0  }
0x7: {  	s21 =	simm.s32 $0xF800;
	s22 =	simm.s32 $0x0;
	s23 =	simm.s32 $0x0;
	v4 =	vunpack.c.l.s4.s8 v4;
	v0 =	vcombine.low v0, v1;
	v1 =	vimm.s32 $0xBA98FEDC  }
0x8: {  	[smem:$0x7FF] =	sst s3;
	s1 =	sand.u32 $0x1, s1;
	s2 =	sshll.u32 s2, $0x1;
	v5 =	vunpack.c.l.s4.s8 v5;
	v6 =	vunpack.c.l.s4.s8 v6;
	v1 =	vunpack.c.l.s4.s8 v1  }
0x9: {  	s4 =	sadd.s32 $0x510A00, s0;
	s5 =	sadd.s32 $0x4E8000, s0;
	s6 =	sadd.s32 $0x6000, s0;
	v2 =	vunpack.c.0.s8.s32 v2;
	v3 =	vunpack.c.0.s8.s32 v3;
	v4 =	vunpack.c.0.s8.s32 v4  }
0xa: {  	_ =	strace $0x8000004D;
	s2 =	sor.u32 s1, s2;
	s31 =	ssub.s32 $0x2, s1;
	v5 =	vunpack.c.0.s8.s32 v5;
	v6 =	vunpack.c.0.s8.s32 v6;
	v1 =	vunpack.c.0.s8.s32 v1  }
0xb: {  	vm0 =	vcmask $0x300;
	s7 =	sshll.u32 s2, $0xB;
	s1 =	sshrl.u32 s31, $0x1;
	s10 =	smul.u32 $0x138800, s2;
	v3 =	vcombine.low v4, v3  }
0xc: {  	s9 =	sadd.s32 s7, s0;
	s7 =	sadd.s32 $0x587600, s0;
	s0 =	ssub.s32 s31, s1;
	v4 =	vcombine.low v6, v5;
	v1 =	vcombine.low v2, v1;
	v2 =	vimm.f32 $0.0e+00  }
0xd: {  	s8 =	sadd.s32 $0x577600, s9;
	s9 =	sadd.s32 $0x567600, s9;
	s11 =	smax.u32 s0, $0x1;
	v5 =	vsel vm0, $0x3F800000, v2  }
.LBB2_1:
0xe: {  	[tilespmem:s3], [sflag:$0x3] =	stream.linear.gather [hbm4b:s8+s3], $0x3E80, $0x38;
	[tilespmem:$0x12080] =	vst v63  }
0xf: {  	_ =	swait.ge [sflag:s12], $0x3E80  }
0x10: {  	[sflag:s12] =	ssyncset.done $0x0  }
0x11: {  	s0 =	simm.s32 $0x4000;
	[sflag:s12] =	ssyncadd.s32 $0xFFFFC180  }
0x12: {  	[tilespmem:s0], [sflag:$0x3] =	stream.linear.gather [hbm4b:s9+s3], $0x3E80, $0x38;
	[tilespmem:$0x12080] =	vst v63  }
0x13: {  	_ =	swait.ge [sflag:s12], $0x3E80  }
0x14: {  	[sflag:s12] =	ssyncset.done $0x0  }
0x15: {  	[sflag:s12] =	ssyncadd.s32 $0xFFFFC180  }
0x16: {  	s31 =	rddreg [dreg:$0x1]  }
0x17: {  	[tilespmem:s14], [sflag:$0x3] =	stream.linear.gather [hbm4b:s31+s3], $0x80, $0x38;
	[tilespmem:$0x12080] =	vst v63  }
0x18: {  	_ =	swait.ge [sflag:s12], $0x80  }
0x19: {  	[sflag:s12] =	ssyncset.done $0x0  }
0x1a: {  	[sflag:s12] =	ssyncadd.s32 $0xFFFFFF80  }
0x1b: {  	s1 =	simm.s32 $0x200;
	s0 =	simm.s32 $0x0;
	v6 =	vld [tilespmem:$0x12000]  }
.LBB2_2:
0x1c: {  	p0 =	sne.s32 s1, $0x9E00;
	[tilespmem:s0+$0xF870] =	vst v2;
	s2 =	smov.u32 s1;
	s1 =	sadd.s32 $0x200, s1  }
.Ltmp0:
0x1d: {  	[tilespmem:s0+$0xF860] =	vst v2;
	(pc) =	sbr.rel @p0 .LBB2_2-.Ltmp0, $4  }
0x1e: {  	[tilespmem:s0+$0xF850] =	vst v2  }
0x1f: {  	[tilespmem:s0+$0xF830] =	vst v2  }
0x20: {  	[tilespmem:s0+$0xF840] =	vst v2  }
0x21: {  	s0 =	sshra.s32 s2, $0x2  }
0x22: {  	[tilespmem:s0+$0xF870] =	vst v2  }
0x23: {  	[tilespmem:s0+$0xF860] =	vst v2  }
0x24: {  	[tilespmem:s0+$0xF850] =	vst v2  }
0x25: {  	[tilespmem:s0+$0xF830] =	vst v2  }
0x26: {  	[tilespmem:s0+$0xF840] =	vst v2;
	s24 =	simm.s32 $0x0  }
.LBB2_4:
0x27: {  	s0 =	sshll.u32 s24, $0x7  }
0x28: {  	s1 =	sadd.s32 $0x4000, s0  }
0x29: {  	[tilespmem:s16], [sflag:$0x1] =	stream.indirect.gather [hbm4b:s4+s15], $0x80, s1, s15, $0xb8;
	[tilespmem:$0x12080] =	vst v63  }
0x2a: {  	_ =	swait.ge [sflag:s17], $0x2800  }
0x2b: {  	[sflag:s17] =	ssyncset.done $0x0  }
0x2c: {  	s25 =	smul.u32 $0x2800, s24;
	[sflag:s17] =	ssyncadd.s32 $0xFFFFD800  }
0x2d: {  	[tilespmem:s18], [sflag:$0x2] =	stream.indirect.gather [hbm4b:s5+s15], $0x80, s0, s15, $0xb8;
	[tilespmem:$0x12080] =	vst v63  }
0x2e: {  	s26 =	sadd.s32 s10, s25;
	_ =	swait.ge [sflag:s19], $0x2800  }
0x2f: {  	s25 =	sshrl.u32 s26, $0x3;
	[sflag:s19] =	ssyncset.done $0x0  }
0x30: {  	s0 =	sadd.s32 s6, s25;
	[sflag:s19] =	ssyncadd.s32 $0xFFFFD800  }
0x31: {  	[tilespmem:s20], [sflag:$0x3] =	stream.linear.gather [hbm4b:s0+s23], $0x2800, $0x38;
	[tilespmem:$0x12080] =	vst v63  }
0x32: {  	_ =	swait.ge [sflag:s12], $0x2800  }
0x33: {  	[sflag:s12] =	ssyncset.done $0x0  }
0x34: {  	s30 =	simm.s32 $0x0;
	[sflag:s12] =	ssyncadd.s32 $0xFFFFD800  }
0x35: {  	v8 =	vld [tilespmem:s30+$0x8010]  }
0x36: {  	v10 =	vld [tilespmem:s30+$0xD000]  }
0x37: {  	v9 =	vld [tilespmem:s30+$0x8000]  }
0x38: {  	v11 =	vld [tilespmem:s30+$0xA800];
	_ =	sdelay $0x2  }
0x39: {  	s26 =	simm.s32 $0x80  }
0x3a: {  	v12 =	vld [tilespmem:s26+$0x8010]  }
0x3b: {  	v7 =	vld [tilespmem:s26+$0xD000];
	v8 =	vmul.f32 v10, v8;
	v9 =	vmul.f32 v11, v9  }
0x3c: {  	v13 =	vld [tilespmem:s26+$0xA800]  }
0x3d: {  	v11 =	vld [tilespmem:s26+$0x8000];
	v8 =	vadd.f32 v9, v8;
	_ =	sdelay $0x1  }
0x3e: {  	s28 =	simm.s32 $0x100;
	v9 =	vperm.xlane v8, v0  }
0x3f: {  	v14 =	vld [tilespmem:s28+$0x8010]  }
0x40: {  	v16 =	vld [tilespmem:s28+$0xA800];
	v8 =	vadd.f32 v8, v9  }
0x41: {  	v12 =	vmul.f32 v7, v12;
	v11 =	vmul.f32 v13, v11;
	v13 =	vld [tilespmem:s28+$0x8000]  }
0x42: {  	v9 =	vld [tilespmem:s28+$0xD000];
	v15 =	vperm.xlane v8, v1  }
0x43: {  	v11 =	vadd.f32 v11, v12  }
0x44: {  	v12 =	vadd.f32 v8, v15  }
0x45: {  	v8 =	vperm.xlane v11, v0  }
0x46: {  	s29 =	simm.s32 $0x180;
	v15 =	vperm.xlane v12, v3  }
0x47: {  	v17 =	vld [tilespmem:s29+$0x8010];
	v13 =	vmul.f32 v16, v13;
	v14 =	vmul.f32 v9, v14;
	v11 =	vadd.f32 v11, v8  }
0x48: {  	v18 =	vld [tilespmem:s29+$0xA800];
	v12 =	vadd.f32 v12, v15  }
0x49: {  	v8 =	vld [tilespmem:s29+$0xD000];
	v13 =	vadd.f32 v13, v14;
	v16 =	vperm.xlane v11, v1  }
0x4a: {  	v15 =	vld [tilespmem:s29+$0x8000];
	v14 =	vperm.xlane v12, v4  }
0x4b: {  	v16 =	vadd.f32 v11, v16;
	v11 =	vperm.xlane v13, v0  }
0x4c: {  	s31 =	simm.s32 $0x200;
	v12 =	vadd.f32 v12, v14  }
0x4d: {  	v20 =	vld [tilespmem:s31+$0x8010];
	v14 =	vperm.xlane v16, v3;
	v13 =	vadd.f32 v13, v11  }
0x4e: {  	v21 =	vld [tilespmem:s31+$0xA800];
	v17 =	vmul.f32 v8, v17;
	v12 =	vmul.f32 $2.500000000e-01, v12  }
0x4f: {  	v11 =	vld [tilespmem:s31+$0xD000];
	v15 =	vmul.f32 v18, v15;
	v14 =	vadd.f32 v16, v14;
	v18 =	vperm.xlane v13, v1  }
0x50: {  	v16 =	vld [tilespmem:s31+$0x8000];
	v12 =	vsub.f32 v12, v6  }
0x51: {  	v15 =	vadd.f32 v15, v17;
	v22 =	vperm.xlane v14, v4;
	v18 =	vadd.f32 v13, v18  }
0x52: {  	s0 =	simm.s32 $0x280;
	v19 =	vld [tilespmem:s30+$0xA810];
	v12 =	vmul.f32 $1.442695020e+00, v12  }
0x53: {  	v24 =	vld [tilespmem:s0+$0x8010];
	v23 =	vperm.xlane v15, v0;
	v14 =	vadd.f32 v14, v22;
	v22 =	vperm.xlane v18, v3  }
0x54: {  	v26 =	vld [tilespmem:s0+$0xA800];
	v20 =	vmul.f32 v11, v20;
	(erf) = vpow2.f32 v12  }
0x55: {  	v17 =	vld [tilespmem:s26+$0xA810];
	v15 =	vadd.f32 v15, v23;
	v16 =	vmul.f32 v21, v16;
	v21 =	vadd.f32 v18, v22  }
0x56: {  	v23 =	vld [tilespmem:s0+$0x8000];
	v14 =	vmul.f32 $2.500000000e-01, v14  }
0x57: {  	v13 =	vld [tilespmem:s28+$0xA810];
	v22 =	vperm.xlane v15, v1;
	v16 =	vadd.f32 v16, v20;
	v20 =	vperm.xlane v21, v4  }
0x58: {  	v12 =	vld [tilespmem:s0+$0xD000];
	v14 =	vsub.f32 v14, v6  }
0x59: {  	v18 =	vld [tilespmem:s29+$0xA810];
	v27 =	vadd.f32 v15, v22;
	v20 =	vadd.f32 v21, v20  }
0x5a: {  	v15 =	vld [tilespmem:s31+$0xA810];
	v25 =	vperm.xlane v16, v0;
	v22 =	vmul.f32 $1.442695020e+00, v14  }
0x5b: {  	s2 =	simm.s32 $0x300;
	v14 =	vld [tilespmem:s0+$0xA810];
	v29 =	vmul.f32 v26, v23;
	v21 =	vperm.xlane v27, v3  }
0x5c: {  	v23 =	vld [tilespmem:s2+$0x8000];
	v25 =	vadd.f32 v16, v25;
	(erf) = vpow2.f32 v22;
	v30 =	vmul.f32 $2.500000000e-01, v20  }
0x5d: {  	v28 =	vmul.f32 v12, v24;
	v22 =	vld [tilespmem:s2+$0x8010];
	v24 =	vadd.f32 v27, v21;
	v20 =	vpop (erf)  }
0x5e: {  	s1 =	simm.s32 $0xE00;
	v16 =	vld [tilespmem:s2+$0xD000];
	v27 =	vperm.xlane v25, v1;
	v26 =	vsub.f32 v30, v6;
	v21 =	vmul.f32 v5, v20  }
.LBB2_5:
0x5f: {  	v28 =	vadd.f32 v29, v28;
	v29 =	vperm.xlane v24, v4;
	v31 =	vmul.f32 v20, v19  }
0x60: {  	p0 =	sne.s32 s1, $0x9E00;
	v30 =	vld [tilespmem:s2+$0xA800];
	v19 =	vmovc v17;
	v17 =	vmovc v13;
	v13 =	vmov v18;
	v18 =	vmov v15;
	v15 =	vmov v14  }
0x61: {  	v20 =	vmul.f32 v20, v10;
	v10 =	vmovc v7;
	v14 =	vld [tilespmem:s2+$0xA810];
	v27 =	vadd.f32 v25, v27;
	v25 =	vmul.f32 $1.442695020e+00, v26;
	[tilespmem:s30+$0xF820] =	vst v21  }
.Ltmp1:
0x62: {  	v7 =	vmovc v9;
	v21 =	vperm.xlane v28, v0;
	v24 =	vadd.f32 v24, v29;
	[tilespmem:s30+$0xF800] =	vst v31;
	v26 =	vmov v22;
	(pc) =	sbr.rel @p0 .LBB2_5-.Ltmp1, $4  }
0x63: {  	s13 =	sshra.s32 s1, $0x2;
	v9 =	vmovc v8;
	v8 =	vmovc v11;
	v11 =	vmov v12;
	v31 =	vperm.xlane v27, v3;
	(erf) = vpow2.f32 v25;
	[tilespmem:s30+$0xF810] =	vst v20;
	s30 =	smov.u32 s26;
	s26 =	smov.u32 s28  }
0x64: {  	v12 =	vmov v16;
	s28 =	smov.u32 s29;
	s29 =	smov.u32 s31;
	s31 =	smov.u32 s0;
	v22 =	vld [tilespmem:s13+$0x8010];
	v25 =	vadd.f32 v28, v21;
	v21 =	vmul.f32 $2.500000000e-01, v24  }
0x65: {  	s0 =	smov.u32 s2;
	s2 =	smov.u32 s13;
	v28 =	vmul.f32 v12, v26;
	v16 =	vld [tilespmem:s13+$0xD000];
	v29 =	vmul.f32 v30, v23;
	v24 =	vadd.f32 v27, v31;
	v20 =	vpop (erf)  }
0x66: {  	s1 =	sadd.s32 $0x200, s1;
	v23 =	vld [tilespmem:s2+$0x8000];
	v27 =	vperm.xlane v25, v1;
	v26 =	vsub.f32 v21, v6;
	v21 =	vmul.f32 v5, v20  }
0x67: {  	v30 =	vld [tilespmem:s2+$0xA800];
	_ =	sdelay $0x1  }
0x68: {  	v28 =	vadd.f32 v29, v28;
	_ =	sdelay $0x1  }
0x69: {  	v29 =	vperm.xlane v28, v0  }
0x6a: {  	v25 =	vadd.f32 v25, v27;
	v22 =	vmul.f32 v16, v22;
	v23 =	vmul.f32 v30, v23  }
0x6b: {  	v40 =	vadd.f32 v28, v29  }
0x6c: {  	v42 =	vperm.xlane v25, v3;
	v22 =	vadd.f32 v23, v22  }
0x6d: {  	v28 =	vperm.xlane v40, v1  }
0x6e: {  	v43 =	vperm.xlane v24, v4;
	v25 =	vadd.f32 v25, v42;
	v41 =	vperm.xlane v22, v0  }
0x6f: {  	v23 =	vadd.f32 v40, v28  }
0x70: {  	v24 =	vadd.f32 v24, v43;
	v29 =	vperm.xlane v25, v4;
	v22 =	vadd.f32 v22, v41  }
0x71: {  	v45 =	vperm.xlane v23, v3  }
0x72: {  	v24 =	vmul.f32 $2.500000000e-01, v24;
	v25 =	vadd.f32 v25, v29;
	v44 =	vperm.xlane v22, v1  }
0x73: {  	v26 =	vmul.f32 $1.442695020e+00, v26;
	v23 =	vadd.f32 v23, v45  }
0x74: {  	v24 =	vsub.f32 v24, v6;
	v25 =	vmul.f32 $2.500000000e-01, v25;
	v22 =	vadd.f32 v22, v44  }
0x75: {  	(erf) = vpow2.f32 v26;
	v47 =	vperm.xlane v23, v4  }
0x76: {  	v24 =	vmul.f32 $1.442695020e+00, v24;
	v25 =	vsub.f32 v25, v6;
	v46 =	vperm.xlane v22, v3  }
0x77: {  	v23 =	vadd.f32 v23, v47  }
0x78: {  	(erf) = vpow2.f32 v24;
	v49 =	vmul.f32 $1.442695020e+00, v25;
	v22 =	vadd.f32 v22, v46  }
0x79: {  	v19 =	vmul.f32 v20, v19;
	v23 =	vmul.f32 $2.500000000e-01, v23  }
0x7a: {  	v52 =	vpop (erf);
	(erf) = vpow2.f32 v49;
	v48 =	vperm.xlane v22, v4  }
0x7b: {  	v50 =	vld [tilespmem:s2+$0xA810];
	v10 =	vmul.f32 v20, v10;
	[tilespmem:s30+$0xF820] =	vst v21;
	v51 =	vsub.f32 v23, v6  }
0x7c: {  	[tilespmem:s30+$0xF800] =	vst v19;
	v53 =	vmul.f32 v5, v52;
	v22 =	vadd.f32 v22, v48  }
0x7d: {  	[tilespmem:s30+$0xF810] =	vst v10;
	v54 =	vmul.f32 v52, v17;
	v20 =	vmul.f32 $1.442695020e+00, v51  }
0x7e: {  	v7 =	vmul.f32 v52, v7;
	[tilespmem:s26+$0xF820] =	vst v53;
	v56 =	vpop (erf);
	v22 =	vmul.f32 $2.500000000e-01, v22  }
0x7f: {  	[tilespmem:s26+$0xF800] =	vst v54;
	v57 =	vmul.f32 v5, v56;
	(erf) = vpow2.f32 v20  }
0x80: {  	[tilespmem:s26+$0xF810] =	vst v7;
	v7 =	vmul.f32 v56, v13;
	v55 =	vsub.f32 v22, v6  }
0x81: {  	v9 =	vmul.f32 v56, v9;
	[tilespmem:s28+$0xF820] =	vst v57;
	v58 =	vpop (erf)  }
0x82: {  	[tilespmem:s28+$0xF800] =	vst v7;
	v7 =	vmul.f32 v5, v58;
	v17 =	vmul.f32 $1.442695020e+00, v55  }
0x83: {  	[tilespmem:s28+$0xF810] =	vst v9;
	v59 =	vmul.f32 v58, v18;
	v60 =	vpop (erf)  }
0x84: {  	[tilespmem:s29+$0xF820] =	vst v7;
	v7 =	vmul.f32 v5, v60;
	(erf) = vpow2.f32 v17  }
0x85: {  	v8 =	vmul.f32 v58, v8  }
0x86: {  	[tilespmem:s29+$0xF800] =	vst v59  }
0x87: {  	[tilespmem:s29+$0xF810] =	vst v8;
	v8 =	vmul.f32 v60, v15  }
0x88: {  	[tilespmem:s31+$0xF820] =	vst v7;
	v7 =	vpop (erf)  }
0x89: {  	[tilespmem:s31+$0xF800] =	vst v8;
	v8 =	vmul.f32 v5, v7  }
0x8a: {  	v61 =	vmul.f32 v60, v11;
	_ =	sdelay $0x1  }
0x8b: {  	[tilespmem:s31+$0xF810] =	vst v61;
	v62 =	vmul.f32 v7, v14  }
0x8c: {  	v7 =	vmul.f32 v7, v12;
	[tilespmem:s0+$0xF820] =	vst v8;
	v8 =	vpop (erf)  }
0x8d: {  	[tilespmem:s0+$0xF800] =	vst v62;
	v63 =	vmul.f32 v5, v8  }
0x8e: {  	[tilespmem:s0+$0xF810] =	vst v7;
	v7 =	vmul.f32 v8, v50  }
0x8f: {  	s24 =	sadd.s32 $0x1, s24;
	v8 =	vmul.f32 v8, v16;
	[tilespmem:s2+$0xF820] =	vst v63  }
0x90: {  	p0 =	sne.s32 s24, $0x7D;
	[tilespmem:s2+$0xF800] =	vst v7  }
.Ltmp2:
0x91: {  	s31 =	sadd.s32 s7, s25;
	[tilespmem:s2+$0xF810] =	vst v8;
	(pc) =	sbr.rel @p0 .LBB2_4-.Ltmp2, $4  }
0x92: {  	[hbm4b:s31+s3] =	stream.linear.scatter [tilespmem:s21], [sflag:$0x3], $0x2800, $0x38;
	[tilespmem:$0x12080] =	vst v63  }
0x93: {  	_ =	swait.ge [sflag:s12], $0x2800  }
0x94: {  	[sflag:s12] =	ssyncset.done $0x0  }
0x95: {  	[sflag:s12] =	ssyncadd.s32 $0xFFFFD800  }
0x96: {  	s22 =	sadd.s32 $0x1, s22  }
0x97: {  	p0 =	sne.s32 s22, s11  }
.Ltmp3:
0x98: {  	_ = 	snop;
	(pc) =	sbr.rel @p0 .LBB2_1-.Ltmp3, $1  }
0x99: {  	_ =	sdelay $0x3  }
0x9a: {  	_ =	sfence.sel $0x180000  }
0x9b: {  	[bflag:$0x0] =	sbarrier.arrive $0xFFFF  }
0x9c: {  	_ =	strace $0x9000004D  }
0x9d: {  	s0 =	stileid.u32;
	[bflag:$0x2] =	sbarrier.arrive $0xFFFF  }
0x9e: {  	p0 =	sne.s32 s0, $0x0;
	s0 =	rddreg [dreg:$0x2]  }
0x9f: {  	s0 =	sadd.s32 @!p0 $0x100000, s0  }
0xa0: {  	[sflag:s0] =	ssyncadd.tile.s32 @!p0 $0x1;
	_ =	shalt  }
.Lfunc_end2:
_tile_overlayer_lowered:
.L_overlay_start_2:
0xa1: {  	(tag) =	ssettag $0x2  }
0xa2: {  	s0 =	rddreg [dreg:$0x0];
	s2 =	stileid.u32  }
0xa3: {  	s1 =	rddreg [dreg:$0x1];
	p0 =	sne.s32 s2, $0x0  }
0xa4: {  	s3 =	rddreg [dreg:$0x2];
	[bflag:$0x3] =	sbarrier.arrive $0xFFFF;
	s2 =	simm.s32 @!p0 $0x1C03  }
0xa5: {  	[timem:s3], [sflag:s2] =	dma.local @!p0 [hbm:s0], s1  }
0xa6: {  	s0 =	simm.s32 @!p0 $0x3  }
0xa7: {  	_ =	swait.ge @!p0 [sflag:s0], s1  }
0xa8: {  	s1 =	ssub.s32 @!p0 $0x0, s1;
	[sflag:s0] =	ssyncset.done @!p0 $0x0  }
0xa9: {  	[sflag:s0] =	ssyncadd.s32 @!p0 s1  }
0xaa: {  	[bflag:$0x3] =	sbarrier.arrive $0xFFFF  }
0xab: {  	_ =	shalt  }

// kernel: kernel.19.cloned.1.call-start
scs
__scs_entry_jumppad:
0x0: {  	(pc) =	sbr.rel $0x88, $3  }
0x1: {  	(tag) =	ssettag $0x0;
	lr =	simm.s32 $0x1  }
0x2: {  	[smem:$0x3F85] =	sst lr;
	_ =	strace $0xD0000000  }
0x3: {  	_ = 	snop  }
0x4: {  	_ = 	snop  }
0x5: {  	_ = 	snop  }
0x6: {  	_ = 	snop  }
0x7: {  	_ = 	snop  }
__scs_overlays_trampoline_lowered:
0x8: {  	[smem:$0x3F94] =	sst s0  }
0x9: {  	[smem:$0x3F95] =	sst s1  }
0xa: {  	[smem:$0x3F96] =	sst s2  }
0xb: {  	[smem:$0x3F97] =	sst s3  }
0xc: {  	[smem:$0x3F98] =	sst s4  }
0xd: {  	[smem:$0x3F99] =	sst s5  }
0xe: {  	[smem:$0x3F9A] =	sst s6  }
0xf: {  	[smem:$0x3F9B] =	sst s7  }
0x10: {  	[smem:$0x3F9C] =	sst s8  }
0x11: {  	[smem:$0x3F9D] =	sst s9;
	s0 =	simm.s32 @!p0 $0x0  }
0x12: {  	s1 =	sld [smem:$0x3F83];
	s0 =	simm.s32 @p0 $0x1  }
0x13: {  	[smem:$0x3F9E] =	sst s0;
	s0 =	simm.s32 @!p1 $0x0  }
0x14: {  	s2 =	sld [smem:$0x3F82];
	s0 =	simm.s32 @p1 $0x1  }
0x15: {  	[smem:$0x3F9F] =	sst s0;
	s0 =	simm.s32 @!p2 $0x0  }
0x16: {  	s3 =	sld [smem:$0x3FDB];
	s0 =	simm.s32 @p2 $0x1  }
0x17: {  	s4 =	simm.s32 $0x1BF5;
	[smem:$0x3FA1] =	sst s0  }
0x18: {  	s0 =	sld [smem:$0x3F84];
	_ =	swait.ge [sflag:s4], $0x0  }
0x19: {  	s7 =	sld [smem:$0x3F85]  }
0x1a: {  	s8 =	sadd.s32 $0xFFFFE003, lr  }
0x1b: {  	s9 =	sadd.s32 $0xFFFFFEF7, lr;
	s5 =	simm.s32 $0xFFFFFFFF;
	p2 =	slt.u32 s8, $0xFFFFF086  }
0x1c: {  	p1 =	slt.u32 s9, $0xF7A;
	s5 =	simm.s32 @!p2 $0x0  }
0x1d: {  	s5 =	simm.s32 @p1 $0x1;
	p0 =	seq.s32 s7, s2  }
0x1e: {  	s7 =	smul.u32 @!p0 $0xF7A, s2;
	p2 =	seq.s32 @!p0 s5, $0x0  }
0x1f: {  	s9 =	smul.u32 $0xF7A, s1;
	s8 =	simm.s32 @!p0 $0x1BF5;
	p2 =	por !p2, p0  }
0x20: {  	[sflag:s8] =	ssyncset.s32 @!p0 $0xFFFFF086;
	s6 =	sadd.s32 @!p0 s3, s7;
	s7 =	simm.s32 @!p0 $0x108  }
0x21: {  	s3 =	sadd.s32 s3, s9;
	s6 =	sadd.s32 @!p0 $0x88, s6;
	s7 =	simm.s32 @p2 $0x1082  }
0x22: {  	[simem:s7], [sflag:s8] =	dma.local @!p0 [hbm:s6], $0xF7A  }
0x23: {  	s9 =	sor.u32 $0xD0000000, s2;
	s6 =	simm.s32 $0x108;
	_ =	swait.ge @!p0 [sflag:s8], $0x0  }
0x24: {  	s3 =	sadd.s32 $0x88, s3;
	s6 =	simm.s32 @!p1 $0x1082;
	[sflag:s4] =	ssyncset.s32 $0xFFFFF086  }
0x25: {  	[simem:s6], [sflag:s4] =	dma.local [hbm:s3], $0xF7A  }
0x26: {  	[smem:$0x3F85] =	sst s1;
	(tag) =	ssettag s2;
	_ =	strace s9  }
0x27: {  	s1 =	sld [smem:$0x3F95]  }
0x28: {  	s2 =	sld [smem:$0x3F96]  }
0x29: {  	s4 =	sld [smem:$0x3F98]  }
0x2a: {  	p0 =	seq.s32 s5, $0x0;
	s5 =	sld [smem:$0x3F99]  }
0x2b: {  	s6 =	sld [smem:$0x3F9A]  }
0x2c: {  	s7 =	sld [smem:$0x3F9B]  }
0x2d: {  	s3 =	simm.s32 $0x108;
	s8 =	sld [smem:$0x3F9C]  }
0x2e: {  	s3 =	simm.s32 @!p0 $0x1082;
	s9 =	sld [smem:$0x3F9D]  }
0x2f: {  	lr =	sadd.s32 s0, s3;
	s0 =	sld [smem:$0x3F94]  }
0x30: {  	s3 =	sld [smem:$0x3F97]  }
0x31: {  	[smem:$0x3FA0] =	sst s10  }
0x32: {  	s10 =	sld [smem:$0x3F9E];
	_ =	sdelay $0x3  }
0x33: {  	p0 =	seq.s32 s10, $0x1;
	s10 =	sld [smem:$0x3FA0];
	_ =	sdelay $0x3  }
0x34: {  	[smem:$0x3FA0] =	sst s10  }
0x35: {  	s10 =	sld [smem:$0x3F9F];
	_ =	sdelay $0x3  }
0x36: {  	p1 =	seq.s32 s10, $0x1;
	s10 =	sld [smem:$0x3FA0];
	_ =	sdelay $0x3  }
0x37: {  	[smem:$0x3FA0] =	sst s10  }
0x38: {  	s10 =	sld [smem:$0x3FA1]  }
0x39: {  	_ = 	snop;
	(pc) =	sbr.ind lr, $3  }
0x3a: {  	_ = 	snop  }
0x3b: {  	_ = 	snop  }
0x3c: {  	p2 =	seq.s32 s10, $0x1;
	s10 =	sld [smem:$0x3FA0]  }
0x3d: {  	_ =	shalt  }
0x3e: {  	_ =	shalt  }
0x3f: {  	_ =	shalt  }
0x40: {  	_ =	shalt  }
0x41: {  	_ =	shalt  }
0x42: {  	_ =	shalt  }
0x43: {  	_ =	shalt  }
0x44: {  	_ =	shalt  }
0x45: {  	_ =	shalt  }
0x46: {  	_ =	shalt  }
0x47: {  	_ =	shalt  }
0x48: {  	_ =	shalt  }
0x49: {  	_ =	shalt  }
0x4a: {  	_ =	shalt  }
0x4b: {  	_ =	shalt  }
0x4c: {  	_ =	shalt  }
0x4d: {  	_ =	shalt  }
0x4e: {  	_ =	shalt  }
0x4f: {  	_ =	shalt  }
0x50: {  	_ =	shalt  }
0x51: {  	_ =	shalt  }
0x52: {  	_ =	shalt  }
0x53: {  	_ =	shalt  }
0x54: {  	_ =	shalt  }
0x55: {  	_ =	shalt  }
0x56: {  	_ =	shalt  }
0x57: {  	_ =	shalt  }
0x58: {  	_ =	shalt  }
0x59: {  	_ =	shalt  }
0x5a: {  	_ =	shalt  }
0x5b: {  	_ =	shalt  }
0x5c: {  	_ =	shalt  }
0x5d: {  	_ =	shalt  }
0x5e: {  	_ =	shalt  }
0x5f: {  	_ =	shalt  }
0x60: {  	_ =	shalt  }
0x61: {  	_ =	shalt  }
0x62: {  	_ =	shalt  }
0x63: {  	_ =	shalt  }
0x64: {  	_ =	shalt  }
0x65: {  	_ =	shalt  }
0x66: {  	_ =	shalt  }
0x67: {  	_ =	shalt  }
0x68: {  	_ =	shalt  }
0x69: {  	_ =	shalt  }
0x6a: {  	_ =	shalt  }
0x6b: {  	_ =	shalt  }
0x6c: {  	_ =	shalt  }
0x6d: {  	_ =	shalt  }
0x6e: {  	_ =	shalt  }
0x6f: {  	_ =	shalt  }
0x70: {  	_ =	shalt  }
0x71: {  	_ =	shalt  }
0x72: {  	_ =	shalt  }
0x73: {  	_ =	shalt  }
0x74: {  	_ =	shalt  }
0x75: {  	_ =	shalt  }
0x76: {  	_ =	shalt  }
0x77: {  	_ =	shalt  }
0x78: {  	_ =	shalt  }
0x79: {  	_ =	shalt  }
0x7a: {  	_ =	shalt  }
0x7b: {  	_ =	shalt  }
0x7c: {  	_ =	shalt  }
0x7d: {  	_ =	shalt  }
0x7e: {  	_ =	shalt  }
0x7f: {  	_ =	shalt  }
0x80: {  	_ =	shalt  }
0x81: {  	_ =	shalt  }
0x82: {  	_ =	shalt  }
0x83: {  	_ =	shalt  }
0x84: {  	_ =	shalt  }
0x85: {  	_ =	shalt  }
0x86: {  	_ =	shalt  }
0x87: {  	_ =	shalt  }
.Lfunc_end0:
.L_simem_size_0:
called_computation.3_lowered:
.L_overlay_start_0:
0x88: {  	s2 =	sld [smem:$0x3FD9]  }
0x89: {  	s3 =	sld [smem:$0x3FFE];
	_ =	sdelay $0x1  }
0x8a: {  	s1 =	srdreg.scid  }
0x8b: {  	s0 =	sand.u32 $0x1, s1  }
0x8c: {  	s16 =	sshll.u32 s0, $0xA;
	s2 =	sadd.s32 s3, s2  }
0x8d: {  	s2 =	sadd.s32 s2, s16  }
0x8e: {  	[smem:$0x3FAC] =	sst s2  }
0x8f: {  	_ = 	snop  }
0x90: {  	(tm) =	ssettm $0x1  }
0x91: {  	s17 =	sld [smem:$0x3FFB];
	_ =	sdelay $0x3  }
0x92: {  	_ =	strace s17  }
0x93: {  	s2 =	sld [smem:$0x3FFC];
	_ =	sdelay $0x3  }
0x94: {  	_ =	strace s2  }
0x95: {  	s2 =	sld [smem:$0x3FFD];
	_ =	sdelay $0x3  }
0x96: {  	_ =	strace s2  }
0x97: {  	_ =	strace $0x8FFFFFFF  }
0x98: {  	s18 =	sld [smem:$0x3FDB];
	_ =	sdelay $0x1  }
0x99: {  	s19 =	simm.s32 $_scs_section_size  }
0x9a: {  	s4 =	simm.s32 $_size__tile_overlayer_lowered;
	s5 =	simm.s32 $_tile_overlayer_lowered  }
0x9b: {  	s22 =	simm.s32 $0x1BFF;
	s21 =	sshll.u32 s5, $0x1;
	s2 =	sadd.s32 s19, s18  }
0x9c: {  	s6 =	simm.s32 $0x0;
	s20 =	sshll.u32 s4, $0x1;
	s4 =	sadd.s32 s21, s2  }
0x9d: {  	[timem:s6], [sflag:s22] =	dma.local [hbm:s4], s20  }
0x9e: {  	_ =	swait.ge [sflag:s22], s20  }
0x9f: {  	s3 =	ssub.s32 $0x0, s20;
	[sflag:s22] =	ssyncset.done $0x0  }
0xa0: {  	[sflag:s22] =	ssyncadd.s32 s3;
	_ =	sdelay $0x1  }
0xa1: {  	s23 =	simm.s32 $0x1B8B  }
0xa2: {  	_ =	swait.ge [sflag:s23], $0x1  }
0xa3: {  	[sflag:s23] =	ssyncset.done $0x0  }
0xa4: {  	s25 =	simm.s32 $0x1B8E;
	s24 =	sld [smem:$0x3FFE];
	[sflag:s23] =	ssyncadd.s32 $0xFFFFFFFF  }
0xa5: {  	s26 =	simm.s32 $execute0_lowered;
	[smem:$0x3FD2] =	sst s25  }
0xa6: {  	s4 =	sshll.u32 s26, $0x1;
	_ =	strace $0x8000004F;
	[dreg:$0x1] =	wrdreg $0xFFFFFFFF  }
0xa7: {  	s28 =	simm.s32 $_size_execute0_lowered;
	s2 =	sadd.s32 s2, s4;
	[dreg:$0x0] =	wrdreg $0x0  }
0xa8: {  	s4 =	sshll.u32 s28, $0x1;
	[dreg:$0x2] =	wrdreg s2  }
0xa9: {  	[dreg:$0x3] =	wrdreg s4  }
0xaa: {  	[dreg:$0x4] =	wrdreg $0xC0  }
0xab: {  	_ =	task [dreg:s6], $0x5FFFF  }
0xac: {  	[dreg:$0x1] =	wrdreg $0xFFFFFFFF  }
0xad: {  	[dreg:$0x0] =	wrdreg $0x60  }
0xae: {  	[dreg:$0x2] =	wrdreg s24  }
0xaf: {  	[dreg:$0x3] =	wrdreg $0xA8800  }
0xb0: {  	[dreg:$0x4] =	wrdreg $0x9  }
0xb1: {  	_ =	task.clear_ibuf [dreg:s6], $0x5FFFF;
	_ =	strace $0x9000004F  }
0xb2: {  	s29 =	simm.s32 $0x9;
	_ =	strace $0x80000051  }
0xb3: {  	_ =	swait.ge [sflag:s29], $0x1  }
0xb4: {  	[sflag:s29] =	ssyncadd.s32 $0xFFFFFFFF  }
0xb5: {  	_ =	strace $0x90000051  }
0xb6: {  	_ =	sfence  }
0xb7: {  	s30 =	sld [smem:$0x0];
	_ =	sdelay $0x2  }
0xb8: {  	s31 =	sshll.u32 s1, $0xD;
	s1 =	sshrl.u32 s1, $0x2  }
0xb9: {  	s3 =	sand.u32 $0x4000, s31;
	s1 =	sadd.s32 s1, s30  }
0xba: {  	s0 =	sor.u32 s3, s0;
	s1 =	sshll.u32 s1, $0x11  }
0xbb: {  	s0 =	sor.u32 s1, s0  }
0xbc: {  	s0 =	sadd.s32 $0x8F2B, s0  }
0xbd: {  	[sflag:s0] =	ssyncadd.remote.s32 $0x1  }
0xbe: {  	_ =	sfence.sel $0xFFFF  }
0xbf: {  	[dreg:$0x0] =	wrdreg $0xFFFFFFFF;
	(pc) =	sbr.abs _section_cstart, $3  }
0xc0: {  	[dreg:$0x1] =	wrdreg $0xFFFFFFFF  }
0xc1: {  	_ =	task.clear_ibuf [dreg:s6], $0x2FFFF;
	_ =	strace $0x9FFFFFFF  }
0xc2: {  	(tm) =	ssettm $0x7FFFFFFF  }
0xc3: {  	_ =	shalt  }
tec
execute0_lowered:
.L_overlay_start_1:
0x0: {  	(tag) =	ssettag $0x1  }
0x1: {  	s5 =	rddreg [dreg:$0x0]  }
0x2: {  	s0 =	stileid.u32;
	s1 =	srdreg.scid  }
0x3: {  	s2 =	rddreg [dreg:$0x1];
	s3 =	simm.s32 $0x0;
	s13 =	simm.s32 $0x1  }
0x4: {  	s15 =	simm.s32 $0xA800;
	s16 =	simm.s32 $0x0;
	s4 =	smul.u32 $0x4E200, s0  }
0x5: {  	s6 =	sand.u32 $0x1, s1;
	s1 =	rddreg [dreg:$0x2];
	s9 =	smul.u32 $0xA400, s0  }
0x6: {  	[smem:$0x7FF] =	sst s3;
	s8 =	sshll.u32 s0, $0xC;
	s11 =	smul.u32 $0x29000, s0  }
0x7: {  	s31 =	sshll.u32 s0, $0x6;
	s7 =	smul.u32 $0xA4000, s6;
	_ =	strace $0x80000050  }
0x8: {  	s8 =	sadd.s32 s8, s5;
	s30 =	ssub.s32 $0x2, s6;
	s14 =	smul.u32 $0x1400, s6  }
0x9: {  	s10 =	sadd.s32 s4, s5;
	s4 =	sadd.s32 $0x50F400, s5;
	s12 =	sshrl.u32 s30, $0x1  }
0xa: {  	s11 =	sshrl.u32 s11, $0x2;
	s7 =	sadd.s32 s9, s7;
	s9 =	ssub.s32 s30, s12  }
0xb: {  	s11 =	sadd.s32 s11, s2;
	s12 =	simm.s32 $0x8000;
	s7 =	sshrl.u32 s7, $0x3  }
0xc: {  	v0 =	vmov s14;
	s14 =	simm.s32 $0x50;
	s7 =	sadd.s32 s7, s5;
	s5 =	sadd.s32 $0xA69600, s8  }
0xd: {  	s11 =	sshrl.u32 s11, $0x3;
	s8 =	sadd.s32 $0x587600, s10;
	s10 =	sor.u32 $0x1C02, s31  }
0xe: {  	s6 =	sadd.s32 $0x6000, s7;
	s7 =	smax.u32 s9, $0x1;
	s9 =	simm.s32 $0x2  }
.LBB2_1:
0xf: {  	[tilespmem:s3], [sflag:$0x2] =	stream.linear.gather [hbm4b:s5+s3], $0x7D00, $0x38;
	[tilespmem:$0x14C80] =	vst v63  }
0x10: {  	_ =	swait.ge [sflag:s9], $0x7D00  }
0x11: {  	[sflag:s9] =	ssyncset.done $0x0  }
0x12: {  	[sflag:s9] =	ssyncadd.s32 $0xFFFF8300  }
0x13: {  	[spmem:s11], [sflag:s10] =	dma.local [hbm:s4], $0x1480  }
0x14: {  	_ =	swait.ge [sflag:s9], $0x1480  }
0x15: {  	[sflag:s9] =	ssyncset.done $0x0  }
0x16: {  	[sflag:s9] =	ssyncadd.s32 $0xFFFFEB80  }
0x17: {  	s17 =	sadd.s32 $0x0, s8;
	[bflag:$0x0] =	sbarrier.arrive $0xFFFF  }
0x18: {  	[tilespmem:s12], [sflag:$0x1] =	stream.linear.gather [hbm4b:s17+s3], $0x2800, $0x38;
	[tilespmem:$0x14C80] =	vst v63  }
0x19: {  	_ =	swait.ge [sflag:s13], $0x2800  }
0x1a: {  	[sflag:s13] =	ssyncset.done $0x0  }
0x1b: {  	s31 =	simm.s32 $0x20;
	[sflag:s13] =	ssyncadd.s32 $0xFFFFD800  }
0x1c: {  	v1 =	vld [tilespmem:s31+$0xFFFFFFE0];
	_ =	sdelay $0x4  }
0x1d: {  	v1 =	vsub.s32 v1, v0  }
0x1e: {  	vm0 =	vlt.u32 v1, $0x1400  }
0x1f: {  	v1 =	vnsel vm0, $0x1478, v1  }
0x20: {  	[tilespmem:$0xA800] =	vst v1  }
0x21: {  	v1 =	vld [tilespmem:s31+$0xFFFFFFF0];
	_ =	sdelay $0x4  }
0x22: {  	v1 =	vsub.s32 v1, v0  }
0x23: {  	vm12 =	vlt.u32 v1, $0x1400  }
0x24: {  	v1 =	vnsel vm12, $0x1478, v1  }
0x25: {  	[tilespmem:$0xA810] =	vst v1  }
0x26: {  	v1 =	vld [tilespmem:s31+$0x0];
	_ =	sdelay $0x4  }
0x27: {  	v1 =	vsub.s32 v1, v0  }
0x28: {  	vm13 =	vlt.u32 v1, $0x1400  }
0x29: {  	v1 =	vnsel vm13, $0x1478, v1  }
0x2a: {  	[tilespmem:$0xA820] =	vst v1  }
0x2b: {  	v1 =	vld [tilespmem:s31+$0x10];
	_ =	sdelay $0x4  }
0x2c: {  	v1 =	vsub.s32 v1, v0  }
0x2d: {  	vm14 =	vlt.u32 v1, $0x1400  }
0x2e: {  	v1 =	vnsel vm14, $0x1478, v1  }
0x2f: {  	[tilespmem:$0xA830] =	vst v1  }
0x30: {  	v1 =	vld [tilespmem:s31+$0x20];
	_ =	sdelay $0x4  }
0x31: {  	v1 =	vsub.s32 v1, v0  }
0x32: {  	vm15 =	vlt.u32 v1, $0x1400  }
0x33: {  	v1 =	vnsel vm15, $0x1478, v1  }
0x34: {  	[tilespmem:$0xA840] =	vst v1  }
0x35: {  	[spmem:s2] =	stream.indirect.scatter.add.f32 [tilespmem:s12], [sflag:$0x2], $0x80, s15, s14, $0xb8;
	[tilespmem:$0x14C80] =	vst v63  }
0x36: {  	s18 =	simm.s32 $0x500;
	_ =	swait.ge [sflag:s9], $0x2800  }
0x37: {  	s20 =	simm.s32 $0xA00;
	s17 =	simm.s32 $0xA0;
	[sflag:s9] =	ssyncset.done $0x0  }
.LBB2_2:
0x38: {  	s21 =	sadd.s32 s18, s8  }
0x39: {  	[sflag:s9] =	ssyncadd.s32 $0xFFFFD800;
	s18 =	smov.u32 s20;
	s19 =	sadd.s32 $0x500, s20  }
0x3a: {  	[tilespmem:s12], [sflag:$0x1] =	stream.linear.gather [hbm4b:s21+s3], $0x2800, $0x38;
	[tilespmem:$0x14C80] =	vst v63  }
0x3b: {  	p0 =	sne.s32 s20, $0x4DD00;
	_ =	swait.ge [sflag:s13], $0x2800  }
0x3c: {  	[sflag:s13] =	ssyncset.done $0x0  }
0x3d: {  	[sflag:s13] =	ssyncadd.s32 $0xFFFFD800  }
0x3e: {  	v1 =	vld [tilespmem:s17+$0xFFFFFFE0];
	_ =	sdelay $0x4  }
0x3f: {  	v1 =	vsub.s32 v1, v0  }
0x40: {  	vm0 =	vlt.u32 v1, $0x1400  }
0x41: {  	v1 =	vnsel vm0, $0x1478, v1  }
0x42: {  	[tilespmem:$0xA800] =	vst v1  }
0x43: {  	v1 =	vld [tilespmem:s17+$0xFFFFFFF0];
	_ =	sdelay $0x4  }
0x44: {  	v1 =	vsub.s32 v1, v0  }
0x45: {  	vm0 =	vlt.u32 v1, $0x1400  }
0x46: {  	v1 =	vnsel vm0, $0x1478, v1  }
0x47: {  	[tilespmem:$0xA810] =	vst v1  }
0x48: {  	v1 =	vld [tilespmem:s17+$0x0];
	_ =	sdelay $0x4  }
0x49: {  	v1 =	vsub.s32 v1, v0  }
0x4a: {  	vm0 =	vlt.u32 v1, $0x1400  }
0x4b: {  	v1 =	vnsel vm0, $0x1478, v1  }
0x4c: {  	[tilespmem:$0xA820] =	vst v1  }
0x4d: {  	v1 =	vld [tilespmem:s17+$0x10];
	_ =	sdelay $0x4  }
0x4e: {  	v1 =	vsub.s32 v1, v0  }
0x4f: {  	vm0 =	vlt.u32 v1, $0x1400  }
0x50: {  	v1 =	vnsel vm0, $0x1478, v1  }
0x51: {  	[tilespmem:$0xA830] =	vst v1  }
0x52: {  	v1 =	vld [tilespmem:s17+$0x20];
	_ =	sdelay $0x4  }
0x53: {  	v1 =	vsub.s32 v1, v0  }
0x54: {  	vm0 =	vlt.u32 v1, $0x1400  }
.Ltmp0:
0x55: {  	v1 =	vnsel vm0, $0x1478, v1;
	(pc) =	sbr.rel @p0 .LBB2_2-.Ltmp0, $4  }
0x56: {  	[tilespmem:$0xA840] =	vst v1  }
0x57: {  	[spmem:s2] =	stream.indirect.scatter.add.f32 [tilespmem:s12], [sflag:$0x2], $0x80, s15, s14, $0xb8;
	[tilespmem:$0x14C80] =	vst v63  }
0x58: {  	_ =	swait.ge [sflag:s9], $0x2800  }
0x59: {  	s20 =	smov.u32 s19;
	s17 =	sadd.s32 $0x80, s17;
	[sflag:s9] =	ssyncset.done $0x0  }
0x5a: {  	s18 =	sadd.s32 s18, s8;
	[sflag:s9] =	ssyncadd.s32 $0xFFFFD800  }
0x5b: {  	[tilespmem:s12], [sflag:$0x1] =	stream.linear.gather [hbm4b:s18+s3], $0x2800, $0x38;
	[tilespmem:$0x14C80] =	vst v63  }
0x5c: {  	_ =	swait.ge [sflag:s13], $0x2800  }
0x5d: {  	[sflag:s13] =	ssyncset.done $0x0  }
0x5e: {  	[sflag:s13] =	ssyncadd.s32 $0xFFFFD800  }
0x5f: {  	v1 =	vld [tilespmem:s17+$0xFFFFFFE0];
	_ =	sdelay $0x4  }
0x60: {  	v1 =	vsub.s32 v1, v0  }
0x61: {  	vm0 =	vlt.u32 v1, $0x1400  }
0x62: {  	v1 =	vnsel vm0, $0x1478, v1  }
0x63: {  	[tilespmem:$0xA800] =	vst v1  }
0x64: {  	v1 =	vld [tilespmem:s17+$0xFFFFFFF0];
	_ =	sdelay $0x4  }
0x65: {  	v1 =	vsub.s32 v1, v0  }
0x66: {  	vm12 =	vlt.u32 v1, $0x1400  }
0x67: {  	v1 =	vnsel vm12, $0x1478, v1  }
0x68: {  	[tilespmem:$0xA810] =	vst v1  }
0x69: {  	v1 =	vld [tilespmem:s17+$0x0];
	_ =	sdelay $0x4  }
0x6a: {  	v1 =	vsub.s32 v1, v0  }
0x6b: {  	vm13 =	vlt.u32 v1, $0x1400  }
0x6c: {  	v1 =	vnsel vm13, $0x1478, v1  }
0x6d: {  	[tilespmem:$0xA820] =	vst v1  }
0x6e: {  	v1 =	vld [tilespmem:s17+$0x10];
	_ =	sdelay $0x4  }
0x6f: {  	v1 =	vsub.s32 v1, v0  }
0x70: {  	vm14 =	vlt.u32 v1, $0x1400  }
0x71: {  	v1 =	vnsel vm14, $0x1478, v1  }
0x72: {  	[tilespmem:$0xA830] =	vst v1  }
0x73: {  	v1 =	vld [tilespmem:s17+$0x20];
	_ =	sdelay $0x4  }
0x74: {  	v1 =	vsub.s32 v1, v0  }
0x75: {  	vm15 =	vlt.u32 v1, $0x1400  }
0x76: {  	v1 =	vnsel vm15, $0x1478, v1  }
0x77: {  	[tilespmem:$0xA840] =	vst v1  }
0x78: {  	[spmem:s2] =	stream.indirect.scatter.add.f32 [tilespmem:s12], [sflag:$0x2], $0x80, s15, s14, $0xb8;
	[tilespmem:$0x14C80] =	vst v63  }
0x79: {  	_ =	swait.ge [sflag:s9], $0x2800  }
0x7a: {  	s16 =	sadd.s32 $0x1, s16;
	[sflag:s9] =	ssyncset.done $0x0  }
0x7b: {  	p0 =	sne.s32 s16, s7;
	[sflag:s9] =	ssyncadd.s32 $0xFFFFD800  }
.Ltmp1:
0x7c: {  	[bflag:$0x0] =	sbarrier.arrive $0xFFFF;
	(pc) =	sbr.rel @p0 .LBB2_1-.Ltmp1, $4  }
0x7d: {  	[hbm:s6], [sflag:s10] =	dma.local [spmem:s11], $0x1480  }
0x7e: {  	_ =	swait.ge [sflag:s9], $0x1480  }
0x7f: {  	[sflag:s9] =	ssyncset.done $0x0  }
0x80: {  	[sflag:s9] =	ssyncadd.s32 $0xFFFFEB80  }
0x81: {  	_ =	sfence.sel $0x180000  }
0x82: {  	[bflag:$0x0] =	sbarrier.arrive $0xFFFF  }
0x83: {  	p0 =	sne.s32 s0, $0x0;
	_ =	strace $0x90000050  }
0x84: {  	s0 =	sadd.s32 @!p0 $0x100000, s1;
	[bflag:$0x2] =	sbarrier.arrive $0xFFFF  }
0x85: {  	[sflag:s0] =	ssyncadd.tile.s32 @!p0 $0x1;
	_ =	shalt  }
.Lfunc_end2:
_tile_overlayer_lowered:
.L_overlay_start_2:
0x86: {  	(tag) =	ssettag $0x2  }
0x87: {  	s0 =	rddreg [dreg:$0x0];
	s2 =	stileid.u32  }
0x88: {  	s1 =	rddreg [dreg:$0x1];
	p0 =	sne.s32 s2, $0x0  }
0x89: {  	s3 =	rddreg [dreg:$0x2];
	[bflag:$0x3] =	sbarrier.arrive $0xFFFF;
	s2 =	simm.s32 @!p0 $0x1C02  }
0x8a: {  	[timem:s3], [sflag:s2] =	dma.local @!p0 [hbm:s0], s1  }
0x8b: {  	s0 =	simm.s32 @!p0 $0x2  }
0x8c: {  	_ =	swait.ge @!p0 [sflag:s0], s1  }
0x8d: {  	s1 =	ssub.s32 @!p0 $0x0, s1;
	[sflag:s0] =	ssyncset.done @!p0 $0x0  }
0x8e: {  	[sflag:s0] =	ssyncadd.s32 @!p0 s1  }
0x8f: {  	[bflag:$0x3] =	sbarrier.arrive $0xFFFF  }
0x90: {  	_ =	shalt  }

</sc_bundles>
